<compile_context>
chip_gen: v7x
topology: tpu7x:2x2x1
jax: 0.10.2.dev20260603
libtpu: 0.0.44.dev20260713+nightly
codegen_flags: <defaults>
</compile_context>

<pallas_src>
import jax
import jax.numpy as jnp
from jax import lax
from jax.experimental import pallas as pl
from jax.experimental.pallas import tpu as pltpu
from jax.experimental.pallas import tpu_sc as plsc

N = 10000
E = 320000
NP = 10240
EP = 327680
CH = 128
NCH = EP // CH
NTILES = 16
CPT = NCH // NTILES
RPT = NP // NTILES

SROWS = 2560
ROWS = 2000

IBLK = 32
NIBLK = CPT // IBLK
UNR = 8

DBLK = 16
DNBLK = CPT // DBLK



def _rs(d):
    return lax.rsqrt(jnp.where(d > 0, d, 1.0))


def _b1_body(x_ref, w_ref, b_ref, dego_ref, sa_ref, sb_ref):
    s = jnp.dot(x_ref[...], w_ref[...], preferred_element_type=jnp.float32)
    s = (s + b_ref[...]) * _rs(dego_ref[...])
    sa_ref[...] = s[:, :128]
    sb_ref[...] = s[:, 128:]


def _b2_body(oa_ref, ob_ref, degi_ref, dego_ref, w_ref, b_ref, sa_ref, sb_ref):
    o = jnp.concatenate([oa_ref[...], ob_ref[...]], axis=1)
    h = jax.nn.relu(o * _rs(degi_ref[...]))
    s = jnp.dot(h, w_ref[...], preferred_element_type=jnp.float32)
    s = (s + b_ref[...]) * _rs(dego_ref[...])
    sa_ref[...] = s[:, :128]
    sb_ref[...] = s[:, 128:]


def _b3_body(oa_ref, ob_ref, degi_ref, w_ref, b_ref, out_ref):
    o = jnp.concatenate([oa_ref[...], ob_ref[...]], axis=1)
    h = jax.nn.relu(o * _rs(degi_ref[...]))
    out_ref[...] = jnp.dot(h, w_ref[...], preferred_element_type=jnp.float32) + b_ref[...]


def _blk_spec(rows, cols):
    return pl.BlockSpec((rows, cols), lambda i: (i, 0))


def _full_spec(r, c):
    return pl.BlockSpec((r, c), lambda i: (0, 0))


def _stage1(x, W0, b0, deg_out):
    return pl.pallas_call(
        _b1_body,
        grid=(NP // SROWS,),
        in_specs=[_blk_spec(SROWS, 128), _full_spec(128, 256),
                  _full_spec(1, 256), _blk_spec(SROWS, 1)],
        out_specs=[_blk_spec(SROWS, 128), _blk_spec(SROWS, 128)],
        out_shape=[jax.ShapeDtypeStruct((NP, 128), jnp.float32)] * 2,
    )(x, W0, b0.reshape(1, -1), deg_out)


def _stage2(oa, ob, deg_in, deg_out, W1, b1):
    return pl.pallas_call(
        _b2_body,
        grid=(NP // SROWS,),
        in_specs=[_blk_spec(SROWS, 128), _blk_spec(SROWS, 128),
                  _blk_spec(SROWS, 1), _blk_spec(SROWS, 1),
                  _full_spec(256, 256), _full_spec(1, 256)],
        out_specs=[_blk_spec(SROWS, 128), _blk_spec(SROWS, 128)],
        out_shape=[jax.ShapeDtypeStruct((NP, 128), jnp.float32)] * 2,
    )(oa, ob, deg_in, deg_out, W1, b1.reshape(1, -1))


def _stage3(oa, ob, deg_in, Wl, bl):
    nc = Wl.shape[1]
    return pl.pallas_call(
        _b3_body,
        grid=(N // ROWS,),
        in_specs=[_blk_spec(ROWS, 128), _blk_spec(ROWS, 128),
                  _blk_spec(ROWS, 1), _full_spec(256, nc), _full_spec(1, nc)],
        out_specs=_blk_spec(ROWS, nc),
        out_shape=jax.ShapeDtypeStruct((N, nc), jnp.float32),
    )(oa, ob, deg_in, Wl, bl.reshape(1, -1))



_MESH = dict(core_axis_name="c", subcore_axis_name="s")


def _tile_zero(s, zeros_hbm, acc_sh):
    sl = pl.ds(s * RPT, RPT)
    pltpu.sync_copy(zeros_hbm.at[sl], acc_sh.at[sl])


def _fill_ones(ones_v):
    for k in range(CH // 16):
        ones_v[pl.ds(k * 16, 16)] = jnp.ones((16,), jnp.float32)


def _deg_kernel(src2d, dst2d, zeros_hbm, dego_hbm, degi_hbm,
                idx_v, ones_v, acc_sh, ssem):
    c = lax.axis_index("c")
    s = lax.axis_index("s")
    _fill_ones(ones_v)

    def run(idx2d, out_hbm):
        _tile_zero(s, zeros_hbm, acc_sh)
        plsc.subcore_barrier()

        def block(bi, carry):
            cb = (s * DNBLK + bi) * DBLK
            pltpu.sync_copy(idx2d.at[pl.ds(cb, DBLK)], idx_v)
            descs = [
                pltpu.async_copy(ones_v, acc_sh.at[idx_v.at[j]], ssem,
                                 add=True)
                for j in range(DBLK)
            ]
            for d in descs:
                d.wait()
            return carry
        lax.fori_loop(0, DNBLK, block, 0)
        plsc.subcore_barrier()
        sl = pl.ds(s * RPT, RPT)
        pltpu.sync_copy(acc_sh.at[sl], out_hbm.at[sl])

    @pl.when(c == 0)
    def _():
        run(src2d, dego_hbm)

    @pl.when(c == 1)
    def _():
        run(dst2d, degi_hbm)


def _degrees(src2d, dst2d):
    zeros = jnp.zeros((NP,), jnp.float32)
    return pl.kernel(
        _deg_kernel,
        out_type=[jax.ShapeDtypeStruct((NP,), jnp.float32)] * 2,
        mesh=plsc.VectorSubcoreMesh(**_MESH),
        scratch_types=[
            pltpu.VMEM((DBLK, CH), jnp.int32),
            pltpu.VMEM((CH,), jnp.float32),
            pltpu.VMEM_SHARED((NP,), jnp.float32),
            pltpu.SemaphoreType.DMA,
        ],
    )(src2d, dst2d, zeros)


def _spmm_kernel(src2d, dst2d, sup_a, sup_b, zeros_hbm, oa_hbm, ob_hbm,
                 srcB, dstB, r0, r1, acc_sh, gsem, ssem):
    c = lax.axis_index("c")
    s = lax.axis_index("s")
    rows = (r0, r1)

    def run(sup_hbm, out_hbm):
        _tile_zero(s, zeros_hbm, acc_sh)
        plsc.subcore_barrier()

        def block(bi, carry):
            cb = (s * NIBLK + bi) * IBLK
            ia = pltpu.async_copy(src2d.at[pl.ds(cb, IBLK)], srcB, gsem)
            ib = pltpu.async_copy(dst2d.at[pl.ds(cb, IBLK)], dstB, gsem)
            ia.wait()
            ib.wait()

            def step(ji, c2):
                j0 = ji * UNR
                scats = [None, None]
                g = pltpu.async_copy(sup_hbm.at[srcB.at[j0]], rows[0], gsem)
                for j in range(UNR):
                    g.wait()
                    if j + 1 < UNR:
                        nb = (j + 1) % 2
                        if scats[nb] is not None:
                            scats[nb].wait()
                        g = pltpu.async_copy(sup_hbm.at[srcB.at[j0 + j + 1]],
                                             rows[nb], gsem)
                    scats[j % 2] = pltpu.async_copy(
                        rows[j % 2], acc_sh.at[dstB.at[j0 + j]], ssem,
                        add=True)
                for d in scats:
                    d.wait()
                return c2
            lax.fori_loop(0, IBLK // UNR, step, 0)
            return carry
        lax.fori_loop(0, NIBLK, block, 0)
        plsc.subcore_barrier()
        sl = pl.ds(s * RPT, RPT)
        pltpu.sync_copy(acc_sh.at[sl], out_hbm.at[sl])

    @pl.when(c == 0)
    def _():
        run(sup_a, oa_hbm)

    @pl.when(c == 1)
    def _():
        run(sup_b, ob_hbm)


def _spmm(src2d, dst2d, sup_a, sup_b):
    zeros = jnp.zeros((NP, 128), jnp.float32)
    return pl.kernel(
        _spmm_kernel,
        out_type=[jax.ShapeDtypeStruct((NP, 128), jnp.float32)] * 2,
        mesh=plsc.VectorSubcoreMesh(**_MESH),
        scratch_types=[
            pltpu.VMEM((IBLK, CH), jnp.int32),
            pltpu.VMEM((IBLK, CH), jnp.int32),
            pltpu.VMEM((CH, 128), jnp.float32),
            pltpu.VMEM((CH, 128), jnp.float32),
            pltpu.VMEM_SHARED((NP, 128), jnp.float32),
            pltpu.SemaphoreType.DMA,
            pltpu.SemaphoreType.DMA,
        ],
    )(src2d, dst2d, sup_a, sup_b, zeros)



def kernel(x, adj, W0, b0, W1, b1, Wl, bl):
    pad = EP - E
    pad_idx = N + (jnp.arange(pad, dtype=jnp.int32) % (NP - N))
    src2d = jnp.concatenate([adj[0], pad_idx]).reshape(NCH, CH)
    dst2d = jnp.concatenate([adj[1], pad_idx]).reshape(NCH, CH)

    deg_out, deg_in = _degrees(src2d, dst2d)
    dego = deg_out.reshape(NP, 1)
    degi = deg_in.reshape(NP, 1)
    sa, sb = _stage1(x, W0, b0, dego)

    limit = 2 - (adj[0, 0] >> 31)

    def cond(state):
        return state[0] < limit

    def body(state):
        i, sa_c, sb_c, _, _ = state
        oa, ob = _spmm(src2d, dst2d, sa_c, sb_c)
        sa_n, sb_n = lax.cond(
            i < 1,
            lambda: _stage2(oa, ob, degi, dego, W1, b1),
            lambda: (sa_c, sb_c))
        return (i + 1, sa_n, sb_n, oa, ob)

    z = jnp.zeros((NP, 128), jnp.float32)
    _, _, _, oa, ob = lax.while_loop(cond, body, (jnp.int32(0), sa, sb, z, z))
    return _stage3(oa, ob, degi, Wl, bl)

# --- scband reference (transcript-rebuilt; emitter-appended) ---
"""Pipeline reference for scband-gcn-15195594293928 (READ-ONLY COPY).

The authoritative reference and input builder live on the scoring server;
editing this copy changes nothing except your own understanding.
"""

import jax, jax.numpy as jnp
import numpy as np

N = 10000
E = 320000
D_IN = 128
D_HID = 256
N_CLASSES = 40

def setup_inputs(seed: int = 0):
    key = jax.random.key(seed)
    ks = jax.random.split(key, 8)
    x = jax.random.normal(ks[0], (N, D_IN), dtype=jnp.float32)
    adj = jax.random.randint(ks[1], (2, E), 0, N, dtype=jnp.int32)
    s0 = 1.0 / np.sqrt(D_IN)
    W0 = jax.random.uniform(ks[2], (D_IN, D_HID), jnp.float32, -s0, s0)
    b0 = jnp.zeros((D_HID,), jnp.float32)
    s1 = 1.0 / np.sqrt(D_HID)
    W1 = jax.random.uniform(ks[3], (D_HID, D_HID), jnp.float32, -s1, s1)
    b1 = jnp.zeros((D_HID,), jnp.float32)
    Wl = jax.random.uniform(ks[4], (D_HID, N_CLASSES), jnp.float32, -s1, s1)
    bl = jnp.zeros((N_CLASSES,), jnp.float32)
    return {"x": x, "adj": adj, "W0": W0, "b0": b0, "W1": W1, "b1": b1, "Wl": Wl, "bl": bl}

def _edge_norm(adj):
    # symmetric degree normalization of the sparse adjacency (GCN-style spmm weights)
    src, dst = adj[0], adj[1]
    ones = jnp.ones((adj.shape[1],), jnp.float32)
    deg_in = jnp.zeros((N,), jnp.float32).at[dst].add(ones)
    deg_out = jnp.zeros((N,), jnp.float32).at[src].add(ones)
    di = jnp.where(deg_in > 0, deg_in, 1.0)
    do = jnp.where(deg_out > 0, deg_out, 1.0)
    return (1.0 / jnp.sqrt(do))[src] * (1.0 / jnp.sqrt(di))[dst]

def _graph_conv(x, adj, w_edge, W, b):
    # GraphConv: out = adj_norm @ (x W + b)  (spmm via gather + scatter-add)
    support = x @ W + b
    msgs = support[adj[0]] * w_edge[:, None]
    return jnp.zeros((x.shape[0], W.shape[1]), x.dtype).at[adj[1]].add(msgs)

def reference(x, adj, W0, b0, W1, b1, Wl, bl):
    w_edge = _edge_norm(adj)
    h = jax.nn.relu(_graph_conv(x, adj, w_edge, W0, b0))
    # dropout is identity in eval mode
    h = jax.nn.relu(_graph_conv(h, adj, w_edge, W1, b1))
    return h @ Wl + bl

if __name__ == "__main__":
    import jax
    _d = setup_inputs()
    print(jax.jit(kernel)(*tuple(_d.values())))

</pallas_src>

<mosaic_0001>
#map = affine_map<(d0, d1) -> (0, 0)>
#map1 = affine_map<(d0, d1) -> (0)>
module attributes {stable_mosaic.version = 14 : i64} {
  func.func @_deg_kernel(%arg0: i32, %arg1: i32, %arg2: memref<2560x128xi32, #tpu.memory_space<hbm>>, %arg3: memref<2560x128xi32, #tpu.memory_space<hbm>>, %arg4: memref<10240xf32, #tpu.memory_space<hbm>>, %arg5: memref<10240xf32, #tpu.memory_space<hbm>>, %arg6: memref<10240xf32, #tpu.memory_space<hbm>>, %arg7: memref<16x128xi32, #tpu.memory_space<vmem>>, %arg8: memref<128xf32, #tpu.memory_space<vmem>>, %arg9: memref<10240xf32, #tpu.memory_space<vmem_shared>>, %arg10: memref<!tpu.dma_semaphore, #tpu.memory_space<semaphore_mem>>) attributes {dimension_semantics = [#tpu.dimension_semantics<core_parallel>, #tpu.dimension_semantics<subcore_parallel>], iteration_bounds = array<i64: 2, 16>, scalar_prefetch = 0 : i64, scratch_operands = 4 : i64, tpu.core_type = #tpu.core_type<sc_vector_subcore>, window_params = [{transform_indices = #map}, {transform_indices = #map}, {transform_indices = #map1}, {transform_indices = #map1}, {transform_indices = #map1}]} {
    %broadcast_in_dim3A = arith.constant 1.000000e+00 : f32
    %broadcast_in_dim3A_0 = vector.broadcast %broadcast_in_dim3A : f32 to vector<16xf32>
    %swap3A = arith.constant 0 : index
    %swap3A_1 = tpu.vector_load %arg8[%swap3A] {strides = array<i32>} : memref<128xf32, #tpu.memory_space<vmem>>, vector<16xf32>,
    %swap3A_2 = vector.shape_cast %swap3A_1 : vector<16xf32> to vector<16xf32>
    %swap3A_3 = vector.shape_cast %broadcast_in_dim3A_0 : vector<16xf32> to vector<16xf32>
    tpu.vector_store %arg8[%swap3A], %swap3A_3 {strides = array<i32>} : memref<128xf32, #tpu.memory_space<vmem>>, vector<16xf32>,
    %broadcast_in_dim3A_4 = arith.constant 1.000000e+00 : f32
    %broadcast_in_dim3A_5 = vector.broadcast %broadcast_in_dim3A_4 : f32 to vector<16xf32>
    %swap3A_6 = arith.constant 16 : index
    %swap3A_7 = tpu.vector_load %arg8[%swap3A_6] {strides = array<i32>} : memref<128xf32, #tpu.memory_space<vmem>>, vector<16xf32>,
    %swap3A_8 = vector.shape_cast %swap3A_7 : vector<16xf32> to vector<16xf32>
    %swap3A_9 = vector.shape_cast %broadcast_in_dim3A_5 : vector<16xf32> to vector<16xf32>
    tpu.vector_store %arg8[%swap3A_6], %swap3A_9 {strides = array<i32>} : memref<128xf32, #tpu.memory_space<vmem>>, vector<16xf32>,
    %broadcast_in_dim3A_10 = arith.constant 1.000000e+00 : f32
    %broadcast_in_dim3A_11 = vector.broadcast %broadcast_in_dim3A_10 : f32 to vector<16xf32>
    %swap3A_12 = arith.constant 32 : index
    %swap3A_13 = tpu.vector_load %arg8[%swap3A_12] {strides = array<i32>} : memref<128xf32, #tpu.memory_space<vmem>>, vector<16xf32>,
    %swap3A_14 = vector.shape_cast %swap3A_13 : vector<16xf32> to vector<16xf32>
    %swap3A_15 = vector.shape_cast %broadcast_in_dim3A_11 : vector<16xf32> to vector<16xf32>
    tpu.vector_store %arg8[%swap3A_12], %swap3A_15 {strides = array<i32>} : memref<128xf32, #tpu.memory_space<vmem>>, vector<16xf32>,
    %broadcast_in_dim3A_16 = arith.constant 1.000000e+00 : f32
    %broadcast_in_dim3A_17 = vector.broadcast %broadcast_in_dim3A_16 : f32 to vector<16xf32>
    %swap3A_18 = arith.constant 48 : index
    %swap3A_19 = tpu.vector_load %arg8[%swap3A_18] {strides = array<i32>} : memref<128xf32, #tpu.memory_space<vmem>>, vector<16xf32>,
    %swap3A_20 = vector.shape_cast %swap3A_19 : vector<16xf32> to vector<16xf32>
    %swap3A_21 = vector.shape_cast %broadcast_in_dim3A_17 : vector<16xf32> to vector<16xf32>
    tpu.vector_store %arg8[%swap3A_18], %swap3A_21 {strides = array<i32>} : memref<128xf32, #tpu.memory_space<vmem>>, vector<16xf32>,
    %broadcast_in_dim3A_22 = arith.constant 1.000000e+00 : f32
    %broadcast_in_dim3A_23 = vector.broadcast %broadcast_in_dim3A_22 : f32 to vector<16xf32>
    %swap3A_24 = arith.constant 64 : index
    %swap3A_25 = tpu.vector_load %arg8[%swap3A_24] {strides = array<i32>} : memref<128xf32, #tpu.memory_space<vmem>>, vector<16xf32>,
    %swap3A_26 = vector.shape_cast %swap3A_25 : vector<16xf32> to vector<16xf32>
    %swap3A_27 = vector.shape_cast %broadcast_in_dim3A_23 : vector<16xf32> to vector<16xf32>
    tpu.vector_store %arg8[%swap3A_24], %swap3A_27 {strides = array<i32>} : memref<128xf32, #tpu.memory_space<vmem>>, vector<16xf32>,
    %broadcast_in_dim3A_28 = arith.constant 1.000000e+00 : f32
    %broadcast_in_dim3A_29 = vector.broadcast %broadcast_in_dim3A_28 : f32 to vector<16xf32>
    %swap3A_30 = arith.constant 80 : index
    %swap3A_31 = tpu.vector_load %arg8[%swap3A_30] {strides = array<i32>} : memref<128xf32, #tpu.memory_space<vmem>>, vector<16xf32>,
    %swap3A_32 = vector.shape_cast %swap3A_31 : vector<16xf32> to vector<16xf32>
    %swap3A_33 = vector.shape_cast %broadcast_in_dim3A_29 : vector<16xf32> to vector<16xf32>
    tpu.vector_store %arg8[%swap3A_30], %swap3A_33 {strides = array<i32>} : memref<128xf32, #tpu.memory_space<vmem>>, vector<16xf32>,
    %broadcast_in_dim3A_34 = arith.constant 1.000000e+00 : f32
    %broadcast_in_dim3A_35 = vector.broadcast %broadcast_in_dim3A_34 : f32 to vector<16xf32>
    %swap3A_36 = arith.constant 96 : index
    %swap3A_37 = tpu.vector_load %arg8[%swap3A_36] {strides = array<i32>} : memref<128xf32, #tpu.memory_space<vmem>>, vector<16xf32>,
    %swap3A_38 = vector.shape_cast %swap3A_37 : vector<16xf32> to vector<16xf32>
    %swap3A_39 = vector.shape_cast %broadcast_in_dim3A_35 : vector<16xf32> to vector<16xf32>
    tpu.vector_store %arg8[%swap3A_36], %swap3A_39 {strides = array<i32>} : memref<128xf32, #tpu.memory_space<vmem>>, vector<16xf32>,
    %broadcast_in_dim3A_40 = arith.constant 1.000000e+00 : f32
    %broadcast_in_dim3A_41 = vector.broadcast %broadcast_in_dim3A_40 : f32 to vector<16xf32>
    %swap3A_42 = arith.constant 112 : index
    %swap3A_43 = tpu.vector_load %arg8[%swap3A_42] {strides = array<i32>} : memref<128xf32, #tpu.memory_space<vmem>>, vector<16xf32>,
    %swap3A_44 = vector.shape_cast %swap3A_43 : vector<16xf32> to vector<16xf32>
    %swap3A_45 = vector.shape_cast %broadcast_in_dim3A_41 : vector<16xf32> to vector<16xf32>
    tpu.vector_store %arg8[%swap3A_42], %swap3A_45 {strides = array<i32>} : memref<128xf32, #tpu.memory_space<vmem>>, vector<16xf32>,
    %eq3A = arith.constant 0 : i32
    %eq3A_46 = arith.cmpi eq, %arg0, %eq3A : i32
    %convert_element_type3A = arith.extui %eq3A_46 : i1 to i32
    %cond3A = arith.constant 0 : i32
    %cond3A_47 = arith.cmpi ne, %convert_element_type3A, %cond3A : i32
    scf.if %cond3A_47 {
      %mul3A = arith.constant 640 : i32
      %mul3A_53 = arith.muli %arg1, %mul3A : i32
      "tpu.region"() ({
        %run_scoped3A = tpu.sem_alloc : memref<!tpu.dma_semaphore, #tpu.memory_space<semaphore_mem>>
        %dma_start3A = tpu.memref_slice %arg9[%mul3A_53] : memref<10240xf32, #tpu.memory_space<vmem_shared>> -> memref<640xf32, #tpu.memory_space<vmem_shared>>
        %dma_start3A_62 = tpu.memref_slice %arg4[%mul3A_53] : memref<10240xf32, #tpu.memory_space<hbm>> -> memref<640xf32, #tpu.memory_space<hbm>>
        tpu.enqueue_dma source(%dma_start3A_62 : memref<640xf32, #tpu.memory_space<hbm>>) target(%dma_start3A : memref<640xf32, #tpu.memory_space<vmem_shared>>) target_semaphore(%run_scoped3A : memref<!tpu.dma_semaphore, #tpu.memory_space<semaphore_mem>>)
        %dma_wait3A = tpu.memref_slice %arg9[%mul3A_53] : memref<10240xf32, #tpu.memory_space<vmem_shared>> -> memref<640xf32, #tpu.memory_space<vmem_shared>>
        %dma_wait3A_63 = tpu.memref_slice %arg4[%mul3A_53] : memref<10240xf32, #tpu.memory_space<hbm>> -> memref<640xf32, #tpu.memory_space<hbm>>
        tpu.wait_dma2 semaphore(%run_scoped3A : memref<!tpu.dma_semaphore, #tpu.memory_space<semaphore_mem>>) src(%dma_wait3A_63 : memref<640xf32, #tpu.memory_space<hbm>>) dst(%dma_wait3A : memref<640xf32, #tpu.memory_space<vmem_shared>>)
        tpu.yield
      }) : () -> ()
      %barrier3A = arith.constant 0 : index
      tpu.barrier barrier_id(%barrier3A)
      %scan3A = arith.constant 0 : i32
      %scan3A_54 = arith.constant 0 : i32
      %scan3A_55 = arith.constant 10 : i32
      %scan3A_56 = arith.addi %scan3A_54, %scan3A_55 : i32
      %scan3A_57 = arith.constant 1 : i32
      scf.for %scan3A_62 = %scan3A_54 to %scan3A_56 step %scan3A_57  : i32 {
        %mul3A_63 = arith.constant 10 : i32
        %mul3A_64 = arith.muli %arg1, %mul3A_63 : i32
        %add3A = arith.addi %mul3A_64, %scan3A_62 : i32
        %mul3A_65 = arith.constant 16 : i32
        %mul3A_66 = arith.muli %add3A, %mul3A_65 : i32
        "tpu.region"() ({
          %run_scoped3A = tpu.sem_alloc : memref<!tpu.dma_semaphore, #tpu.memory_space<semaphore_mem>>
          %dma_start3A_257 = arith.constant 0 : i32
          %dma_start3A_258 = tpu.memref_slice %arg2[%mul3A_66, %dma_start3A_257] : memref<2560x128xi32, #tpu.memory_space<hbm>> -> memref<16x128xi32, #tpu.memory_space<hbm>>
          %dma_start3A_259 = arith.constant 0 : i32
          %dma_start3A_260 = tpu.memref_slice %arg2[%mul3A_66, %dma_start3A_259] : memref<2560x128xi32, #tpu.memory_space<hbm>> -> memref<16x128xi32, #tpu.memory_space<hbm>>
          tpu.enqueue_dma source(%dma_start3A_260 : memref<16x128xi32, #tpu.memory_space<hbm>>) target(%arg7 : memref<16x128xi32, #tpu.memory_space<vmem>>) target_semaphore(%run_scoped3A : memref<!tpu.dma_semaphore, #tpu.memory_space<semaphore_mem>>)
          %dma_wait3A_261 = arith.constant 0 : i32
          %dma_wait3A_262 = tpu.memref_slice %arg2[%mul3A_66, %dma_wait3A_261] : memref<2560x128xi32, #tpu.memory_space<hbm>> -> memref<16x128xi32, #tpu.memory_space<hbm>>
          %dma_wait3A_263 = arith.constant 0 : i32
          %dma_wait3A_264 = tpu.memref_slice %arg2[%mul3A_66, %dma_wait3A_263] : memref<2560x128xi32, #tpu.memory_space<hbm>> -> memref<16x128xi32, #tpu.memory_space<hbm>>
          tpu.wait_dma2 semaphore(%run_scoped3A : memref<!tpu.dma_semaphore, #tpu.memory_space<semaphore_mem>>) src(%dma_wait3A_264 : memref<16x128xi32, #tpu.memory_space<hbm>>) dst(%arg7 : memref<16x128xi32, #tpu.memory_space<vmem>>)
          tpu.yield
        }) : () -> ()
        %dma_start3A = arith.constant 0 : i32
        %dma_start3A_67 = arith.constant 0 : i32
        %dma_start3A_68 = tpu.memref_slice %arg7[%dma_start3A, %dma_start3A_67] : memref<16x128xi32, #tpu.memory_space<vmem>> -> memref<1x128xi32, #tpu.memory_space<vmem>>
        %dma_start3A_69 = tpu.memref_squeeze %dma_start3A_68 : memref<1x128xi32, #tpu.memory_space<vmem>> -> memref<128xi32, #tpu.memory_space<vmem>>
        %dma_start3A_70 = arith.constant 0 : i32
        %dma_start3A_71 = tpu.memref_slice %arg9[%dma_start3A_70] : memref<10240xf32, #tpu.memory_space<vmem_shared>> -> memref<10240xf32, #tpu.memory_space<vmem_shared>>
        tpu.enqueue_indirect_dma source(%arg8 : memref<128xf32, #tpu.memory_space<vmem>>) target(%dma_start3A_71 : memref<10240xf32, #tpu.memory_space<vmem_shared>>) offsets(%dma_start3A_69 : memref<128xi32, #tpu.memory_space<vmem>>) semaphore(%arg10 : memref<!tpu.dma_semaphore, #tpu.memory_space<semaphore_mem>>) {add = true}
        %dma_start3A_72 = arith.constant 1 : i32
        %dma_start3A_73 = arith.constant 0 : i32
        %dma_start3A_74 = tpu.memref_slice %arg7[%dma_start3A_72, %dma_start3A_73] : memref<16x128xi32, #tpu.memory_space<vmem>> -> memref<1x128xi32, #tpu.memory_space<vmem>>
        %dma_start3A_75 = tpu.memref_squeeze %dma_start3A_74 : memref<1x128xi32, #tpu.memory_space<vmem>> -> memref<128xi32, #tpu.memory_space<vmem>>
        %dma_start3A_76 = arith.constant 0 : i32
        %dma_start3A_77 = tpu.memref_slice %arg9[%dma_start3A_76] : memref<10240xf32, #tpu.memory_space<vmem_shared>> -> memref<10240xf32, #tpu.memory_space<vmem_shared>>
        tpu.enqueue_indirect_dma source(%arg8 : memref<128xf32, #tpu.memory_space<vmem>>) target(%dma_start3A_77 : memref<10240xf32, #tpu.memory_space<vmem_shared>>) offsets(%dma_start3A_75 : memref<128xi32, #tpu.memory_space<vmem>>) semaphore(%arg10 : memref<!tpu.dma_semaphore, #tpu.memory_space<semaphore_mem>>) {add = true}
        %dma_start3A_78 = arith.constant 2 : i32
        %dma_start3A_79 = arith.constant 0 : i32
        %dma_start3A_80 = tpu.memref_slice %arg7[%dma_start3A_78, %dma_start3A_79] : memref<16x128xi32, #tpu.memory_space<vmem>> -> memref<1x128xi32, #tpu.memory_space<vmem>>
        %dma_start3A_81 = tpu.memref_squeeze %dma_start3A_80 : memref<1x128xi32, #tpu.memory_space<vmem>> -> memref<128xi32, #tpu.memory_space<vmem>>
        %dma_start3A_82 = arith.constant 0 : i32
        %dma_start3A_83 = tpu.memref_slice %arg9[%dma_start3A_82] : memref<10240xf32, #tpu.memory_space<vmem_shared>> -> memref<10240xf32, #tpu.memory_space<vmem_shared>>
        tpu.enqueue_indirect_dma source(%arg8 : memref<128xf32, #tpu.memory_space<vmem>>) target(%dma_start3A_83 : memref<10240xf32, #tpu.memory_space<vmem_shared>>) offsets(%dma_start3A_81 : memref<128xi32, #tpu.memory_space<vmem>>) semaphore(%arg10 : memref<!tpu.dma_semaphore, #tpu.memory_space<semaphore_mem>>) {add = true}
        %dma_start3A_84 = arith.constant 3 : i32
        %dma_start3A_85 = arith.constant 0 : i32
        %dma_start3A_86 = tpu.memref_slice %arg7[%dma_start3A_84, %dma_start3A_85] : memref<16x128xi32, #tpu.memory_space<vmem>> -> memref<1x128xi32, #tpu.memory_space<vmem>>
        %dma_start3A_87 = tpu.memref_squeeze %dma_start3A_86 : memref<1x128xi32, #tpu.memory_space<vmem>> -> memref<128xi32, #tpu.memory_space<vmem>>
        %dma_start3A_88 = arith.constant 0 : i32
        %dma_start3A_89 = tpu.memref_slice %arg9[%dma_start3A_88] : memref<10240xf32, #tpu.memory_space<vmem_shared>> -> memref<10240xf32, #tpu.memory_space<vmem_shared>>
        tpu.enqueue_indirect_dma source(%arg8 : memref<128xf32, #tpu.memory_space<vmem>>) target(%dma_start3A_89 : memref<10240xf32, #tpu.memory_space<vmem_shared>>) offsets(%dma_start3A_87 : memref<128xi32, #tpu.memory_space<vmem>>) semaphore(%arg10 : memref<!tpu.dma_semaphore, #tpu.memory_space<semaphore_mem>>) {add = true}
        %dma_start3A_90 = arith.constant 4 : i32
        %dma_start3A_91 = arith.constant 0 : i32
        %dma_start3A_92 = tpu.memref_slice %arg7[%dma_start3A_90, %dma_start3A_91] : memref<16x128xi32, #tpu.memory_space<vmem>> -> memref<1x128xi32, #tpu.memory_space<vmem>>
        %dma_start3A_93 = tpu.memref_squeeze %dma_start3A_92 : memref<1x128xi32, #tpu.memory_space<vmem>> -> memref<128xi32, #tpu.memory_space<vmem>>
        %dma_start3A_94 = arith.constant 0 : i32
        %dma_start3A_95 = tpu.memref_slice %arg9[%dma_start3A_94] : memref<10240xf32, #tpu.memory_space<vmem_shared>> -> memref<10240xf32, #tpu.memory_space<vmem_shared>>
        tpu.enqueue_indirect_dma source(%arg8 : memref<128xf32, #tpu.memory_space<vmem>>) target(%dma_start3A_95 : memref<10240xf32, #tpu.memory_space<vmem_shared>>) offsets(%dma_start3A_93 : memref<128xi32, #tpu.memory_space<vmem>>) semaphore(%arg10 : memref<!tpu.dma_semaphore, #tpu.memory_space<semaphore_mem>>) {add = true}
        %dma_start3A_96 = arith.constant 5 : i32
        %dma_start3A_97 = arith.constant 0 : i32
        %dma_start3A_98 = tpu.memref_slice %arg7[%dma_start3A_96, %dma_start3A_97] : memref<16x128xi32, #tpu.memory_space<vmem>> -> memref<1x128xi32, #tpu.memory_space<vmem>>
        %dma_start3A_99 = tpu.memref_squeeze %dma_start3A_98 : memref<1x128xi32, #tpu.memory_space<vmem>> -> memref<128xi32, #tpu.memory_space<vmem>>
        %dma_start3A_100 = arith.constant 0 : i32
        %dma_start3A_101 = tpu.memref_slice %arg9[%dma_start3A_100] : memref<10240xf32, #tpu.memory_space<vmem_shared>> -> memref<10240xf32, #tpu.memory_space<vmem_shared>>
        tpu.enqueue_indirect_dma source(%arg8 : memref<128xf32, #tpu.memory_space<vmem>>) target(%dma_start3A_101 : memref<10240xf32, #tpu.memory_space<vmem_shared>>) offsets(%dma_start3A_99 : memref<128xi32, #tpu.memory_space<vmem>>) semaphore(%arg10 : memref<!tpu.dma_semaphore, #tpu.memory_space<semaphore_mem>>) {add = true}
        %dma_start3A_102 = arith.constant 6 : i32
        %dma_start3A_103 = arith.constant 0 : i32
        %dma_start3A_104 = tpu.memref_slice %arg7[%dma_start3A_102, %dma_start3A_103] : memref<16x128xi32, #tpu.memory_space<vmem>> -> memref<1x128xi32, #tpu.memory_space<vmem>>
        %dma_start3A_105 = tpu.memref_squeeze %dma_start3A_104 : memref<1x128xi32, #tpu.memory_space<vmem>> -> memref<128xi32, #tpu.memory_space<vmem>>
        %dma_start3A_106 = arith.constant 0 : i32
        %dma_start3A_107 = tpu.memref_slice %arg9[%dma_start3A_106] : memref<10240xf32, #tpu.memory_space<vmem_shared>> -> memref<10240xf32, #tpu.memory_space<vmem_shared>>
        tpu.enqueue_indirect_dma source(%arg8 : memref<128xf32, #tpu.memory_space<vmem>>) target(%dma_start3A_107 : memref<10240xf32, #tpu.memory_space<vmem_shared>>) offsets(%dma_start3A_105 : memref<128xi32, #tpu.memory_space<vmem>>) semaphore(%arg10 : memref<!tpu.dma_semaphore, #tpu.memory_space<semaphore_mem>>) {add = true}
        %dma_start3A_108 = arith.constant 7 : i32
        %dma_start3A_109 = arith.constant 0 : i32
        %dma_start3A_110 = tpu.memref_slice %arg7[%dma_start3A_108, %dma_start3A_109] : memref<16x128xi32, #tpu.memory_space<vmem>> -> memref<1x128xi32, #tpu.memory_space<vmem>>
        %dma_start3A_111 = tpu.memref_squeeze %dma_start3A_110 : memref<1x128xi32, #tpu.memory_space<vmem>> -> memref<128xi32, #tpu.memory_space<vmem>>
        %dma_start3A_112 = arith.constant 0 : i32
        %dma_start3A_113 = tpu.memref_slice %arg9[%dma_start3A_112] : memref<10240xf32, #tpu.memory_space<vmem_shared>> -> memref<10240xf32, #tpu.memory_space<vmem_shared>>
        tpu.enqueue_indirect_dma source(%arg8 : memref<128xf32, #tpu.memory_space<vmem>>) target(%dma_start3A_113 : memref<10240xf32, #tpu.memory_space<vmem_shared>>) offsets(%dma_start3A_111 : memref<128xi32, #tpu.memory_space<vmem>>) semaphore(%arg10 : memref<!tpu.dma_semaphore, #tpu.memory_space<semaphore_mem>>) {add = true}
        %dma_start3A_114 = arith.constant 8 : i32
        %dma_start3A_115 = arith.constant 0 : i32
        %dma_start3A_116 = tpu.memref_slice %arg7[%dma_start3A_114, %dma_start3A_115] : memref<16x128xi32, #tpu.memory_space<vmem>> -> memref<1x128xi32, #tpu.memory_space<vmem>>
        %dma_start3A_117 = tpu.memref_squeeze %dma_start3A_116 : memref<1x128xi32, #tpu.memory_space<vmem>> -> memref<128xi32, #tpu.memory_space<vmem>>
        %dma_start3A_118 = arith.constant 0 : i32
        %dma_start3A_119 = tpu.memref_slice %arg9[%dma_start3A_118] : memref<10240xf32, #tpu.memory_space<vmem_shared>> -> memref<10240xf32, #tpu.memory_space<vmem_shared>>
        tpu.enqueue_indirect_dma source(%arg8 : memref<128xf32, #tpu.memory_space<vmem>>) target(%dma_start3A_119 : memref<10240xf32, #tpu.memory_space<vmem_shared>>) offsets(%dma_start3A_117 : memref<128xi32, #tpu.memory_space<vmem>>) semaphore(%arg10 : memref<!tpu.dma_semaphore, #tpu.memory_space<semaphore_mem>>) {add = true}
        %dma_start3A_120 = arith.constant 9 : i32
        %dma_start3A_121 = arith.constant 0 : i32
        %dma_start3A_122 = tpu.memref_slice %arg7[%dma_start3A_120, %dma_start3A_121] : memref<16x128xi32, #tpu.memory_space<vmem>> -> memref<1x128xi32, #tpu.memory_space<vmem>>
        %dma_start3A_123 = tpu.memref_squeeze %dma_start3A_122 : memref<1x128xi32, #tpu.memory_space<vmem>> -> memref<128xi32, #tpu.memory_space<vmem>>
        %dma_start3A_124 = arith.constant 0 : i32
        %dma_start3A_125 = tpu.memref_slice %arg9[%dma_start3A_124] : memref<10240xf32, #tpu.memory_space<vmem_shared>> -> memref<10240xf32, #tpu.memory_space<vmem_shared>>
        tpu.enqueue_indirect_dma source(%arg8 : memref<128xf32, #tpu.memory_space<vmem>>) target(%dma_start3A_125 : memref<10240xf32, #tpu.memory_space<vmem_shared>>) offsets(%dma_start3A_123 : memref<128xi32, #tpu.memory_space<vmem>>) semaphore(%arg10 : memref<!tpu.dma_semaphore, #tpu.memory_space<semaphore_mem>>) {add = true}
        %dma_start3A_126 = arith.constant 10 : i32
        %dma_start3A_127 = arith.constant 0 : i32
        %dma_start3A_128 = tpu.memref_slice %arg7[%dma_start3A_126, %dma_start3A_127] : memref<16x128xi32, #tpu.memory_space<vmem>> -> memref<1x128xi32, #tpu.memory_space<vmem>>
        %dma_start3A_129 = tpu.memref_squeeze %dma_start3A_128 : memref<1x128xi32, #tpu.memory_space<vmem>> -> memref<128xi32, #tpu.memory_space<vmem>>
        %dma_start3A_130 = arith.constant 0 : i32
        %dma_start3A_131 = tpu.memref_slice %arg9[%dma_start3A_130] : memref<10240xf32, #tpu.memory_space<vmem_shared>> -> memref<10240xf32, #tpu.memory_space<vmem_shared>>
        tpu.enqueue_indirect_dma source(%arg8 : memref<128xf32, #tpu.memory_space<vmem>>) target(%dma_start3A_131 : memref<10240xf32, #tpu.memory_space<vmem_shared>>) offsets(%dma_start3A_129 : memref<128xi32, #tpu.memory_space<vmem>>) semaphore(%arg10 : memref<!tpu.dma_semaphore, #tpu.memory_space<semaphore_mem>>) {add = true}
        %dma_start3A_132 = arith.constant 11 : i32
        %dma_start3A_133 = arith.constant 0 : i32
        %dma_start3A_134 = tpu.memref_slice %arg7[%dma_start3A_132, %dma_start3A_133] : memref<16x128xi32, #tpu.memory_space<vmem>> -> memref<1x128xi32, #tpu.memory_space<vmem>>
        %dma_start3A_135 = tpu.memref_squeeze %dma_start3A_134 : memref<1x128xi32, #tpu.memory_space<vmem>> -> memref<128xi32, #tpu.memory_space<vmem>>
        %dma_start3A_136 = arith.constant 0 : i32
        %dma_start3A_137 = tpu.memref_slice %arg9[%dma_start3A_136] : memref<10240xf32, #tpu.memory_space<vmem_shared>> -> memref<10240xf32, #tpu.memory_space<vmem_shared>>
        tpu.enqueue_indirect_dma source(%arg8 : memref<128xf32, #tpu.memory_space<vmem>>) target(%dma_start3A_137 : memref<10240xf32, #tpu.memory_space<vmem_shared>>) offsets(%dma_start3A_135 : memref<128xi32, #tpu.memory_space<vmem>>) semaphore(%arg10 : memref<!tpu.dma_semaphore, #tpu.memory_space<semaphore_mem>>) {add = true}
        %dma_start3A_138 = arith.constant 12 : i32
        %dma_start3A_139 = arith.constant 0 : i32
        %dma_start3A_140 = tpu.memref_slice %arg7[%dma_start3A_138, %dma_start3A_139] : memref<16x128xi32, #tpu.memory_space<vmem>> -> memref<1x128xi32, #tpu.memory_space<vmem>>
        %dma_start3A_141 = tpu.memref_squeeze %dma_start3A_140 : memref<1x128xi32, #tpu.memory_space<vmem>> -> memref<128xi32, #tpu.memory_space<vmem>>
        %dma_start3A_142 = arith.constant 0 : i32
        %dma_start3A_143 = tpu.memref_slice %arg9[%dma_start3A_142] : memref<10240xf32, #tpu.memory_space<vmem_shared>> -> memref<10240xf32, #tpu.memory_space<vmem_shared>>
        tpu.enqueue_indirect_dma source(%arg8 : memref<128xf32, #tpu.memory_space<vmem>>) target(%dma_start3A_143 : memref<10240xf32, #tpu.memory_space<vmem_shared>>) offsets(%dma_start3A_141 : memref<128xi32, #tpu.memory_space<vmem>>) semaphore(%arg10 : memref<!tpu.dma_semaphore, #tpu.memory_space<semaphore_mem>>) {add = true}
        %dma_start3A_144 = arith.constant 13 : i32
        %dma_start3A_145 = arith.constant 0 : i32
        %dma_start3A_146 = tpu.memref_slice %arg7[%dma_start3A_144, %dma_start3A_145] : memref<16x128xi32, #tpu.memory_space<vmem>> -> memref<1x128xi32, #tpu.memory_space<vmem>>
        %dma_start3A_147 = tpu.memref_squeeze %dma_start3A_146 : memref<1x128xi32, #tpu.memory_space<vmem>> -> memref<128xi32, #tpu.memory_space<vmem>>
        %dma_start3A_148 = arith.constant 0 : i32
        %dma_start3A_149 = tpu.memref_slice %arg9[%dma_start3A_148] : memref<10240xf32, #tpu.memory_space<vmem_shared>> -> memref<10240xf32, #tpu.memory_space<vmem_shared>>
        tpu.enqueue_indirect_dma source(%arg8 : memref<128xf32, #tpu.memory_space<vmem>>) target(%dma_start3A_149 : memref<10240xf32, #tpu.memory_space<vmem_shared>>) offsets(%dma_start3A_147 : memref<128xi32, #tpu.memory_space<vmem>>) semaphore(%arg10 : memref<!tpu.dma_semaphore, #tpu.memory_space<semaphore_mem>>) {add = true}
        %dma_start3A_150 = arith.constant 14 : i32
        %dma_start3A_151 = arith.constant 0 : i32
        %dma_start3A_152 = tpu.memref_slice %arg7[%dma_start3A_150, %dma_start3A_151] : memref<16x128xi32, #tpu.memory_space<vmem>> -> memref<1x128xi32, #tpu.memory_space<vmem>>
        %dma_start3A_153 = tpu.memref_squeeze %dma_start3A_152 : memref<1x128xi32, #tpu.memory_space<vmem>> -> memref<128xi32, #tpu.memory_space<vmem>>
        %dma_start3A_154 = arith.constant 0 : i32
        %dma_start3A_155 = tpu.memref_slice %arg9[%dma_start3A_154] : memref<10240xf32, #tpu.memory_space<vmem_shared>> -> memref<10240xf32, #tpu.memory_space<vmem_shared>>
        tpu.enqueue_indirect_dma source(%arg8 : memref<128xf32, #tpu.memory_space<vmem>>) target(%dma_start3A_155 : memref<10240xf32, #tpu.memory_space<vmem_shared>>) offsets(%dma_start3A_153 : memref<128xi32, #tpu.memory_space<vmem>>) semaphore(%arg10 : memref<!tpu.dma_semaphore, #tpu.memory_space<semaphore_mem>>) {add = true}
        %dma_start3A_156 = arith.constant 15 : i32
        %dma_start3A_157 = arith.constant 0 : i32
        %dma_start3A_158 = tpu.memref_slice %arg7[%dma_start3A_156, %dma_start3A_157] : memref<16x128xi32, #tpu.memory_space<vmem>> -> memref<1x128xi32, #tpu.memory_space<vmem>>
        %dma_start3A_159 = tpu.memref_squeeze %dma_start3A_158 : memref<1x128xi32, #tpu.memory_space<vmem>> -> memref<128xi32, #tpu.memory_space<vmem>>
        %dma_start3A_160 = arith.constant 0 : i32
        %dma_start3A_161 = tpu.memref_slice %arg9[%dma_start3A_160] : memref<10240xf32, #tpu.memory_space<vmem_shared>> -> memref<10240xf32, #tpu.memory_space<vmem_shared>>
        tpu.enqueue_indirect_dma source(%arg8 : memref<128xf32, #tpu.memory_space<vmem>>) target(%dma_start3A_161 : memref<10240xf32, #tpu.memory_space<vmem_shared>>) offsets(%dma_start3A_159 : memref<128xi32, #tpu.memory_space<vmem>>) semaphore(%arg10 : memref<!tpu.dma_semaphore, #tpu.memory_space<semaphore_mem>>) {add = true}
        %dma_wait3A = arith.constant 0 : i32
        %dma_wait3A_162 = arith.constant 0 : i32
        %dma_wait3A_163 = tpu.memref_slice %arg7[%dma_wait3A, %dma_wait3A_162] : memref<16x128xi32, #tpu.memory_space<vmem>> -> memref<1x128xi32, #tpu.memory_space<vmem>>
        %dma_wait3A_164 = tpu.memref_squeeze %dma_wait3A_163 : memref<1x128xi32, #tpu.memory_space<vmem>> -> memref<128xi32, #tpu.memory_space<vmem>>
        %dma_wait3A_165 = arith.constant 0 : i32
        %dma_wait3A_166 = tpu.memref_slice %arg9[%dma_wait3A_165] : memref<10240xf32, #tpu.memory_space<vmem_shared>> -> memref<10240xf32, #tpu.memory_space<vmem_shared>>
        tpu.wait_indirect_dma semaphore(%arg10 : memref<!tpu.dma_semaphore, #tpu.memory_space<semaphore_mem>>) src(%arg8 : memref<128xf32, #tpu.memory_space<vmem>>) dst(%dma_wait3A_166 : memref<10240xf32, #tpu.memory_space<vmem_shared>>)
        %dma_wait3A_167 = arith.constant 1 : i32
        %dma_wait3A_168 = arith.constant 0 : i32
        %dma_wait3A_169 = tpu.memref_slice %arg7[%dma_wait3A_167, %dma_wait3A_168] : memref<16x128xi32, #tpu.memory_space<vmem>> -> memref<1x128xi32, #tpu.memory_space<vmem>>
        %dma_wait3A_170 = tpu.memref_squeeze %dma_wait3A_169 : memref<1x128xi32, #tpu.memory_space<vmem>> -> memref<128xi32, #tpu.memory_space<vmem>>
        %dma_wait3A_171 = arith.constant 0 : i32
        %dma_wait3A_172 = tpu.memref_slice %arg9[%dma_wait3A_171] : memref<10240xf32, #tpu.memory_space<vmem_shared>> -> memref<10240xf32, #tpu.memory_space<vmem_shared>>
        tpu.wait_indirect_dma semaphore(%arg10 : memref<!tpu.dma_semaphore, #tpu.memory_space<semaphore_mem>>) src(%arg8 : memref<128xf32, #tpu.memory_space<vmem>>) dst(%dma_wait3A_172 : memref<10240xf32, #tpu.memory_space<vmem_shared>>)
        %dma_wait3A_173 = arith.constant 2 : i32
        %dma_wait3A_174 = arith.constant 0 : i32
        %dma_wait3A_175 = tpu.memref_slice %arg7[%dma_wait3A_173, %dma_wait3A_174] : memref<16x128xi32, #tpu.memory_space<vmem>> -> memref<1x128xi32, #tpu.memory_space<vmem>>
        %dma_wait3A_176 = tpu.memref_squeeze %dma_wait3A_175 : memref<1x128xi32, #tpu.memory_space<vmem>> -> memref<128xi32, #tpu.memory_space<vmem>>
        %dma_wait3A_177 = arith.constant 0 : i32
        %dma_wait3A_178 = tpu.memref_slice %arg9[%dma_wait3A_177] : memref<10240xf32, #tpu.memory_space<vmem_shared>> -> memref<10240xf32, #tpu.memory_space<vmem_shared>>
        tpu.wait_indirect_dma semaphore(%arg10 : memref<!tpu.dma_semaphore, #tpu.memory_space<semaphore_mem>>) src(%arg8 : memref<128xf32, #tpu.memory_space<vmem>>) dst(%dma_wait3A_178 : memref<10240xf32, #tpu.memory_space<vmem_shared>>)
        %dma_wait3A_179 = arith.constant 3 : i32
        %dma_wait3A_180 = arith.constant 0 : i32
        %dma_wait3A_181 = tpu.memref_slice %arg7[%dma_wait3A_179, %dma_wait3A_180] : memref<16x128xi32, #tpu.memory_space<vmem>> -> memref<1x128xi32, #tpu.memory_space<vmem>>
        %dma_wait3A_182 = tpu.memref_squeeze %dma_wait3A_181 : memref<1x128xi32, #tpu.memory_space<vmem>> -> memref<128xi32, #tpu.memory_space<vmem>>
        %dma_wait3A_183 = arith.constant 0 : i32
        %dma_wait3A_184 = tpu.memref_slice %arg9[%dma_wait3A_183] : memref<10240xf32, #tpu.memory_space<vmem_shared>> -> memref<10240xf32, #tpu.memory_space<vmem_shared>>
        tpu.wait_indirect_dma semaphore(%arg10 : memref<!tpu.dma_semaphore, #tpu.memory_space<semaphore_mem>>) src(%arg8 : memref<128xf32, #tpu.memory_space<vmem>>) dst(%dma_wait3A_184 : memref<10240xf32, #tpu.memory_space<vmem_shared>>)
        %dma_wait3A_185 = arith.constant 4 : i32
        %dma_wait3A_186 = arith.constant 0 : i32
        %dma_wait3A_187 = tpu.memref_slice %arg7[%dma_wait3A_185, %dma_wait3A_186] : memref<16x128xi32, #tpu.memory_space<vmem>> -> memref<1x128xi32, #tpu.memory_space<vmem>>
        %dma_wait3A_188 = tpu.memref_squeeze %dma_wait3A_187 : memref<1x128xi32, #tpu.memory_space<vmem>> -> memref<128xi32, #tpu.memory_space<vmem>>
        %dma_wait3A_189 = arith.constant 0 : i32
        %dma_wait3A_190 = tpu.memref_slice %arg9[%dma_wait3A_189] : memref<10240xf32, #tpu.memory_space<vmem_shared>> -> memref<10240xf32, #tpu.memory_space<vmem_shared>>
        tpu.wait_indirect_dma semaphore(%arg10 : memref<!tpu.dma_semaphore, #tpu.memory_space<semaphore_mem>>) src(%arg8 : memref<128xf32, #tpu.memory_space<vmem>>) dst(%dma_wait3A_190 : memref<10240xf32, #tpu.memory_space<vmem_shared>>)
        %dma_wait3A_191 = arith.constant 5 : i32
        %dma_wait3A_192 = arith.constant 0 : i32
        %dma_wait3A_193 = tpu.memref_slice %arg7[%dma_wait3A_191, %dma_wait3A_192] : memref<16x128xi32, #tpu.memory_space<vmem>> -> memref<1x128xi32, #tpu.memory_space<vmem>>
        %dma_wait3A_194 = tpu.memref_squeeze %dma_wait3A_193 : memref<1x128xi32, #tpu.memory_space<vmem>> -> memref<128xi32, #tpu.memory_space<vmem>>
        %dma_wait3A_195 = arith.constant 0 : i32
        %dma_wait3A_196 = tpu.memref_slice %arg9[%dma_wait3A_195] : memref<10240xf32, #tpu.memory_space<vmem_shared>> -> memref<10240xf32, #tpu.memory_space<vmem_shared>>
        tpu.wait_indirect_dma semaphore(%arg10 : memref<!tpu.dma_semaphore, #tpu.memory_space<semaphore_mem>>) src(%arg8 : memref<128xf32, #tpu.memory_space<vmem>>) dst(%dma_wait3A_196 : memref<10240xf32, #tpu.memory_space<vmem_shared>>)
        %dma_wait3A_197 = arith.constant 6 : i32
        %dma_wait3A_198 = arith.constant 0 : i32
        %dma_wait3A_199 = tpu.memref_slice %arg7[%dma_wait3A_197, %dma_wait3A_198] : memref<16x128xi32, #tpu.memory_space<vmem>> -> memref<1x128xi32, #tpu.memory_space<vmem>>
        %dma_wait3A_200 = tpu.memref_squeeze %dma_wait3A_199 : memref<1x128xi32, #tpu.memory_space<vmem>> -> memref<128xi32, #tpu.memory_space<vmem>>
        %dma_wait3A_201 = arith.constant 0 : i32
        %dma_wait3A_202 = tpu.memref_slice %arg9[%dma_wait3A_201] : memref<10240xf32, #tpu.memory_space<vmem_shared>> -> memref<10240xf32, #tpu.memory_space<vmem_shared>>
        tpu.wait_indirect_dma semaphore(%arg10 : memref<!tpu.dma_semaphore, #tpu.memory_space<semaphore_mem>>) src(%arg8 : memref<128xf32, #tpu.memory_space<vmem>>) dst(%dma_wait3A_202 : memref<10240xf32, #tpu.memory_space<vmem_shared>>)
        %dma_wait3A_203 = arith.constant 7 : i32
        %dma_wait3A_204 = arith.constant 0 : i32
        %dma_wait3A_205 = tpu.memref_slice %arg7[%dma_wait3A_203, %dma_wait3A_204] : memref<16x128xi32, #tpu.memory_space<vmem>> -> memref<1x128xi32, #tpu.memory_space<vmem>>
        %dma_wait3A_206 = tpu.memref_squeeze %dma_wait3A_205 : memref<1x128xi32, #tpu.memory_space<vmem>> -> memref<128xi32, #tpu.memory_space<vmem>>
        %dma_wait3A_207 = arith.constant 0 : i32
        %dma_wait3A_208 = tpu.memref_slice %arg9[%dma_wait3A_207] : memref<10240xf32, #tpu.memory_space<vmem_shared>> -> memref<10240xf32, #tpu.memory_space<vmem_shared>>
        tpu.wait_indirect_dma semaphore(%arg10 : memref<!tpu.dma_semaphore, #tpu.memory_space<semaphore_mem>>) src(%arg8 : memref<128xf32, #tpu.memory_space<vmem>>) dst(%dma_wait3A_208 : memref<10240xf32, #tpu.memory_space<vmem_shared>>)
        %dma_wait3A_209 = arith.constant 8 : i32
        %dma_wait3A_210 = arith.constant 0 : i32
        %dma_wait3A_211 = tpu.memref_slice %arg7[%dma_wait3A_209, %dma_wait3A_210] : memref<16x128xi32, #tpu.memory_space<vmem>> -> memref<1x128xi32, #tpu.memory_space<vmem>>
        %dma_wait3A_212 = tpu.memref_squeeze %dma_wait3A_211 : memref<1x128xi32, #tpu.memory_space<vmem>> -> memref<128xi32, #tpu.memory_space<vmem>>
        %dma_wait3A_213 = arith.constant 0 : i32
        %dma_wait3A_214 = tpu.memref_slice %arg9[%dma_wait3A_213] : memref<10240xf32, #tpu.memory_space<vmem_shared>> -> memref<10240xf32, #tpu.memory_space<vmem_shared>>
        tpu.wait_indirect_dma semaphore(%arg10 : memref<!tpu.dma_semaphore, #tpu.memory_space<semaphore_mem>>) src(%arg8 : memref<128xf32, #tpu.memory_space<vmem>>) dst(%dma_wait3A_214 : memref<10240xf32, #tpu.memory_space<vmem_shared>>)
        %dma_wait3A_215 = arith.constant 9 : i32
        %dma_wait3A_216 = arith.constant 0 : i32
        %dma_wait3A_217 = tpu.memref_slice %arg7[%dma_wait3A_215, %dma_wait3A_216] : memref<16x128xi32, #tpu.memory_space<vmem>> -> memref<1x128xi32, #tpu.memory_space<vmem>>
        %dma_wait3A_218 = tpu.memref_squeeze %dma_wait3A_217 : memref<1x128xi32, #tpu.memory_space<vmem>> -> memref<128xi32, #tpu.memory_space<vmem>>
        %dma_wait3A_219 = arith.constant 0 : i32
        %dma_wait3A_220 = tpu.memref_slice %arg9[%dma_wait3A_219] : memref<10240xf32, #tpu.memory_space<vmem_shared>> -> memref<10240xf32, #tpu.memory_space<vmem_shared>>
        tpu.wait_indirect_dma semaphore(%arg10 : memref<!tpu.dma_semaphore, #tpu.memory_space<semaphore_mem>>) src(%arg8 : memref<128xf32, #tpu.memory_space<vmem>>) dst(%dma_wait3A_220 : memref<10240xf32, #tpu.memory_space<vmem_shared>>)
        %dma_wait3A_221 = arith.constant 10 : i32
        %dma_wait3A_222 = arith.constant 0 : i32
        %dma_wait3A_223 = tpu.memref_slice %arg7[%dma_wait3A_221, %dma_wait3A_222] : memref<16x128xi32, #tpu.memory_space<vmem>> -> memref<1x128xi32, #tpu.memory_space<vmem>>
        %dma_wait3A_224 = tpu.memref_squeeze %dma_wait3A_223 : memref<1x128xi32, #tpu.memory_space<vmem>> -> memref<128xi32, #tpu.memory_space<vmem>>
        %dma_wait3A_225 = arith.constant 0 : i32
        %dma_wait3A_226 = tpu.memref_slice %arg9[%dma_wait3A_225] : memref<10240xf32, #tpu.memory_space<vmem_shared>> -> memref<10240xf32, #tpu.memory_space<vmem_shared>>
        tpu.wait_indirect_dma semaphore(%arg10 : memref<!tpu.dma_semaphore, #tpu.memory_space<semaphore_mem>>) src(%arg8 : memref<128xf32, #tpu.memory_space<vmem>>) dst(%dma_wait3A_226 : memref<10240xf32, #tpu.memory_space<vmem_shared>>)
        %dma_wait3A_227 = arith.constant 11 : i32
        %dma_wait3A_228 = arith.constant 0 : i32
        %dma_wait3A_229 = tpu.memref_slice %arg7[%dma_wait3A_227, %dma_wait3A_228] : memref<16x128xi32, #tpu.memory_space<vmem>> -> memref<1x128xi32, #tpu.memory_space<vmem>>
        %dma_wait3A_230 = tpu.memref_squeeze %dma_wait3A_229 : memref<1x128xi32, #tpu.memory_space<vmem>> -> memref<128xi32, #tpu.memory_space<vmem>>
        %dma_wait3A_231 = arith.constant 0 : i32
        %dma_wait3A_232 = tpu.memref_slice %arg9[%dma_wait3A_231] : memref<10240xf32, #tpu.memory_space<vmem_shared>> -> memref<10240xf32, #tpu.memory_space<vmem_shared>>
        tpu.wait_indirect_dma semaphore(%arg10 : memref<!tpu.dma_semaphore, #tpu.memory_space<semaphore_mem>>) src(%arg8 : memref<128xf32, #tpu.memory_space<vmem>>) dst(%dma_wait3A_232 : memref<10240xf32, #tpu.memory_space<vmem_shared>>)
        %dma_wait3A_233 = arith.constant 12 : i32
        %dma_wait3A_234 = arith.constant 0 : i32
        %dma_wait3A_235 = tpu.memref_slice %arg7[%dma_wait3A_233, %dma_wait3A_234] : memref<16x128xi32, #tpu.memory_space<vmem>> -> memref<1x128xi32, #tpu.memory_space<vmem>>
        %dma_wait3A_236 = tpu.memref_squeeze %dma_wait3A_235 : memref<1x128xi32, #tpu.memory_space<vmem>> -> memref<128xi32, #tpu.memory_space<vmem>>
        %dma_wait3A_237 = arith.constant 0 : i32
        %dma_wait3A_238 = tpu.memref_slice %arg9[%dma_wait3A_237] : memref<10240xf32, #tpu.memory_space<vmem_shared>> -> memref<10240xf32, #tpu.memory_space<vmem_shared>>
        tpu.wait_indirect_dma semaphore(%arg10 : memref<!tpu.dma_semaphore, #tpu.memory_space<semaphore_mem>>) src(%arg8 : memref<128xf32, #tpu.memory_space<vmem>>) dst(%dma_wait3A_238 : memref<10240xf32, #tpu.memory_space<vmem_shared>>)
        %dma_wait3A_239 = arith.constant 13 : i32
        %dma_wait3A_240 = arith.constant 0 : i32
        %dma_wait3A_241 = tpu.memref_slice %arg7[%dma_wait3A_239, %dma_wait3A_240] : memref<16x128xi32, #tpu.memory_space<vmem>> -> memref<1x128xi32, #tpu.memory_space<vmem>>
        %dma_wait3A_242 = tpu.memref_squeeze %dma_wait3A_241 : memref<1x128xi32, #tpu.memory_space<vmem>> -> memref<128xi32, #tpu.memory_space<vmem>>
        %dma_wait3A_243 = arith.constant 0 : i32
        %dma_wait3A_244 = tpu.memref_slice %arg9[%dma_wait3A_243] : memref<10240xf32, #tpu.memory_space<vmem_shared>> -> memref<10240xf32, #tpu.memory_space<vmem_shared>>
        tpu.wait_indirect_dma semaphore(%arg10 : memref<!tpu.dma_semaphore, #tpu.memory_space<semaphore_mem>>) src(%arg8 : memref<128xf32, #tpu.memory_space<vmem>>) dst(%dma_wait3A_244 : memref<10240xf32, #tpu.memory_space<vmem_shared>>)
        %dma_wait3A_245 = arith.constant 14 : i32
        %dma_wait3A_246 = arith.constant 0 : i32
        %dma_wait3A_247 = tpu.memref_slice %arg7[%dma_wait3A_245, %dma_wait3A_246] : memref<16x128xi32, #tpu.memory_space<vmem>> -> memref<1x128xi32, #tpu.memory_space<vmem>>
        %dma_wait3A_248 = tpu.memref_squeeze %dma_wait3A_247 : memref<1x128xi32, #tpu.memory_space<vmem>> -> memref<128xi32, #tpu.memory_space<vmem>>
        %dma_wait3A_249 = arith.constant 0 : i32
        %dma_wait3A_250 = tpu.memref_slice %arg9[%dma_wait3A_249] : memref<10240xf32, #tpu.memory_space<vmem_shared>> -> memref<10240xf32, #tpu.memory_space<vmem_shared>>
        tpu.wait_indirect_dma semaphore(%arg10 : memref<!tpu.dma_semaphore, #tpu.memory_space<semaphore_mem>>) src(%arg8 : memref<128xf32, #tpu.memory_space<vmem>>) dst(%dma_wait3A_250 : memref<10240xf32, #tpu.memory_space<vmem_shared>>)
        %dma_wait3A_251 = arith.constant 15 : i32
        %dma_wait3A_252 = arith.constant 0 : i32
        %dma_wait3A_253 = tpu.memref_slice %arg7[%dma_wait3A_251, %dma_wait3A_252] : memref<16x128xi32, #tpu.memory_space<vmem>> -> memref<1x128xi32, #tpu.memory_space<vmem>>
        %dma_wait3A_254 = tpu.memref_squeeze %dma_wait3A_253 : memref<1x128xi32, #tpu.memory_space<vmem>> -> memref<128xi32, #tpu.memory_space<vmem>>
        %dma_wait3A_255 = arith.constant 0 : i32
        %dma_wait3A_256 = tpu.memref_slice %arg9[%dma_wait3A_255] : memref<10240xf32, #tpu.memory_space<vmem_shared>> -> memref<10240xf32, #tpu.memory_space<vmem_shared>>
        tpu.wait_indirect_dma semaphore(%arg10 : memref<!tpu.dma_semaphore, #tpu.memory_space<semaphore_mem>>) src(%arg8 : memref<128xf32, #tpu.memory_space<vmem>>) dst(%dma_wait3A_256 : memref<10240xf32, #tpu.memory_space<vmem_shared>>)
      }
      %scan3A_58 = arith.constant 10 : i32
      %barrier3A_59 = arith.constant 0 : index
      tpu.barrier barrier_id(%barrier3A_59)
      %mul3A_60 = arith.constant 640 : i32
      %mul3A_61 = arith.muli %arg1, %mul3A_60 : i32
      "tpu.region"() ({
        %run_scoped3A = tpu.sem_alloc : memref<!tpu.dma_semaphore, #tpu.memory_space<semaphore_mem>>
        %dma_start3A = tpu.memref_slice %arg5[%mul3A_61] : memref<10240xf32, #tpu.memory_space<hbm>> -> memref<640xf32, #tpu.memory_space<hbm>>
        %dma_start3A_62 = tpu.memref_slice %arg9[%mul3A_61] : memref<10240xf32, #tpu.memory_space<vmem_shared>> -> memref<640xf32, #tpu.memory_space<vmem_shared>>
        tpu.enqueue_dma source(%dma_start3A_62 : memref<640xf32, #tpu.memory_space<vmem_shared>>) target(%dma_start3A : memref<640xf32, #tpu.memory_space<hbm>>) target_semaphore(%run_scoped3A : memref<!tpu.dma_semaphore, #tpu.memory_space<semaphore_mem>>)
        %dma_wait3A = tpu.memref_slice %arg5[%mul3A_61] : memref<10240xf32, #tpu.memory_space<hbm>> -> memref<640xf32, #tpu.memory_space<hbm>>
        %dma_wait3A_63 = tpu.memref_slice %arg9[%mul3A_61] : memref<10240xf32, #tpu.memory_space<vmem_shared>> -> memref<640xf32, #tpu.memory_space<vmem_shared>>
        tpu.wait_dma2 semaphore(%run_scoped3A : memref<!tpu.dma_semaphore, #tpu.memory_space<semaphore_mem>>) src(%dma_wait3A_63 : memref<640xf32, #tpu.memory_space<vmem_shared>>) dst(%dma_wait3A : memref<640xf32, #tpu.memory_space<hbm>>)
        tpu.yield
      }) : () -> ()
    } else {
    }
    %eq3A_48 = arith.constant 1 : i32
    %eq3A_49 = arith.cmpi eq, %arg0, %eq3A_48 : i32
    %convert_element_type3A_50 = arith.extui %eq3A_49 : i1 to i32
    %cond3A_51 = arith.constant 0 : i32
    %cond3A_52 = arith.cmpi ne, %convert_element_type3A_50, %cond3A_51 : i32
    scf.if %cond3A_52 {
      %mul3A = arith.constant 640 : i32
      %mul3A_53 = arith.muli %arg1, %mul3A : i32
      "tpu.region"() ({
        %run_scoped3A = tpu.sem_alloc : memref<!tpu.dma_semaphore, #tpu.memory_space<semaphore_mem>>
        %dma_start3A = tpu.memref_slice %arg9[%mul3A_53] : memref<10240xf32, #tpu.memory_space<vmem_shared>> -> memref<640xf32, #tpu.memory_space<vmem_shared>>
        %dma_start3A_62 = tpu.memref_slice %arg4[%mul3A_53] : memref<10240xf32, #tpu.memory_space<hbm>> -> memref<640xf32, #tpu.memory_space<hbm>>
        tpu.enqueue_dma source(%dma_start3A_62 : memref<640xf32, #tpu.memory_space<hbm>>) target(%dma_start3A : memref<640xf32, #tpu.memory_space<vmem_shared>>) target_semaphore(%run_scoped3A : memref<!tpu.dma_semaphore, #tpu.memory_space<semaphore_mem>>)
        %dma_wait3A = tpu.memref_slice %arg9[%mul3A_53] : memref<10240xf32, #tpu.memory_space<vmem_shared>> -> memref<640xf32, #tpu.memory_space<vmem_shared>>
        %dma_wait3A_63 = tpu.memref_slice %arg4[%mul3A_53] : memref<10240xf32, #tpu.memory_space<hbm>> -> memref<640xf32, #tpu.memory_space<hbm>>
        tpu.wait_dma2 semaphore(%run_scoped3A : memref<!tpu.dma_semaphore, #tpu.memory_space<semaphore_mem>>) src(%dma_wait3A_63 : memref<640xf32, #tpu.memory_space<hbm>>) dst(%dma_wait3A : memref<640xf32, #tpu.memory_space<vmem_shared>>)
        tpu.yield
      }) : () -> ()
      %barrier3A = arith.constant 0 : index
      tpu.barrier barrier_id(%barrier3A)
      %scan3A = arith.constant 0 : i32
      %scan3A_54 = arith.constant 0 : i32
      %scan3A_55 = arith.constant 10 : i32
      %scan3A_56 = arith.addi %scan3A_54, %scan3A_55 : i32
      %scan3A_57 = arith.constant 1 : i32
      scf.for %scan3A_62 = %scan3A_54 to %scan3A_56 step %scan3A_57  : i32 {
        %mul3A_63 = arith.constant 10 : i32
        %mul3A_64 = arith.muli %arg1, %mul3A_63 : i32
        %add3A = arith.addi %mul3A_64, %scan3A_62 : i32
        %mul3A_65 = arith.constant 16 : i32
        %mul3A_66 = arith.muli %add3A, %mul3A_65 : i32
        "tpu.region"() ({
          %run_scoped3A = tpu.sem_alloc : memref<!tpu.dma_semaphore, #tpu.memory_space<semaphore_mem>>
          %dma_start3A_257 = arith.constant 0 : i32
          %dma_start3A_258 = tpu.memref_slice %arg3[%mul3A_66, %dma_start3A_257] : memref<2560x128xi32, #tpu.memory_space<hbm>> -> memref<16x128xi32, #tpu.memory_space<hbm>>
          %dma_start3A_259 = arith.constant 0 : i32
          %dma_start3A_260 = tpu.memref_slice %arg3[%mul3A_66, %dma_start3A_259] : memref<2560x128xi32, #tpu.memory_space<hbm>> -> memref<16x128xi32, #tpu.memory_space<hbm>>
          tpu.enqueue_dma source(%dma_start3A_260 : memref<16x128xi32, #tpu.memory_space<hbm>>) target(%arg7 : memref<16x128xi32, #tpu.memory_space<vmem>>) target_semaphore(%run_scoped3A : memref<!tpu.dma_semaphore, #tpu.memory_space<semaphore_mem>>)
          %dma_wait3A_261 = arith.constant 0 : i32
          %dma_wait3A_262 = tpu.memref_slice %arg3[%mul3A_66, %dma_wait3A_261] : memref<2560x128xi32, #tpu.memory_space<hbm>> -> memref<16x128xi32, #tpu.memory_space<hbm>>
          %dma_wait3A_263 = arith.constant 0 : i32
          %dma_wait3A_264 = tpu.memref_slice %arg3[%mul3A_66, %dma_wait3A_263] : memref<2560x128xi32, #tpu.memory_space<hbm>> -> memref<16x128xi32, #tpu.memory_space<hbm>>
          tpu.wait_dma2 semaphore(%run_scoped3A : memref<!tpu.dma_semaphore, #tpu.memory_space<semaphore_mem>>) src(%dma_wait3A_264 : memref<16x128xi32, #tpu.memory_space<hbm>>) dst(%arg7 : memref<16x128xi32, #tpu.memory_space<vmem>>)
          tpu.yield
        }) : () -> ()
        %dma_start3A = arith.constant 0 : i32
        %dma_start3A_67 = arith.constant 0 : i32
        %dma_start3A_68 = tpu.memref_slice %arg7[%dma_start3A, %dma_start3A_67] : memref<16x128xi32, #tpu.memory_space<vmem>> -> memref<1x128xi32, #tpu.memory_space<vmem>>
        %dma_start3A_69 = tpu.memref_squeeze %dma_start3A_68 : memref<1x128xi32, #tpu.memory_space<vmem>> -> memref<128xi32, #tpu.memory_space<vmem>>
        %dma_start3A_70 = arith.constant 0 : i32
        %dma_start3A_71 = tpu.memref_slice %arg9[%dma_start3A_70] : memref<10240xf32, #tpu.memory_space<vmem_shared>> -> memref<10240xf32, #tpu.memory_space<vmem_shared>>
        tpu.enqueue_indirect_dma source(%arg8 : memref<128xf32, #tpu.memory_space<vmem>>) target(%dma_start3A_71 : memref<10240xf32, #tpu.memory_space<vmem_shared>>) offsets(%dma_start3A_69 : memref<128xi32, #tpu.memory_space<vmem>>) semaphore(%arg10 : memref<!tpu.dma_semaphore, #tpu.memory_space<semaphore_mem>>) {add = true}
        %dma_start3A_72 = arith.constant 1 : i32
        %dma_start3A_73 = arith.constant 0 : i32
        %dma_start3A_74 = tpu.memref_slice %arg7[%dma_start3A_72, %dma_start3A_73] : memref<16x128xi32, #tpu.memory_space<vmem>> -> memref<1x128xi32, #tpu.memory_space<vmem>>
        %dma_start3A_75 = tpu.memref_squeeze %dma_start3A_74 : memref<1x128xi32, #tpu.memory_space<vmem>> -> memref<128xi32, #tpu.memory_space<vmem>>
        %dma_start3A_76 = arith.constant 0 : i32
        %dma_start3A_77 = tpu.memref_slice %arg9[%dma_start3A_76] : memref<10240xf32, #tpu.memory_space<vmem_shared>> -> memref<10240xf32, #tpu.memory_space<vmem_shared>>
        tpu.enqueue_indirect_dma source(%arg8 : memref<128xf32, #tpu.memory_space<vmem>>) target(%dma_start3A_77 : memref<10240xf32, #tpu.memory_space<vmem_shared>>) offsets(%dma_start3A_75 : memref<128xi32, #tpu.memory_space<vmem>>) semaphore(%arg10 : memref<!tpu.dma_semaphore, #tpu.memory_space<semaphore_mem>>) {add = true}
        %dma_start3A_78 = arith.constant 2 : i32
        %dma_start3A_79 = arith.constant 0 : i32
        %dma_start3A_80 = tpu.memref_slice %arg7[%dma_start3A_78, %dma_start3A_79] : memref<16x128xi32, #tpu.memory_space<vmem>> -> memref<1x128xi32, #tpu.memory_space<vmem>>
        %dma_start3A_81 = tpu.memref_squeeze %dma_start3A_80 : memref<1x128xi32, #tpu.memory_space<vmem>> -> memref<128xi32, #tpu.memory_space<vmem>>
        %dma_start3A_82 = arith.constant 0 : i32
        %dma_start3A_83 = tpu.memref_slice %arg9[%dma_start3A_82] : memref<10240xf32, #tpu.memory_space<vmem_shared>> -> memref<10240xf32, #tpu.memory_space<vmem_shared>>
        tpu.enqueue_indirect_dma source(%arg8 : memref<128xf32, #tpu.memory_space<vmem>>) target(%dma_start3A_83 : memref<10240xf32, #tpu.memory_space<vmem_shared>>) offsets(%dma_start3A_81 : memref<128xi32, #tpu.memory_space<vmem>>) semaphore(%arg10 : memref<!tpu.dma_semaphore, #tpu.memory_space<semaphore_mem>>) {add = true}
        %dma_start3A_84 = arith.constant 3 : i32
        %dma_start3A_85 = arith.constant 0 : i32
        %dma_start3A_86 = tpu.memref_slice %arg7[%dma_start3A_84, %dma_start3A_85] : memref<16x128xi32, #tpu.memory_space<vmem>> -> memref<1x128xi32, #tpu.memory_space<vmem>>
        %dma_start3A_87 = tpu.memref_squeeze %dma_start3A_86 : memref<1x128xi32, #tpu.memory_space<vmem>> -> memref<128xi32, #tpu.memory_space<vmem>>
        %dma_start3A_88 = arith.constant 0 : i32
        %dma_start3A_89 = tpu.memref_slice %arg9[%dma_start3A_88] : memref<10240xf32, #tpu.memory_space<vmem_shared>> -> memref<10240xf32, #tpu.memory_space<vmem_shared>>
        tpu.enqueue_indirect_dma source(%arg8 : memref<128xf32, #tpu.memory_space<vmem>>) target(%dma_start3A_89 : memref<10240xf32, #tpu.memory_space<vmem_shared>>) offsets(%dma_start3A_87 : memref<128xi32, #tpu.memory_space<vmem>>) semaphore(%arg10 : memref<!tpu.dma_semaphore, #tpu.memory_space<semaphore_mem>>) {add = true}
        %dma_start3A_90 = arith.constant 4 : i32
        %dma_start3A_91 = arith.constant 0 : i32
        %dma_start3A_92 = tpu.memref_slice %arg7[%dma_start3A_90, %dma_start3A_91] : memref<16x128xi32, #tpu.memory_space<vmem>> -> memref<1x128xi32, #tpu.memory_space<vmem>>
        %dma_start3A_93 = tpu.memref_squeeze %dma_start3A_92 : memref<1x128xi32, #tpu.memory_space<vmem>> -> memref<128xi32, #tpu.memory_space<vmem>>
        %dma_start3A_94 = arith.constant 0 : i32
        %dma_start3A_95 = tpu.memref_slice %arg9[%dma_start3A_94] : memref<10240xf32, #tpu.memory_space<vmem_shared>> -> memref<10240xf32, #tpu.memory_space<vmem_shared>>
        tpu.enqueue_indirect_dma source(%arg8 : memref<128xf32, #tpu.memory_space<vmem>>) target(%dma_start3A_95 : memref<10240xf32, #tpu.memory_space<vmem_shared>>) offsets(%dma_start3A_93 : memref<128xi32, #tpu.memory_space<vmem>>) semaphore(%arg10 : memref<!tpu.dma_semaphore, #tpu.memory_space<semaphore_mem>>) {add = true}
        %dma_start3A_96 = arith.constant 5 : i32
        %dma_start3A_97 = arith.constant 0 : i32
        %dma_start3A_98 = tpu.memref_slice %arg7[%dma_start3A_96, %dma_start3A_97] : memref<16x128xi32, #tpu.memory_space<vmem>> -> memref<1x128xi32, #tpu.memory_space<vmem>>
        %dma_start3A_99 = tpu.memref_squeeze %dma_start3A_98 : memref<1x128xi32, #tpu.memory_space<vmem>> -> memref<128xi32, #tpu.memory_space<vmem>>
        %dma_start3A_100 = arith.constant 0 : i32
        %dma_start3A_101 = tpu.memref_slice %arg9[%dma_start3A_100] : memref<10240xf32, #tpu.memory_space<vmem_shared>> -> memref<10240xf32, #tpu.memory_space<vmem_shared>>
        tpu.enqueue_indirect_dma source(%arg8 : memref<128xf32, #tpu.memory_space<vmem>>) target(%dma_start3A_101 : memref<10240xf32, #tpu.memory_space<vmem_shared>>) offsets(%dma_start3A_99 : memref<128xi32, #tpu.memory_space<vmem>>) semaphore(%arg10 : memref<!tpu.dma_semaphore, #tpu.memory_space<semaphore_mem>>) {add = true}
        %dma_start3A_102 = arith.constant 6 : i32
        %dma_start3A_103 = arith.constant 0 : i32
        %dma_start3A_104 = tpu.memref_slice %arg7[%dma_start3A_102, %dma_start3A_103] : memref<16x128xi32, #tpu.memory_space<vmem>> -> memref<1x128xi32, #tpu.memory_space<vmem>>
        %dma_start3A_105 = tpu.memref_squeeze %dma_start3A_104 : memref<1x128xi32, #tpu.memory_space<vmem>> -> memref<128xi32, #tpu.memory_space<vmem>>
        %dma_start3A_106 = arith.constant 0 : i32
        %dma_start3A_107 = tpu.memref_slice %arg9[%dma_start3A_106] : memref<10240xf32, #tpu.memory_space<vmem_shared>> -> memref<10240xf32, #tpu.memory_space<vmem_shared>>
        tpu.enqueue_indirect_dma source(%arg8 : memref<128xf32, #tpu.memory_space<vmem>>) target(%dma_start3A_107 : memref<10240xf32, #tpu.memory_space<vmem_shared>>) offsets(%dma_start3A_105 : memref<128xi32, #tpu.memory_space<vmem>>) semaphore(%arg10 : memref<!tpu.dma_semaphore, #tpu.memory_space<semaphore_mem>>) {add = true}
        %dma_start3A_108 = arith.constant 7 : i32
        %dma_start3A_109 = arith.constant 0 : i32
        %dma_start3A_110 = tpu.memref_slice %arg7[%dma_start3A_108, %dma_start3A_109] : memref<16x128xi32, #tpu.memory_space<vmem>> -> memref<1x128xi32, #tpu.memory_space<vmem>>
        %dma_start3A_111 = tpu.memref_squeeze %dma_start3A_110 : memref<1x128xi32, #tpu.memory_space<vmem>> -> memref<128xi32, #tpu.memory_space<vmem>>
        %dma_start3A_112 = arith.constant 0 : i32
        %dma_start3A_113 = tpu.memref_slice %arg9[%dma_start3A_112] : memref<10240xf32, #tpu.memory_space<vmem_shared>> -> memref<10240xf32, #tpu.memory_space<vmem_shared>>
        tpu.enqueue_indirect_dma source(%arg8 : memref<128xf32, #tpu.memory_space<vmem>>) target(%dma_start3A_113 : memref<10240xf32, #tpu.memory_space<vmem_shared>>) offsets(%dma_start3A_111 : memref<128xi32, #tpu.memory_space<vmem>>) semaphore(%arg10 : memref<!tpu.dma_semaphore, #tpu.memory_space<semaphore_mem>>) {add = true}
        %dma_start3A_114 = arith.constant 8 : i32
        %dma_start3A_115 = arith.constant 0 : i32
        %dma_start3A_116 = tpu.memref_slice %arg7[%dma_start3A_114, %dma_start3A_115] : memref<16x128xi32, #tpu.memory_space<vmem>> -> memref<1x128xi32, #tpu.memory_space<vmem>>
        %dma_start3A_117 = tpu.memref_squeeze %dma_start3A_116 : memref<1x128xi32, #tpu.memory_space<vmem>> -> memref<128xi32, #tpu.memory_space<vmem>>
        %dma_start3A_118 = arith.constant 0 : i32
        %dma_start3A_119 = tpu.memref_slice %arg9[%dma_start3A_118] : memref<10240xf32, #tpu.memory_space<vmem_shared>> -> memref<10240xf32, #tpu.memory_space<vmem_shared>>
        tpu.enqueue_indirect_dma source(%arg8 : memref<128xf32, #tpu.memory_space<vmem>>) target(%dma_start3A_119 : memref<10240xf32, #tpu.memory_space<vmem_shared>>) offsets(%dma_start3A_117 : memref<128xi32, #tpu.memory_space<vmem>>) semaphore(%arg10 : memref<!tpu.dma_semaphore, #tpu.memory_space<semaphore_mem>>) {add = true}
        %dma_start3A_120 = arith.constant 9 : i32
        %dma_start3A_121 = arith.constant 0 : i32
        %dma_start3A_122 = tpu.memref_slice %arg7[%dma_start3A_120, %dma_start3A_121] : memref<16x128xi32, #tpu.memory_space<vmem>> -> memref<1x128xi32, #tpu.memory_space<vmem>>
        %dma_start3A_123 = tpu.memref_squeeze %dma_start3A_122 : memref<1x128xi32, #tpu.memory_space<vmem>> -> memref<128xi32, #tpu.memory_space<vmem>>
        %dma_start3A_124 = arith.constant 0 : i32
        %dma_start3A_125 = tpu.memref_slice %arg9[%dma_start3A_124] : memref<10240xf32, #tpu.memory_space<vmem_shared>> -> memref<10240xf32, #tpu.memory_space<vmem_shared>>
        tpu.enqueue_indirect_dma source(%arg8 : memref<128xf32, #tpu.memory_space<vmem>>) target(%dma_start3A_125 : memref<10240xf32, #tpu.memory_space<vmem_shared>>) offsets(%dma_start3A_123 : memref<128xi32, #tpu.memory_space<vmem>>) semaphore(%arg10 : memref<!tpu.dma_semaphore, #tpu.memory_space<semaphore_mem>>) {add = true}
        %dma_start3A_126 = arith.constant 10 : i32
        %dma_start3A_127 = arith.constant 0 : i32
        %dma_start3A_128 = tpu.memref_slice %arg7[%dma_start3A_126, %dma_start3A_127] : memref<16x128xi32, #tpu.memory_space<vmem>> -> memref<1x128xi32, #tpu.memory_space<vmem>>
        %dma_start3A_129 = tpu.memref_squeeze %dma_start3A_128 : memref<1x128xi32, #tpu.memory_space<vmem>> -> memref<128xi32, #tpu.memory_space<vmem>>
        %dma_start3A_130 = arith.constant 0 : i32
        %dma_start3A_131 = tpu.memref_slice %arg9[%dma_start3A_130] : memref<10240xf32, #tpu.memory_space<vmem_shared>> -> memref<10240xf32, #tpu.memory_space<vmem_shared>>
        tpu.enqueue_indirect_dma source(%arg8 : memref<128xf32, #tpu.memory_space<vmem>>) target(%dma_start3A_131 : memref<10240xf32, #tpu.memory_space<vmem_shared>>) offsets(%dma_start3A_129 : memref<128xi32, #tpu.memory_space<vmem>>) semaphore(%arg10 : memref<!tpu.dma_semaphore, #tpu.memory_space<semaphore_mem>>) {add = true}
        %dma_start3A_132 = arith.constant 11 : i32
        %dma_start3A_133 = arith.constant 0 : i32
        %dma_start3A_134 = tpu.memref_slice %arg7[%dma_start3A_132, %dma_start3A_133] : memref<16x128xi32, #tpu.memory_space<vmem>> -> memref<1x128xi32, #tpu.memory_space<vmem>>
        %dma_start3A_135 = tpu.memref_squeeze %dma_start3A_134 : memref<1x128xi32, #tpu.memory_space<vmem>> -> memref<128xi32, #tpu.memory_space<vmem>>
        %dma_start3A_136 = arith.constant 0 : i32
        %dma_start3A_137 = tpu.memref_slice %arg9[%dma_start3A_136] : memref<10240xf32, #tpu.memory_space<vmem_shared>> -> memref<10240xf32, #tpu.memory_space<vmem_shared>>
        tpu.enqueue_indirect_dma source(%arg8 : memref<128xf32, #tpu.memory_space<vmem>>) target(%dma_start3A_137 : memref<10240xf32, #tpu.memory_space<vmem_shared>>) offsets(%dma_start3A_135 : memref<128xi32, #tpu.memory_space<vmem>>) semaphore(%arg10 : memref<!tpu.dma_semaphore, #tpu.memory_space<semaphore_mem>>) {add = true}
        %dma_start3A_138 = arith.constant 12 : i32
        %dma_start3A_139 = arith.constant 0 : i32
        %dma_start3A_140 = tpu.memref_slice %arg7[%dma_start3A_138, %dma_start3A_139] : memref<16x128xi32, #tpu.memory_space<vmem>> -> memref<1x128xi32, #tpu.memory_space<vmem>>
        %dma_start3A_141 = tpu.memref_squeeze %dma_start3A_140 : memref<1x128xi32, #tpu.memory_space<vmem>> -> memref<128xi32, #tpu.memory_space<vmem>>
        %dma_start3A_142 = arith.constant 0 : i32
        %dma_start3A_143 = tpu.memref_slice %arg9[%dma_start3A_142] : memref<10240xf32, #tpu.memory_space<vmem_shared>> -> memref<10240xf32, #tpu.memory_space<vmem_shared>>
        tpu.enqueue_indirect_dma source(%arg8 : memref<128xf32, #tpu.memory_space<vmem>>) target(%dma_start3A_143 : memref<10240xf32, #tpu.memory_space<vmem_shared>>) offsets(%dma_start3A_141 : memref<128xi32, #tpu.memory_space<vmem>>) semaphore(%arg10 : memref<!tpu.dma_semaphore, #tpu.memory_space<semaphore_mem>>) {add = true}
        %dma_start3A_144 = arith.constant 13 : i32
        %dma_start3A_145 = arith.constant 0 : i32
        %dma_start3A_146 = tpu.memref_slice %arg7[%dma_start3A_144, %dma_start3A_145] : memref<16x128xi32, #tpu.memory_space<vmem>> -> memref<1x128xi32, #tpu.memory_space<vmem>>
        %dma_start3A_147 = tpu.memref_squeeze %dma_start3A_146 : memref<1x128xi32, #tpu.memory_space<vmem>> -> memref<128xi32, #tpu.memory_space<vmem>>
        %dma_start3A_148 = arith.constant 0 : i32
        %dma_start3A_149 = tpu.memref_slice %arg9[%dma_start3A_148] : memref<10240xf32, #tpu.memory_space<vmem_shared>> -> memref<10240xf32, #tpu.memory_space<vmem_shared>>
        tpu.enqueue_indirect_dma source(%arg8 : memref<128xf32, #tpu.memory_space<vmem>>) target(%dma_start3A_149 : memref<10240xf32, #tpu.memory_space<vmem_shared>>) offsets(%dma_start3A_147 : memref<128xi32, #tpu.memory_space<vmem>>) semaphore(%arg10 : memref<!tpu.dma_semaphore, #tpu.memory_space<semaphore_mem>>) {add = true}
        %dma_start3A_150 = arith.constant 14 : i32
        %dma_start3A_151 = arith.constant 0 : i32
        %dma_start3A_152 = tpu.memref_slice %arg7[%dma_start3A_150, %dma_start3A_151] : memref<16x128xi32, #tpu.memory_space<vmem>> -> memref<1x128xi32, #tpu.memory_space<vmem>>
        %dma_start3A_153 = tpu.memref_squeeze %dma_start3A_152 : memref<1x128xi32, #tpu.memory_space<vmem>> -> memref<128xi32, #tpu.memory_space<vmem>>
        %dma_start3A_154 = arith.constant 0 : i32
        %dma_start3A_155 = tpu.memref_slice %arg9[%dma_start3A_154] : memref<10240xf32, #tpu.memory_space<vmem_shared>> -> memref<10240xf32, #tpu.memory_space<vmem_shared>>
        tpu.enqueue_indirect_dma source(%arg8 : memref<128xf32, #tpu.memory_space<vmem>>) target(%dma_start3A_155 : memref<10240xf32, #tpu.memory_space<vmem_shared>>) offsets(%dma_start3A_153 : memref<128xi32, #tpu.memory_space<vmem>>) semaphore(%arg10 : memref<!tpu.dma_semaphore, #tpu.memory_space<semaphore_mem>>) {add = true}
        %dma_start3A_156 = arith.constant 15 : i32
        %dma_start3A_157 = arith.constant 0 : i32
        %dma_start3A_158 = tpu.memref_slice %arg7[%dma_start3A_156, %dma_start3A_157] : memref<16x128xi32, #tpu.memory_space<vmem>> -> memref<1x128xi32, #tpu.memory_space<vmem>>
        %dma_start3A_159 = tpu.memref_squeeze %dma_start3A_158 : memref<1x128xi32, #tpu.memory_space<vmem>> -> memref<128xi32, #tpu.memory_space<vmem>>
        %dma_start3A_160 = arith.constant 0 : i32
        %dma_start3A_161 = tpu.memref_slice %arg9[%dma_start3A_160] : memref<10240xf32, #tpu.memory_space<vmem_shared>> -> memref<10240xf32, #tpu.memory_space<vmem_shared>>
        tpu.enqueue_indirect_dma source(%arg8 : memref<128xf32, #tpu.memory_space<vmem>>) target(%dma_start3A_161 : memref<10240xf32, #tpu.memory_space<vmem_shared>>) offsets(%dma_start3A_159 : memref<128xi32, #tpu.memory_space<vmem>>) semaphore(%arg10 : memref<!tpu.dma_semaphore, #tpu.memory_space<semaphore_mem>>) {add = true}
        %dma_wait3A = arith.constant 0 : i32
        %dma_wait3A_162 = arith.constant 0 : i32
        %dma_wait3A_163 = tpu.memref_slice %arg7[%dma_wait3A, %dma_wait3A_162] : memref<16x128xi32, #tpu.memory_space<vmem>> -> memref<1x128xi32, #tpu.memory_space<vmem>>
        %dma_wait3A_164 = tpu.memref_squeeze %dma_wait3A_163 : memref<1x128xi32, #tpu.memory_space<vmem>> -> memref<128xi32, #tpu.memory_space<vmem>>
        %dma_wait3A_165 = arith.constant 0 : i32
        %dma_wait3A_166 = tpu.memref_slice %arg9[%dma_wait3A_165] : memref<10240xf32, #tpu.memory_space<vmem_shared>> -> memref<10240xf32, #tpu.memory_space<vmem_shared>>
        tpu.wait_indirect_dma semaphore(%arg10 : memref<!tpu.dma_semaphore, #tpu.memory_space<semaphore_mem>>) src(%arg8 : memref<128xf32, #tpu.memory_space<vmem>>) dst(%dma_wait3A_166 : memref<10240xf32, #tpu.memory_space<vmem_shared>>)
        %dma_wait3A_167 = arith.constant 1 : i32
        %dma_wait3A_168 = arith.constant 0 : i32
        %dma_wait3A_169 = tpu.memref_slice %arg7[%dma_wait3A_167, %dma_wait3A_168] : memref<16x128xi32, #tpu.memory_space<vmem>> -> memref<1x128xi32, #tpu.memory_space<vmem>>
        %dma_wait3A_170 = tpu.memref_squeeze %dma_wait3A_169 : memref<1x128xi32, #tpu.memory_space<vmem>> -> memref<128xi32, #tpu.memory_space<vmem>>
        %dma_wait3A_171 = arith.constant 0 : i32
        %dma_wait3A_172 = tpu.memref_slice %arg9[%dma_wait3A_171] : memref<10240xf32, #tpu.memory_space<vmem_shared>> -> memref<10240xf32, #tpu.memory_space<vmem_shared>>
        tpu.wait_indirect_dma semaphore(%arg10 : memref<!tpu.dma_semaphore, #tpu.memory_space<semaphore_mem>>) src(%arg8 : memref<128xf32, #tpu.memory_space<vmem>>) dst(%dma_wait3A_172 : memref<10240xf32, #tpu.memory_space<vmem_shared>>)
        %dma_wait3A_173 = arith.constant 2 : i32
        %dma_wait3A_174 = arith.constant 0 : i32
        %dma_wait3A_175 = tpu.memref_slice %arg7[%dma_wait3A_173, %dma_wait3A_174] : memref<16x128xi32, #tpu.memory_space<vmem>> -> memref<1x128xi32, #tpu.memory_space<vmem>>
        %dma_wait3A_176 = tpu.memref_squeeze %dma_wait3A_175 : memref<1x128xi32, #tpu.memory_space<vmem>> -> memref<128xi32, #tpu.memory_space<vmem>>
        %dma_wait3A_177 = arith.constant 0 : i32
        %dma_wait3A_178 = tpu.memref_slice %arg9[%dma_wait3A_177] : memref<10240xf32, #tpu.memory_space<vmem_shared>> -> memref<10240xf32, #tpu.memory_space<vmem_shared>>
        tpu.wait_indirect_dma semaphore(%arg10 : memref<!tpu.dma_semaphore, #tpu.memory_space<semaphore_mem>>) src(%arg8 : memref<128xf32, #tpu.memory_space<vmem>>) dst(%dma_wait3A_178 : memref<10240xf32, #tpu.memory_space<vmem_shared>>)
        %dma_wait3A_179 = arith.constant 3 : i32
        %dma_wait3A_180 = arith.constant 0 : i32
        %dma_wait3A_181 = tpu.memref_slice %arg7[%dma_wait3A_179, %dma_wait3A_180] : memref<16x128xi32, #tpu.memory_space<vmem>> -> memref<1x128xi32, #tpu.memory_space<vmem>>
        %dma_wait3A_182 = tpu.memref_squeeze %dma_wait3A_181 : memref<1x128xi32, #tpu.memory_space<vmem>> -> memref<128xi32, #tpu.memory_space<vmem>>
        %dma_wait3A_183 = arith.constant 0 : i32
        %dma_wait3A_184 = tpu.memref_slice %arg9[%dma_wait3A_183] : memref<10240xf32, #tpu.memory_space<vmem_shared>> -> memref<10240xf32, #tpu.memory_space<vmem_shared>>
        tpu.wait_indirect_dma semaphore(%arg10 : memref<!tpu.dma_semaphore, #tpu.memory_space<semaphore_mem>>) src(%arg8 : memref<128xf32, #tpu.memory_space<vmem>>) dst(%dma_wait3A_184 : memref<10240xf32, #tpu.memory_space<vmem_shared>>)
        %dma_wait3A_185 = arith.constant 4 : i32
        %dma_wait3A_186 = arith.constant 0 : i32
        %dma_wait3A_187 = tpu.memref_slice %arg7[%dma_wait3A_185, %dma_wait3A_186] : memref<16x128xi32, #tpu.memory_space<vmem>> -> memref<1x128xi32, #tpu.memory_space<vmem>>
        %dma_wait3A_188 = tpu.memref_squeeze %dma_wait3A_187 : memref<1x128xi32, #tpu.memory_space<vmem>> -> memref<128xi32, #tpu.memory_space<vmem>>
        %dma_wait3A_189 = arith.constant 0 : i32
        %dma_wait3A_190 = tpu.memref_slice %arg9[%dma_wait3A_189] : memref<10240xf32, #tpu.memory_space<vmem_shared>> -> memref<10240xf32, #tpu.memory_space<vmem_shared>>
        tpu.wait_indirect_dma semaphore(%arg10 : memref<!tpu.dma_semaphore, #tpu.memory_space<semaphore_mem>>) src(%arg8 : memref<128xf32, #tpu.memory_space<vmem>>) dst(%dma_wait3A_190 : memref<10240xf32, #tpu.memory_space<vmem_shared>>)
        %dma_wait3A_191 = arith.constant 5 : i32
        %dma_wait3A_192 = arith.constant 0 : i32
        %dma_wait3A_193 = tpu.memref_slice %arg7[%dma_wait3A_191, %dma_wait3A_192] : memref<16x128xi32, #tpu.memory_space<vmem>> -> memref<1x128xi32, #tpu.memory_space<vmem>>
        %dma_wait3A_194 = tpu.memref_squeeze %dma_wait3A_193 : memref<1x128xi32, #tpu.memory_space<vmem>> -> memref<128xi32, #tpu.memory_space<vmem>>
        %dma_wait3A_195 = arith.constant 0 : i32
        %dma_wait3A_196 = tpu.memref_slice %arg9[%dma_wait3A_195] : memref<10240xf32, #tpu.memory_space<vmem_shared>> -> memref<10240xf32, #tpu.memory_space<vmem_shared>>
        tpu.wait_indirect_dma semaphore(%arg10 : memref<!tpu.dma_semaphore, #tpu.memory_space<semaphore_mem>>) src(%arg8 : memref<128xf32, #tpu.memory_space<vmem>>) dst(%dma_wait3A_196 : memref<10240xf32, #tpu.memory_space<vmem_shared>>)
        %dma_wait3A_197 = arith.constant 6 : i32
        %dma_wait3A_198 = arith.constant 0 : i32
        %dma_wait3A_199 = tpu.memref_slice %arg7[%dma_wait3A_197, %dma_wait3A_198] : memref<16x128xi32, #tpu.memory_space<vmem>> -> memref<1x128xi32, #tpu.memory_space<vmem>>
        %dma_wait3A_200 = tpu.memref_squeeze %dma_wait3A_199 : memref<1x128xi32, #tpu.memory_space<vmem>> -> memref<128xi32, #tpu.memory_space<vmem>>
        %dma_wait3A_201 = arith.constant 0 : i32
        %dma_wait3A_202 = tpu.memref_slice %arg9[%dma_wait3A_201] : memref<10240xf32, #tpu.memory_space<vmem_shared>> -> memref<10240xf32, #tpu.memory_space<vmem_shared>>
        tpu.wait_indirect_dma semaphore(%arg10 : memref<!tpu.dma_semaphore, #tpu.memory_space<semaphore_mem>>) src(%arg8 : memref<128xf32, #tpu.memory_space<vmem>>) dst(%dma_wait3A_202 : memref<10240xf32, #tpu.memory_space<vmem_shared>>)
        %dma_wait3A_203 = arith.constant 7 : i32
        %dma_wait3A_204 = arith.constant 0 : i32
        %dma_wait3A_205 = tpu.memref_slice %arg7[%dma_wait3A_203, %dma_wait3A_204] : memref<16x128xi32, #tpu.memory_space<vmem>> -> memref<1x128xi32, #tpu.memory_space<vmem>>
        %dma_wait3A_206 = tpu.memref_squeeze %dma_wait3A_205 : memref<1x128xi32, #tpu.memory_space<vmem>> -> memref<128xi32, #tpu.memory_space<vmem>>
        %dma_wait3A_207 = arith.constant 0 : i32
        %dma_wait3A_208 = tpu.memref_slice %arg9[%dma_wait3A_207] : memref<10240xf32, #tpu.memory_space<vmem_shared>> -> memref<10240xf32, #tpu.memory_space<vmem_shared>>
        tpu.wait_indirect_dma semaphore(%arg10 : memref<!tpu.dma_semaphore, #tpu.memory_space<semaphore_mem>>) src(%arg8 : memref<128xf32, #tpu.memory_space<vmem>>) dst(%dma_wait3A_208 : memref<10240xf32, #tpu.memory_space<vmem_shared>>)
        %dma_wait3A_209 = arith.constant 8 : i32
        %dma_wait3A_210 = arith.constant 0 : i32
        %dma_wait3A_211 = tpu.memref_slice %arg7[%dma_wait3A_209, %dma_wait3A_210] : memref<16x128xi32, #tpu.memory_space<vmem>> -> memref<1x128xi32, #tpu.memory_space<vmem>>
        %dma_wait3A_212 = tpu.memref_squeeze %dma_wait3A_211 : memref<1x128xi32, #tpu.memory_space<vmem>> -> memref<128xi32, #tpu.memory_space<vmem>>
        %dma_wait3A_213 = arith.constant 0 : i32
        %dma_wait3A_214 = tpu.memref_slice %arg9[%dma_wait3A_213] : memref<10240xf32, #tpu.memory_space<vmem_shared>> -> memref<10240xf32, #tpu.memory_space<vmem_shared>>
        tpu.wait_indirect_dma semaphore(%arg10 : memref<!tpu.dma_semaphore, #tpu.memory_space<semaphore_mem>>) src(%arg8 : memref<128xf32, #tpu.memory_space<vmem>>) dst(%dma_wait3A_214 : memref<10240xf32, #tpu.memory_space<vmem_shared>>)
        %dma_wait3A_215 = arith.constant 9 : i32
        %dma_wait3A_216 = arith.constant 0 : i32
        %dma_wait3A_217 = tpu.memref_slice %arg7[%dma_wait3A_215, %dma_wait3A_216] : memref<16x128xi32, #tpu.memory_space<vmem>> -> memref<1x128xi32, #tpu.memory_space<vmem>>
        %dma_wait3A_218 = tpu.memref_squeeze %dma_wait3A_217 : memref<1x128xi32, #tpu.memory_space<vmem>> -> memref<128xi32, #tpu.memory_space<vmem>>
        %dma_wait3A_219 = arith.constant 0 : i32
        %dma_wait3A_220 = tpu.memref_slice %arg9[%dma_wait3A_219] : memref<10240xf32, #tpu.memory_space<vmem_shared>> -> memref<10240xf32, #tpu.memory_space<vmem_shared>>
        tpu.wait_indirect_dma semaphore(%arg10 : memref<!tpu.dma_semaphore, #tpu.memory_space<semaphore_mem>>) src(%arg8 : memref<128xf32, #tpu.memory_space<vmem>>) dst(%dma_wait3A_220 : memref<10240xf32, #tpu.memory_space<vmem_shared>>)
        %dma_wait3A_221 = arith.constant 10 : i32
        %dma_wait3A_222 = arith.constant 0 : i32
        %dma_wait3A_223 = tpu.memref_slice %arg7[%dma_wait3A_221, %dma_wait3A_222] : memref<16x128xi32, #tpu.memory_space<vmem>> -> memref<1x128xi32, #tpu.memory_space<vmem>>
        %dma_wait3A_224 = tpu.memref_squeeze %dma_wait3A_223 : memref<1x128xi32, #tpu.memory_space<vmem>> -> memref<128xi32, #tpu.memory_space<vmem>>
        %dma_wait3A_225 = arith.constant 0 : i32
        %dma_wait3A_226 = tpu.memref_slice %arg9[%dma_wait3A_225] : memref<10240xf32, #tpu.memory_space<vmem_shared>> -> memref<10240xf32, #tpu.memory_space<vmem_shared>>
        tpu.wait_indirect_dma semaphore(%arg10 : memref<!tpu.dma_semaphore, #tpu.memory_space<semaphore_mem>>) src(%arg8 : memref<128xf32, #tpu.memory_space<vmem>>) dst(%dma_wait3A_226 : memref<10240xf32, #tpu.memory_space<vmem_shared>>)
        %dma_wait3A_227 = arith.constant 11 : i32
        %dma_wait3A_228 = arith.constant 0 : i32
        %dma_wait3A_229 = tpu.memref_slice %arg7[%dma_wait3A_227, %dma_wait3A_228] : memref<16x128xi32, #tpu.memory_space<vmem>> -> memref<1x128xi32, #tpu.memory_space<vmem>>
        %dma_wait3A_230 = tpu.memref_squeeze %dma_wait3A_229 : memref<1x128xi32, #tpu.memory_space<vmem>> -> memref<128xi32, #tpu.memory_space<vmem>>
        %dma_wait3A_231 = arith.constant 0 : i32
        %dma_wait3A_232 = tpu.memref_slice %arg9[%dma_wait3A_231] : memref<10240xf32, #tpu.memory_space<vmem_shared>> -> memref<10240xf32, #tpu.memory_space<vmem_shared>>
        tpu.wait_indirect_dma semaphore(%arg10 : memref<!tpu.dma_semaphore, #tpu.memory_space<semaphore_mem>>) src(%arg8 : memref<128xf32, #tpu.memory_space<vmem>>) dst(%dma_wait3A_232 : memref<10240xf32, #tpu.memory_space<vmem_shared>>)
        %dma_wait3A_233 = arith.constant 12 : i32
        %dma_wait3A_234 = arith.constant 0 : i32
        %dma_wait3A_235 = tpu.memref_slice %arg7[%dma_wait3A_233, %dma_wait3A_234] : memref<16x128xi32, #tpu.memory_space<vmem>> -> memref<1x128xi32, #tpu.memory_space<vmem>>
        %dma_wait3A_236 = tpu.memref_squeeze %dma_wait3A_235 : memref<1x128xi32, #tpu.memory_space<vmem>> -> memref<128xi32, #tpu.memory_space<vmem>>
        %dma_wait3A_237 = arith.constant 0 : i32
        %dma_wait3A_238 = tpu.memref_slice %arg9[%dma_wait3A_237] : memref<10240xf32, #tpu.memory_space<vmem_shared>> -> memref<10240xf32, #tpu.memory_space<vmem_shared>>
        tpu.wait_indirect_dma semaphore(%arg10 : memref<!tpu.dma_semaphore, #tpu.memory_space<semaphore_mem>>) src(%arg8 : memref<128xf32, #tpu.memory_space<vmem>>) dst(%dma_wait3A_238 : memref<10240xf32, #tpu.memory_space<vmem_shared>>)
        %dma_wait3A_239 = arith.constant 13 : i32
        %dma_wait3A_240 = arith.constant 0 : i32
        %dma_wait3A_241 = tpu.memref_slice %arg7[%dma_wait3A_239, %dma_wait3A_240] : memref<16x128xi32, #tpu.memory_space<vmem>> -> memref<1x128xi32, #tpu.memory_space<vmem>>
        %dma_wait3A_242 = tpu.memref_squeeze %dma_wait3A_241 : memref<1x128xi32, #tpu.memory_space<vmem>> -> memref<128xi32, #tpu.memory_space<vmem>>
        %dma_wait3A_243 = arith.constant 0 : i32
        %dma_wait3A_244 = tpu.memref_slice %arg9[%dma_wait3A_243] : memref<10240xf32, #tpu.memory_space<vmem_shared>> -> memref<10240xf32, #tpu.memory_space<vmem_shared>>
        tpu.wait_indirect_dma semaphore(%arg10 : memref<!tpu.dma_semaphore, #tpu.memory_space<semaphore_mem>>) src(%arg8 : memref<128xf32, #tpu.memory_space<vmem>>) dst(%dma_wait3A_244 : memref<10240xf32, #tpu.memory_space<vmem_shared>>)
        %dma_wait3A_245 = arith.constant 14 : i32
        %dma_wait3A_246 = arith.constant 0 : i32
        %dma_wait3A_247 = tpu.memref_slice %arg7[%dma_wait3A_245, %dma_wait3A_246] : memref<16x128xi32, #tpu.memory_space<vmem>> -> memref<1x128xi32, #tpu.memory_space<vmem>>
        %dma_wait3A_248 = tpu.memref_squeeze %dma_wait3A_247 : memref<1x128xi32, #tpu.memory_space<vmem>> -> memref<128xi32, #tpu.memory_space<vmem>>
        %dma_wait3A_249 = arith.constant 0 : i32
        %dma_wait3A_250 = tpu.memref_slice %arg9[%dma_wait3A_249] : memref<10240xf32, #tpu.memory_space<vmem_shared>> -> memref<10240xf32, #tpu.memory_space<vmem_shared>>
        tpu.wait_indirect_dma semaphore(%arg10 : memref<!tpu.dma_semaphore, #tpu.memory_space<semaphore_mem>>) src(%arg8 : memref<128xf32, #tpu.memory_space<vmem>>) dst(%dma_wait3A_250 : memref<10240xf32, #tpu.memory_space<vmem_shared>>)
        %dma_wait3A_251 = arith.constant 15 : i32
        %dma_wait3A_252 = arith.constant 0 : i32
        %dma_wait3A_253 = tpu.memref_slice %arg7[%dma_wait3A_251, %dma_wait3A_252] : memref<16x128xi32, #tpu.memory_space<vmem>> -> memref<1x128xi32, #tpu.memory_space<vmem>>
        %dma_wait3A_254 = tpu.memref_squeeze %dma_wait3A_253 : memref<1x128xi32, #tpu.memory_space<vmem>> -> memref<128xi32, #tpu.memory_space<vmem>>
        %dma_wait3A_255 = arith.constant 0 : i32
        %dma_wait3A_256 = tpu.memref_slice %arg9[%dma_wait3A_255] : memref<10240xf32, #tpu.memory_space<vmem_shared>> -> memref<10240xf32, #tpu.memory_space<vmem_shared>>
        tpu.wait_indirect_dma semaphore(%arg10 : memref<!tpu.dma_semaphore, #tpu.memory_space<semaphore_mem>>) src(%arg8 : memref<128xf32, #tpu.memory_space<vmem>>) dst(%dma_wait3A_256 : memref<10240xf32, #tpu.memory_space<vmem_shared>>)
      }
      %scan3A_58 = arith.constant 10 : i32
      %barrier3A_59 = arith.constant 0 : index
      tpu.barrier barrier_id(%barrier3A_59)
      %mul3A_60 = arith.constant 640 : i32
      %mul3A_61 = arith.muli %arg1, %mul3A_60 : i32
      "tpu.region"() ({
        %run_scoped3A = tpu.sem_alloc : memref<!tpu.dma_semaphore, #tpu.memory_space<semaphore_mem>>
        %dma_start3A = tpu.memref_slice %arg6[%mul3A_61] : memref<10240xf32, #tpu.memory_space<hbm>> -> memref<640xf32, #tpu.memory_space<hbm>>
        %dma_start3A_62 = tpu.memref_slice %arg9[%mul3A_61] : memref<10240xf32, #tpu.memory_space<vmem_shared>> -> memref<640xf32, #tpu.memory_space<vmem_shared>>
        tpu.enqueue_dma source(%dma_start3A_62 : memref<640xf32, #tpu.memory_space<vmem_shared>>) target(%dma_start3A : memref<640xf32, #tpu.memory_space<hbm>>) target_semaphore(%run_scoped3A : memref<!tpu.dma_semaphore, #tpu.memory_space<semaphore_mem>>)
        %dma_wait3A = tpu.memref_slice %arg6[%mul3A_61] : memref<10240xf32, #tpu.memory_space<hbm>> -> memref<640xf32, #tpu.memory_space<hbm>>
        %dma_wait3A_63 = tpu.memref_slice %arg9[%mul3A_61] : memref<10240xf32, #tpu.memory_space<vmem_shared>> -> memref<640xf32, #tpu.memory_space<vmem_shared>>
        tpu.wait_dma2 semaphore(%run_scoped3A : memref<!tpu.dma_semaphore, #tpu.memory_space<semaphore_mem>>) src(%dma_wait3A_63 : memref<640xf32, #tpu.memory_space<vmem_shared>>) dst(%dma_wait3A : memref<640xf32, #tpu.memory_space<hbm>>)
        tpu.yield
      }) : () -> ()
    } else {
    }
    return
  }
}

#map = affine_map<(d0, d1) -> (0, 0)>
module attributes {stable_mosaic.version = 14 : i64} {
  func.func @_spmm_kernel(%arg0: i32, %arg1: i32, %arg2: memref<2560x128xi32, #tpu.memory_space<hbm>>, %arg3: memref<2560x128xi32, #tpu.memory_space<hbm>>, %arg4: memref<10240x128xf32, #tpu.memory_space<hbm>>, %arg5: memref<10240x128xf32, #tpu.memory_space<hbm>>, %arg6: memref<10240x128xf32, #tpu.memory_space<hbm>>, %arg7: memref<10240x128xf32, #tpu.memory_space<hbm>>, %arg8: memref<10240x128xf32, #tpu.memory_space<hbm>>, %arg9: memref<32x128xi32, #tpu.memory_space<vmem>>, %arg10: memref<32x128xi32, #tpu.memory_space<vmem>>, %arg11: memref<128x128xf32, #tpu.memory_space<vmem>>, %arg12: memref<128x128xf32, #tpu.memory_space<vmem>>, %arg13: memref<10240x128xf32, #tpu.memory_space<vmem_shared>>, %arg14: memref<!tpu.dma_semaphore, #tpu.memory_space<semaphore_mem>>, %arg15: memref<!tpu.dma_semaphore, #tpu.memory_space<semaphore_mem>>) attributes {dimension_semantics = [#tpu.dimension_semantics<core_parallel>, #tpu.dimension_semantics<subcore_parallel>], iteration_bounds = array<i64: 2, 16>, scalar_prefetch = 0 : i64, scratch_operands = 7 : i64, tpu.core_type = #tpu.core_type<sc_vector_subcore>, window_params = [{transform_indices = #map}, {transform_indices = #map}, {transform_indices = #map}, {transform_indices = #map}, {transform_indices = #map}, {transform_indices = #map}, {transform_indices = #map}]} {
    %eq3A = arith.constant 0 : i32
    %eq3A_0 = arith.cmpi eq, %arg0, %eq3A : i32
    %convert_element_type3A = arith.extui %eq3A_0 : i1 to i32
    %cond3A = arith.constant 0 : i32
    %cond3A_1 = arith.cmpi ne, %convert_element_type3A, %cond3A : i32
    scf.if %cond3A_1 {
      %mul3A = arith.constant 640 : i32
      %mul3A_7 = arith.muli %arg1, %mul3A : i32
      "tpu.region"() ({
        %run_scoped3A = tpu.sem_alloc : memref<!tpu.dma_semaphore, #tpu.memory_space<semaphore_mem>>
        %dma_start3A = arith.constant 0 : i32
        %dma_start3A_16 = tpu.memref_slice %arg13[%mul3A_7, %dma_start3A] : memref<10240x128xf32, #tpu.memory_space<vmem_shared>> -> memref<640x128xf32, #tpu.memory_space<vmem_shared>>
        %dma_start3A_17 = arith.constant 0 : i32
        %dma_start3A_18 = tpu.memref_slice %arg6[%mul3A_7, %dma_start3A_17] : memref<10240x128xf32, #tpu.memory_space<hbm>> -> memref<640x128xf32, #tpu.memory_space<hbm>>
        tpu.enqueue_dma source(%dma_start3A_18 : memref<640x128xf32, #tpu.memory_space<hbm>>) target(%dma_start3A_16 : memref<640x128xf32, #tpu.memory_space<vmem_shared>>) target_semaphore(%run_scoped3A : memref<!tpu.dma_semaphore, #tpu.memory_space<semaphore_mem>>)
        %dma_wait3A = arith.constant 0 : i32
        %dma_wait3A_19 = tpu.memref_slice %arg13[%mul3A_7, %dma_wait3A] : memref<10240x128xf32, #tpu.memory_space<vmem_shared>> -> memref<640x128xf32, #tpu.memory_space<vmem_shared>>
        %dma_wait3A_20 = arith.constant 0 : i32
        %dma_wait3A_21 = tpu.memref_slice %arg6[%mul3A_7, %dma_wait3A_20] : memref<10240x128xf32, #tpu.memory_space<hbm>> -> memref<640x128xf32, #tpu.memory_space<hbm>>
        tpu.wait_dma2 semaphore(%run_scoped3A : memref<!tpu.dma_semaphore, #tpu.memory_space<semaphore_mem>>) src(%dma_wait3A_21 : memref<640x128xf32, #tpu.memory_space<hbm>>) dst(%dma_wait3A_19 : memref<640x128xf32, #tpu.memory_space<vmem_shared>>)
        tpu.yield
      }) : () -> ()
      %barrier3A = arith.constant 0 : index
      tpu.barrier barrier_id(%barrier3A)
      %scan3A = arith.constant 0 : i32
      %scan3A_8 = arith.constant 0 : i32
      %scan3A_9 = arith.constant 5 : i32
      %scan3A_10 = arith.addi %scan3A_8, %scan3A_9 : i32
      %scan3A_11 = arith.constant 1 : i32
      scf.for %scan3A_16 = %scan3A_8 to %scan3A_10 step %scan3A_11  : i32 {
        %mul3A_17 = arith.constant 5 : i32
        %mul3A_18 = arith.muli %arg1, %mul3A_17 : i32
        %add3A = arith.addi %mul3A_18, %scan3A_16 : i32
        %mul3A_19 = arith.constant 32 : i32
        %mul3A_20 = arith.muli %add3A, %mul3A_19 : i32
        %dma_start3A = arith.constant 0 : i32
        %dma_start3A_21 = tpu.memref_slice %arg2[%mul3A_20, %dma_start3A] : memref<2560x128xi32, #tpu.memory_space<hbm>> -> memref<32x128xi32, #tpu.memory_space<hbm>>
        %dma_start3A_22 = arith.constant 0 : i32
        %dma_start3A_23 = tpu.memref_slice %arg2[%mul3A_20, %dma_start3A_22] : memref<2560x128xi32, #tpu.memory_space<hbm>> -> memref<32x128xi32, #tpu.memory_space<hbm>>
        tpu.enqueue_dma source(%dma_start3A_23 : memref<32x128xi32, #tpu.memory_space<hbm>>) target(%arg9 : memref<32x128xi32, #tpu.memory_space<vmem>>) target_semaphore(%arg14 : memref<!tpu.dma_semaphore, #tpu.memory_space<semaphore_mem>>)
        %dma_start3A_24 = arith.constant 0 : i32
        %dma_start3A_25 = tpu.memref_slice %arg3[%mul3A_20, %dma_start3A_24] : memref<2560x128xi32, #tpu.memory_space<hbm>> -> memref<32x128xi32, #tpu.memory_space<hbm>>
        %dma_start3A_26 = arith.constant 0 : i32
        %dma_start3A_27 = tpu.memref_slice %arg3[%mul3A_20, %dma_start3A_26] : memref<2560x128xi32, #tpu.memory_space<hbm>> -> memref<32x128xi32, #tpu.memory_space<hbm>>
        tpu.enqueue_dma source(%dma_start3A_27 : memref<32x128xi32, #tpu.memory_space<hbm>>) target(%arg10 : memref<32x128xi32, #tpu.memory_space<vmem>>) target_semaphore(%arg14 : memref<!tpu.dma_semaphore, #tpu.memory_space<semaphore_mem>>)
        %dma_wait3A = arith.constant 0 : i32
        %dma_wait3A_28 = tpu.memref_slice %arg2[%mul3A_20, %dma_wait3A] : memref<2560x128xi32, #tpu.memory_space<hbm>> -> memref<32x128xi32, #tpu.memory_space<hbm>>
        %dma_wait3A_29 = arith.constant 0 : i32
        %dma_wait3A_30 = tpu.memref_slice %arg2[%mul3A_20, %dma_wait3A_29] : memref<2560x128xi32, #tpu.memory_space<hbm>> -> memref<32x128xi32, #tpu.memory_space<hbm>>
        tpu.wait_dma2 semaphore(%arg14 : memref<!tpu.dma_semaphore, #tpu.memory_space<semaphore_mem>>) src(%dma_wait3A_30 : memref<32x128xi32, #tpu.memory_space<hbm>>) dst(%arg9 : memref<32x128xi32, #tpu.memory_space<vmem>>)
        %dma_wait3A_31 = arith.constant 0 : i32
        %dma_wait3A_32 = tpu.memref_slice %arg3[%mul3A_20, %dma_wait3A_31] : memref<2560x128xi32, #tpu.memory_space<hbm>> -> memref<32x128xi32, #tpu.memory_space<hbm>>
        %dma_wait3A_33 = arith.constant 0 : i32
        %dma_wait3A_34 = tpu.memref_slice %arg3[%mul3A_20, %dma_wait3A_33] : memref<2560x128xi32, #tpu.memory_space<hbm>> -> memref<32x128xi32, #tpu.memory_space<hbm>>
        tpu.wait_dma2 semaphore(%arg14 : memref<!tpu.dma_semaphore, #tpu.memory_space<semaphore_mem>>) src(%dma_wait3A_34 : memref<32x128xi32, #tpu.memory_space<hbm>>) dst(%arg10 : memref<32x128xi32, #tpu.memory_space<vmem>>)
        %scan3A_35 = arith.constant 0 : i32
        %scan3A_36 = arith.constant 0 : i32
        %scan3A_37 = arith.constant 4 : i32
        %scan3A_38 = arith.addi %scan3A_36, %scan3A_37 : i32
        %scan3A_39 = arith.constant 1 : i32
        scf.for %scan3A_41 = %scan3A_36 to %scan3A_38 step %scan3A_39  : i32 {
          %mul3A_42 = arith.constant 8 : i32
          %mul3A_43 = arith.muli %scan3A_41, %mul3A_42 : i32
          %dma_start3A_44 = arith.constant 0 : i32
          %dma_start3A_45 = tpu.memref_slice %arg9[%mul3A_43, %dma_start3A_44] : memref<32x128xi32, #tpu.memory_space<vmem>> -> memref<1x128xi32, #tpu.memory_space<vmem>>
          %dma_start3A_46 = tpu.memref_squeeze %dma_start3A_45 : memref<1x128xi32, #tpu.memory_space<vmem>> -> memref<128xi32, #tpu.memory_space<vmem>>
          %dma_start3A_47 = arith.constant 0 : i32
          %dma_start3A_48 = arith.constant 0 : i32
          %dma_start3A_49 = tpu.memref_slice %arg4[%dma_start3A_47, %dma_start3A_48] : memref<10240x128xf32, #tpu.memory_space<hbm>> -> memref<10240x128xf32, #tpu.memory_space<hbm>>
          tpu.enqueue_indirect_dma source(%dma_start3A_49 : memref<10240x128xf32, #tpu.memory_space<hbm>>) target(%arg11 : memref<128x128xf32, #tpu.memory_space<vmem>>) offsets(%dma_start3A_46 : memref<128xi32, #tpu.memory_space<vmem>>) semaphore(%arg14 : memref<!tpu.dma_semaphore, #tpu.memory_space<semaphore_mem>>)
          %dma_wait3A_50 = arith.constant 0 : i32
          %dma_wait3A_51 = tpu.memref_slice %arg9[%mul3A_43, %dma_wait3A_50] : memref<32x128xi32, #tpu.memory_space<vmem>> -> memref<1x128xi32, #tpu.memory_space<vmem>>
          %dma_wait3A_52 = tpu.memref_squeeze %dma_wait3A_51 : memref<1x128xi32, #tpu.memory_space<vmem>> -> memref<128xi32, #tpu.memory_space<vmem>>
          %dma_wait3A_53 = arith.constant 0 : i32
          %dma_wait3A_54 = arith.constant 0 : i32
          %dma_wait3A_55 = tpu.memref_slice %arg4[%dma_wait3A_53, %dma_wait3A_54] : memref<10240x128xf32, #tpu.memory_space<hbm>> -> memref<10240x128xf32, #tpu.memory_space<hbm>>
          tpu.wait_indirect_dma semaphore(%arg14 : memref<!tpu.dma_semaphore, #tpu.memory_space<semaphore_mem>>) src(%dma_wait3A_55 : memref<10240x128xf32, #tpu.memory_space<hbm>>) dst(%arg11 : memref<128x128xf32, #tpu.memory_space<vmem>>)
          %add3A_56 = arith.constant 0 : i32
          %add3A_57 = arith.addi %mul3A_43, %add3A_56 : i32
          %add3A_58 = arith.constant 1 : i32
          %add3A_59 = arith.addi %add3A_57, %add3A_58 : i32
          %dma_start3A_60 = arith.constant 0 : i32
          %dma_start3A_61 = tpu.memref_slice %arg9[%add3A_59, %dma_start3A_60] : memref<32x128xi32, #tpu.memory_space<vmem>> -> memref<1x128xi32, #tpu.memory_space<vmem>>
          %dma_start3A_62 = tpu.memref_squeeze %dma_start3A_61 : memref<1x128xi32, #tpu.memory_space<vmem>> -> memref<128xi32, #tpu.memory_space<vmem>>
          %dma_start3A_63 = arith.constant 0 : i32
          %dma_start3A_64 = arith.constant 0 : i32
          %dma_start3A_65 = tpu.memref_slice %arg4[%dma_start3A_63, %dma_start3A_64] : memref<10240x128xf32, #tpu.memory_space<hbm>> -> memref<10240x128xf32, #tpu.memory_space<hbm>>
          tpu.enqueue_indirect_dma source(%dma_start3A_65 : memref<10240x128xf32, #tpu.memory_space<hbm>>) target(%arg12 : memref<128x128xf32, #tpu.memory_space<vmem>>) offsets(%dma_start3A_62 : memref<128xi32, #tpu.memory_space<vmem>>) semaphore(%arg14 : memref<!tpu.dma_semaphore, #tpu.memory_space<semaphore_mem>>)
          %add3A_66 = arith.constant 0 : i32
          %add3A_67 = arith.addi %mul3A_43, %add3A_66 : i32
          %dma_start3A_68 = arith.constant 0 : i32
          %dma_start3A_69 = tpu.memref_slice %arg10[%add3A_67, %dma_start3A_68] : memref<32x128xi32, #tpu.memory_space<vmem>> -> memref<1x128xi32, #tpu.memory_space<vmem>>
          %dma_start3A_70 = tpu.memref_squeeze %dma_start3A_69 : memref<1x128xi32, #tpu.memory_space<vmem>> -> memref<128xi32, #tpu.memory_space<vmem>>
          %dma_start3A_71 = arith.constant 0 : i32
          %dma_start3A_72 = arith.constant 0 : i32
          %dma_start3A_73 = tpu.memref_slice %arg13[%dma_start3A_71, %dma_start3A_72] : memref<10240x128xf32, #tpu.memory_space<vmem_shared>> -> memref<10240x128xf32, #tpu.memory_space<vmem_shared>>
          tpu.enqueue_indirect_dma source(%arg11 : memref<128x128xf32, #tpu.memory_space<vmem>>) target(%dma_start3A_73 : memref<10240x128xf32, #tpu.memory_space<vmem_shared>>) offsets(%dma_start3A_70 : memref<128xi32, #tpu.memory_space<vmem>>) semaphore(%arg15 : memref<!tpu.dma_semaphore, #tpu.memory_space<semaphore_mem>>) {add = true}
          %dma_wait3A_74 = arith.constant 0 : i32
          %dma_wait3A_75 = tpu.memref_slice %arg9[%add3A_59, %dma_wait3A_74] : memref<32x128xi32, #tpu.memory_space<vmem>> -> memref<1x128xi32, #tpu.memory_space<vmem>>
          %dma_wait3A_76 = tpu.memref_squeeze %dma_wait3A_75 : memref<1x128xi32, #tpu.memory_space<vmem>> -> memref<128xi32, #tpu.memory_space<vmem>>
          %dma_wait3A_77 = arith.constant 0 : i32
          %dma_wait3A_78 = arith.constant 0 : i32
          %dma_wait3A_79 = tpu.memref_slice %arg4[%dma_wait3A_77, %dma_wait3A_78] : memref<10240x128xf32, #tpu.memory_space<hbm>> -> memref<10240x128xf32, #tpu.memory_space<hbm>>
          tpu.wait_indirect_dma semaphore(%arg14 : memref<!tpu.dma_semaphore, #tpu.memory_space<semaphore_mem>>) src(%dma_wait3A_79 : memref<10240x128xf32, #tpu.memory_space<hbm>>) dst(%arg12 : memref<128x128xf32, #tpu.memory_space<vmem>>)
          %dma_wait3A_80 = arith.constant 0 : i32
          %dma_wait3A_81 = tpu.memref_slice %arg10[%add3A_67, %dma_wait3A_80] : memref<32x128xi32, #tpu.memory_space<vmem>> -> memref<1x128xi32, #tpu.memory_space<vmem>>
          %dma_wait3A_82 = tpu.memref_squeeze %dma_wait3A_81 : memref<1x128xi32, #tpu.memory_space<vmem>> -> memref<128xi32, #tpu.memory_space<vmem>>
          %dma_wait3A_83 = arith.constant 0 : i32
          %dma_wait3A_84 = arith.constant 0 : i32
          %dma_wait3A_85 = tpu.memref_slice %arg13[%dma_wait3A_83, %dma_wait3A_84] : memref<10240x128xf32, #tpu.memory_space<vmem_shared>> -> memref<10240x128xf32, #tpu.memory_space<vmem_shared>>
          tpu.wait_indirect_dma semaphore(%arg15 : memref<!tpu.dma_semaphore, #tpu.memory_space<semaphore_mem>>) src(%arg11 : memref<128x128xf32, #tpu.memory_space<vmem>>) dst(%dma_wait3A_85 : memref<10240x128xf32, #tpu.memory_space<vmem_shared>>)
          %add3A_86 = arith.constant 1 : i32
          %add3A_87 = arith.addi %mul3A_43, %add3A_86 : i32
          %add3A_88 = arith.constant 1 : i32
          %add3A_89 = arith.addi %add3A_87, %add3A_88 : i32
          %dma_start3A_90 = arith.constant 0 : i32
          %dma_start3A_91 = tpu.memref_slice %arg9[%add3A_89, %dma_start3A_90] : memref<32x128xi32, #tpu.memory_space<vmem>> -> memref<1x128xi32, #tpu.memory_space<vmem>>
          %dma_start3A_92 = tpu.memref_squeeze %dma_start3A_91 : memref<1x128xi32, #tpu.memory_space<vmem>> -> memref<128xi32, #tpu.memory_space<vmem>>
          %dma_start3A_93 = arith.constant 0 : i32
          %dma_start3A_94 = arith.constant 0 : i32
          %dma_start3A_95 = tpu.memref_slice %arg4[%dma_start3A_93, %dma_start3A_94] : memref<10240x128xf32, #tpu.memory_space<hbm>> -> memref<10240x128xf32, #tpu.memory_space<hbm>>
          tpu.enqueue_indirect_dma source(%dma_start3A_95 : memref<10240x128xf32, #tpu.memory_space<hbm>>) target(%arg11 : memref<128x128xf32, #tpu.memory_space<vmem>>) offsets(%dma_start3A_92 : memref<128xi32, #tpu.memory_space<vmem>>) semaphore(%arg14 : memref<!tpu.dma_semaphore, #tpu.memory_space<semaphore_mem>>)
          %add3A_96 = arith.constant 1 : i32
          %add3A_97 = arith.addi %mul3A_43, %add3A_96 : i32
          %dma_start3A_98 = arith.constant 0 : i32
          %dma_start3A_99 = tpu.memref_slice %arg10[%add3A_97, %dma_start3A_98] : memref<32x128xi32, #tpu.memory_space<vmem>> -> memref<1x128xi32, #tpu.memory_space<vmem>>
          %dma_start3A_100 = tpu.memref_squeeze %dma_start3A_99 : memref<1x128xi32, #tpu.memory_space<vmem>> -> memref<128xi32, #tpu.memory_space<vmem>>
          %dma_start3A_101 = arith.constant 0 : i32
          %dma_start3A_102 = arith.constant 0 : i32
          %dma_start3A_103 = tpu.memref_slice %arg13[%dma_start3A_101, %dma_start3A_102] : memref<10240x128xf32, #tpu.memory_space<vmem_shared>> -> memref<10240x128xf32, #tpu.memory_space<vmem_shared>>
          tpu.enqueue_indirect_dma source(%arg12 : memref<128x128xf32, #tpu.memory_space<vmem>>) target(%dma_start3A_103 : memref<10240x128xf32, #tpu.memory_space<vmem_shared>>) offsets(%dma_start3A_100 : memref<128xi32, #tpu.memory_space<vmem>>) semaphore(%arg15 : memref<!tpu.dma_semaphore, #tpu.memory_space<semaphore_mem>>) {add = true}
          %dma_wait3A_104 = arith.constant 0 : i32
          %dma_wait3A_105 = tpu.memref_slice %arg9[%add3A_89, %dma_wait3A_104] : memref<32x128xi32, #tpu.memory_space<vmem>> -> memref<1x128xi32, #tpu.memory_space<vmem>>
          %dma_wait3A_106 = tpu.memref_squeeze %dma_wait3A_105 : memref<1x128xi32, #tpu.memory_space<vmem>> -> memref<128xi32, #tpu.memory_space<vmem>>
          %dma_wait3A_107 = arith.constant 0 : i32
          %dma_wait3A_108 = arith.constant 0 : i32
          %dma_wait3A_109 = tpu.memref_slice %arg4[%dma_wait3A_107, %dma_wait3A_108] : memref<10240x128xf32, #tpu.memory_space<hbm>> -> memref<10240x128xf32, #tpu.memory_space<hbm>>
          tpu.wait_indirect_dma semaphore(%arg14 : memref<!tpu.dma_semaphore, #tpu.memory_space<semaphore_mem>>) src(%dma_wait3A_109 : memref<10240x128xf32, #tpu.memory_space<hbm>>) dst(%arg11 : memref<128x128xf32, #tpu.memory_space<vmem>>)
          %dma_wait3A_110 = arith.constant 0 : i32
          %dma_wait3A_111 = tpu.memref_slice %arg10[%add3A_97, %dma_wait3A_110] : memref<32x128xi32, #tpu.memory_space<vmem>> -> memref<1x128xi32, #tpu.memory_space<vmem>>
          %dma_wait3A_112 = tpu.memref_squeeze %dma_wait3A_111 : memref<1x128xi32, #tpu.memory_space<vmem>> -> memref<128xi32, #tpu.memory_space<vmem>>
          %dma_wait3A_113 = arith.constant 0 : i32
          %dma_wait3A_114 = arith.constant 0 : i32
          %dma_wait3A_115 = tpu.memref_slice %arg13[%dma_wait3A_113, %dma_wait3A_114] : memref<10240x128xf32, #tpu.memory_space<vmem_shared>> -> memref<10240x128xf32, #tpu.memory_space<vmem_shared>>
          tpu.wait_indirect_dma semaphore(%arg15 : memref<!tpu.dma_semaphore, #tpu.memory_space<semaphore_mem>>) src(%arg12 : memref<128x128xf32, #tpu.memory_space<vmem>>) dst(%dma_wait3A_115 : memref<10240x128xf32, #tpu.memory_space<vmem_shared>>)
          %add3A_116 = arith.constant 2 : i32
          %add3A_117 = arith.addi %mul3A_43, %add3A_116 : i32
          %add3A_118 = arith.constant 1 : i32
          %add3A_119 = arith.addi %add3A_117, %add3A_118 : i32
          %dma_start3A_120 = arith.constant 0 : i32
          %dma_start3A_121 = tpu.memref_slice %arg9[%add3A_119, %dma_start3A_120] : memref<32x128xi32, #tpu.memory_space<vmem>> -> memref<1x128xi32, #tpu.memory_space<vmem>>
          %dma_start3A_122 = tpu.memref_squeeze %dma_start3A_121 : memref<1x128xi32, #tpu.memory_space<vmem>> -> memref<128xi32, #tpu.memory_space<vmem>>
          %dma_start3A_123 = arith.constant 0 : i32
          %dma_start3A_124 = arith.constant 0 : i32
          %dma_start3A_125 = tpu.memref_slice %arg4[%dma_start3A_123, %dma_start3A_124] : memref<10240x128xf32, #tpu.memory_space<hbm>> -> memref<10240x128xf32, #tpu.memory_space<hbm>>
          tpu.enqueue_indirect_dma source(%dma_start3A_125 : memref<10240x128xf32, #tpu.memory_space<hbm>>) target(%arg12 : memref<128x128xf32, #tpu.memory_space<vmem>>) offsets(%dma_start3A_122 : memref<128xi32, #tpu.memory_space<vmem>>) semaphore(%arg14 : memref<!tpu.dma_semaphore, #tpu.memory_space<semaphore_mem>>)
          %add3A_126 = arith.constant 2 : i32
          %add3A_127 = arith.addi %mul3A_43, %add3A_126 : i32
          %dma_start3A_128 = arith.constant 0 : i32
          %dma_start3A_129 = tpu.memref_slice %arg10[%add3A_127, %dma_start3A_128] : memref<32x128xi32, #tpu.memory_space<vmem>> -> memref<1x128xi32, #tpu.memory_space<vmem>>
          %dma_start3A_130 = tpu.memref_squeeze %dma_start3A_129 : memref<1x128xi32, #tpu.memory_space<vmem>> -> memref<128xi32, #tpu.memory_space<vmem>>
          %dma_start3A_131 = arith.constant 0 : i32
          %dma_start3A_132 = arith.constant 0 : i32
          %dma_start3A_133 = tpu.memref_slice %arg13[%dma_start3A_131, %dma_start3A_132] : memref<10240x128xf32, #tpu.memory_space<vmem_shared>> -> memref<10240x128xf32, #tpu.memory_space<vmem_shared>>
          tpu.enqueue_indirect_dma source(%arg11 : memref<128x128xf32, #tpu.memory_space<vmem>>) target(%dma_start3A_133 : memref<10240x128xf32, #tpu.memory_space<vmem_shared>>) offsets(%dma_start3A_130 : memref<128xi32, #tpu.memory_space<vmem>>) semaphore(%arg15 : memref<!tpu.dma_semaphore, #tpu.memory_space<semaphore_mem>>) {add = true}
          %dma_wait3A_134 = arith.constant 0 : i32
          %dma_wait3A_135 = tpu.memref_slice %arg9[%add3A_119, %dma_wait3A_134] : memref<32x128xi32, #tpu.memory_space<vmem>> -> memref<1x128xi32, #tpu.memory_space<vmem>>
          %dma_wait3A_136 = tpu.memref_squeeze %dma_wait3A_135 : memref<1x128xi32, #tpu.memory_space<vmem>> -> memref<128xi32, #tpu.memory_space<vmem>>
          %dma_wait3A_137 = arith.constant 0 : i32
          %dma_wait3A_138 = arith.constant 0 : i32
          %dma_wait3A_139 = tpu.memref_slice %arg4[%dma_wait3A_137, %dma_wait3A_138] : memref<10240x128xf32, #tpu.memory_space<hbm>> -> memref<10240x128xf32, #tpu.memory_space<hbm>>
          tpu.wait_indirect_dma semaphore(%arg14 : memref<!tpu.dma_semaphore, #tpu.memory_space<semaphore_mem>>) src(%dma_wait3A_139 : memref<10240x128xf32, #tpu.memory_space<hbm>>) dst(%arg12 : memref<128x128xf32, #tpu.memory_space<vmem>>)
          %dma_wait3A_140 = arith.constant 0 : i32
          %dma_wait3A_141 = tpu.memref_slice %arg10[%add3A_127, %dma_wait3A_140] : memref<32x128xi32, #tpu.memory_space<vmem>> -> memref<1x128xi32, #tpu.memory_space<vmem>>
          %dma_wait3A_142 = tpu.memref_squeeze %dma_wait3A_141 : memref<1x128xi32, #tpu.memory_space<vmem>> -> memref<128xi32, #tpu.memory_space<vmem>>
          %dma_wait3A_143 = arith.constant 0 : i32
          %dma_wait3A_144 = arith.constant 0 : i32
          %dma_wait3A_145 = tpu.memref_slice %arg13[%dma_wait3A_143, %dma_wait3A_144] : memref<10240x128xf32, #tpu.memory_space<vmem_shared>> -> memref<10240x128xf32, #tpu.memory_space<vmem_shared>>
          tpu.wait_indirect_dma semaphore(%arg15 : memref<!tpu.dma_semaphore, #tpu.memory_space<semaphore_mem>>) src(%arg11 : memref<128x128xf32, #tpu.memory_space<vmem>>) dst(%dma_wait3A_145 : memref<10240x128xf32, #tpu.memory_space<vmem_shared>>)
          %add3A_146 = arith.constant 3 : i32
          %add3A_147 = arith.addi %mul3A_43, %add3A_146 : i32
          %add3A_148 = arith.constant 1 : i32
          %add3A_149 = arith.addi %add3A_147, %add3A_148 : i32
          %dma_start3A_150 = arith.constant 0 : i32
          %dma_start3A_151 = tpu.memref_slice %arg9[%add3A_149, %dma_start3A_150] : memref<32x128xi32, #tpu.memory_space<vmem>> -> memref<1x128xi32, #tpu.memory_space<vmem>>
          %dma_start3A_152 = tpu.memref_squeeze %dma_start3A_151 : memref<1x128xi32, #tpu.memory_space<vmem>> -> memref<128xi32, #tpu.memory_space<vmem>>
          %dma_start3A_153 = arith.constant 0 : i32
          %dma_start3A_154 = arith.constant 0 : i32
          %dma_start3A_155 = tpu.memref_slice %arg4[%dma_start3A_153, %dma_start3A_154] : memref<10240x128xf32, #tpu.memory_space<hbm>> -> memref<10240x128xf32, #tpu.memory_space<hbm>>
          tpu.enqueue_indirect_dma source(%dma_start3A_155 : memref<10240x128xf32, #tpu.memory_space<hbm>>) target(%arg11 : memref<128x128xf32, #tpu.memory_space<vmem>>) offsets(%dma_start3A_152 : memref<128xi32, #tpu.memory_space<vmem>>) semaphore(%arg14 : memref<!tpu.dma_semaphore, #tpu.memory_space<semaphore_mem>>)
          %add3A_156 = arith.constant 3 : i32
          %add3A_157 = arith.addi %mul3A_43, %add3A_156 : i32
          %dma_start3A_158 = arith.constant 0 : i32
          %dma_start3A_159 = tpu.memref_slice %arg10[%add3A_157, %dma_start3A_158] : memref<32x128xi32, #tpu.memory_space<vmem>> -> memref<1x128xi32, #tpu.memory_space<vmem>>
          %dma_start3A_160 = tpu.memref_squeeze %dma_start3A_159 : memref<1x128xi32, #tpu.memory_space<vmem>> -> memref<128xi32, #tpu.memory_space<vmem>>
          %dma_start3A_161 = arith.constant 0 : i32
          %dma_start3A_162 = arith.constant 0 : i32
          %dma_start3A_163 = tpu.memref_slice %arg13[%dma_start3A_161, %dma_start3A_162] : memref<10240x128xf32, #tpu.memory_space<vmem_shared>> -> memref<10240x128xf32, #tpu.memory_space<vmem_shared>>
          tpu.enqueue_indirect_dma source(%arg12 : memref<128x128xf32, #tpu.memory_space<vmem>>) target(%dma_start3A_163 : memref<10240x128xf32, #tpu.memory_space<vmem_shared>>) offsets(%dma_start3A_160 : memref<128xi32, #tpu.memory_space<vmem>>) semaphore(%arg15 : memref<!tpu.dma_semaphore, #tpu.memory_space<semaphore_mem>>) {add = true}
          %dma_wait3A_164 = arith.constant 0 : i32
          %dma_wait3A_165 = tpu.memref_slice %arg9[%add3A_149, %dma_wait3A_164] : memref<32x128xi32, #tpu.memory_space<vmem>> -> memref<1x128xi32, #tpu.memory_space<vmem>>
          %dma_wait3A_166 = tpu.memref_squeeze %dma_wait3A_165 : memref<1x128xi32, #tpu.memory_space<vmem>> -> memref<128xi32, #tpu.memory_space<vmem>>
          %dma_wait3A_167 = arith.constant 0 : i32
          %dma_wait3A_168 = arith.constant 0 : i32
          %dma_wait3A_169 = tpu.memref_slice %arg4[%dma_wait3A_167, %dma_wait3A_168] : memref<10240x128xf32, #tpu.memory_space<hbm>> -> memref<10240x128xf32, #tpu.memory_space<hbm>>
          tpu.wait_indirect_dma semaphore(%arg14 : memref<!tpu.dma_semaphore, #tpu.memory_space<semaphore_mem>>) src(%dma_wait3A_169 : memref<10240x128xf32, #tpu.memory_space<hbm>>) dst(%arg11 : memref<128x128xf32, #tpu.memory_space<vmem>>)
          %dma_wait3A_170 = arith.constant 0 : i32
          %dma_wait3A_171 = tpu.memref_slice %arg10[%add3A_157, %dma_wait3A_170] : memref<32x128xi32, #tpu.memory_space<vmem>> -> memref<1x128xi32, #tpu.memory_space<vmem>>
          %dma_wait3A_172 = tpu.memref_squeeze %dma_wait3A_171 : memref<1x128xi32, #tpu.memory_space<vmem>> -> memref<128xi32, #tpu.memory_space<vmem>>
          %dma_wait3A_173 = arith.constant 0 : i32
          %dma_wait3A_174 = arith.constant 0 : i32
          %dma_wait3A_175 = tpu.memref_slice %arg13[%dma_wait3A_173, %dma_wait3A_174] : memref<10240x128xf32, #tpu.memory_space<vmem_shared>> -> memref<10240x128xf32, #tpu.memory_space<vmem_shared>>
          tpu.wait_indirect_dma semaphore(%arg15 : memref<!tpu.dma_semaphore, #tpu.memory_space<semaphore_mem>>) src(%arg12 : memref<128x128xf32, #tpu.memory_space<vmem>>) dst(%dma_wait3A_175 : memref<10240x128xf32, #tpu.memory_space<vmem_shared>>)
          %add3A_176 = arith.constant 4 : i32
          %add3A_177 = arith.addi %mul3A_43, %add3A_176 : i32
          %add3A_178 = arith.constant 1 : i32
          %add3A_179 = arith.addi %add3A_177, %add3A_178 : i32
          %dma_start3A_180 = arith.constant 0 : i32
          %dma_start3A_181 = tpu.memref_slice %arg9[%add3A_179, %dma_start3A_180] : memref<32x128xi32, #tpu.memory_space<vmem>> -> memref<1x128xi32, #tpu.memory_space<vmem>>
          %dma_start3A_182 = tpu.memref_squeeze %dma_start3A_181 : memref<1x128xi32, #tpu.memory_space<vmem>> -> memref<128xi32, #tpu.memory_space<vmem>>
          %dma_start3A_183 = arith.constant 0 : i32
          %dma_start3A_184 = arith.constant 0 : i32
          %dma_start3A_185 = tpu.memref_slice %arg4[%dma_start3A_183, %dma_start3A_184] : memref<10240x128xf32, #tpu.memory_space<hbm>> -> memref<10240x128xf32, #tpu.memory_space<hbm>>
          tpu.enqueue_indirect_dma source(%dma_start3A_185 : memref<10240x128xf32, #tpu.memory_space<hbm>>) target(%arg12 : memref<128x128xf32, #tpu.memory_space<vmem>>) offsets(%dma_start3A_182 : memref<128xi32, #tpu.memory_space<vmem>>) semaphore(%arg14 : memref<!tpu.dma_semaphore, #tpu.memory_space<semaphore_mem>>)
          %add3A_186 = arith.constant 4 : i32
          %add3A_187 = arith.addi %mul3A_43, %add3A_186 : i32
          %dma_start3A_188 = arith.constant 0 : i32
          %dma_start3A_189 = tpu.memref_slice %arg10[%add3A_187, %dma_start3A_188] : memref<32x128xi32, #tpu.memory_space<vmem>> -> memref<1x128xi32, #tpu.memory_space<vmem>>
          %dma_start3A_190 = tpu.memref_squeeze %dma_start3A_189 : memref<1x128xi32, #tpu.memory_space<vmem>> -> memref<128xi32, #tpu.memory_space<vmem>>
          %dma_start3A_191 = arith.constant 0 : i32
          %dma_start3A_192 = arith.constant 0 : i32
          %dma_start3A_193 = tpu.memref_slice %arg13[%dma_start3A_191, %dma_start3A_192] : memref<10240x128xf32, #tpu.memory_space<vmem_shared>> -> memref<10240x128xf32, #tpu.memory_space<vmem_shared>>
          tpu.enqueue_indirect_dma source(%arg11 : memref<128x128xf32, #tpu.memory_space<vmem>>) target(%dma_start3A_193 : memref<10240x128xf32, #tpu.memory_space<vmem_shared>>) offsets(%dma_start3A_190 : memref<128xi32, #tpu.memory_space<vmem>>) semaphore(%arg15 : memref<!tpu.dma_semaphore, #tpu.memory_space<semaphore_mem>>) {add = true}
          %dma_wait3A_194 = arith.constant 0 : i32
          %dma_wait3A_195 = tpu.memref_slice %arg9[%add3A_179, %dma_wait3A_194] : memref<32x128xi32, #tpu.memory_space<vmem>> -> memref<1x128xi32, #tpu.memory_space<vmem>>
          %dma_wait3A_196 = tpu.memref_squeeze %dma_wait3A_195 : memref<1x128xi32, #tpu.memory_space<vmem>> -> memref<128xi32, #tpu.memory_space<vmem>>
          %dma_wait3A_197 = arith.constant 0 : i32
          %dma_wait3A_198 = arith.constant 0 : i32
          %dma_wait3A_199 = tpu.memref_slice %arg4[%dma_wait3A_197, %dma_wait3A_198] : memref<10240x128xf32, #tpu.memory_space<hbm>> -> memref<10240x128xf32, #tpu.memory_space<hbm>>
          tpu.wait_indirect_dma semaphore(%arg14 : memref<!tpu.dma_semaphore, #tpu.memory_space<semaphore_mem>>) src(%dma_wait3A_199 : memref<10240x128xf32, #tpu.memory_space<hbm>>) dst(%arg12 : memref<128x128xf32, #tpu.memory_space<vmem>>)
          %dma_wait3A_200 = arith.constant 0 : i32
          %dma_wait3A_201 = tpu.memref_slice %arg10[%add3A_187, %dma_wait3A_200] : memref<32x128xi32, #tpu.memory_space<vmem>> -> memref<1x128xi32, #tpu.memory_space<vmem>>
          %dma_wait3A_202 = tpu.memref_squeeze %dma_wait3A_201 : memref<1x128xi32, #tpu.memory_space<vmem>> -> memref<128xi32, #tpu.memory_space<vmem>>
          %dma_wait3A_203 = arith.constant 0 : i32
          %dma_wait3A_204 = arith.constant 0 : i32
          %dma_wait3A_205 = tpu.memref_slice %arg13[%dma_wait3A_203, %dma_wait3A_204] : memref<10240x128xf32, #tpu.memory_space<vmem_shared>> -> memref<10240x128xf32, #tpu.memory_space<vmem_shared>>
          tpu.wait_indirect_dma semaphore(%arg15 : memref<!tpu.dma_semaphore, #tpu.memory_space<semaphore_mem>>) src(%arg11 : memref<128x128xf32, #tpu.memory_space<vmem>>) dst(%dma_wait3A_205 : memref<10240x128xf32, #tpu.memory_space<vmem_shared>>)
          %add3A_206 = arith.constant 5 : i32
          %add3A_207 = arith.addi %mul3A_43, %add3A_206 : i32
          %add3A_208 = arith.constant 1 : i32
          %add3A_209 = arith.addi %add3A_207, %add3A_208 : i32
          %dma_start3A_210 = arith.constant 0 : i32
          %dma_start3A_211 = tpu.memref_slice %arg9[%add3A_209, %dma_start3A_210] : memref<32x128xi32, #tpu.memory_space<vmem>> -> memref<1x128xi32, #tpu.memory_space<vmem>>
          %dma_start3A_212 = tpu.memref_squeeze %dma_start3A_211 : memref<1x128xi32, #tpu.memory_space<vmem>> -> memref<128xi32, #tpu.memory_space<vmem>>
          %dma_start3A_213 = arith.constant 0 : i32
          %dma_start3A_214 = arith.constant 0 : i32
          %dma_start3A_215 = tpu.memref_slice %arg4[%dma_start3A_213, %dma_start3A_214] : memref<10240x128xf32, #tpu.memory_space<hbm>> -> memref<10240x128xf32, #tpu.memory_space<hbm>>
          tpu.enqueue_indirect_dma source(%dma_start3A_215 : memref<10240x128xf32, #tpu.memory_space<hbm>>) target(%arg11 : memref<128x128xf32, #tpu.memory_space<vmem>>) offsets(%dma_start3A_212 : memref<128xi32, #tpu.memory_space<vmem>>) semaphore(%arg14 : memref<!tpu.dma_semaphore, #tpu.memory_space<semaphore_mem>>)
          %add3A_216 = arith.constant 5 : i32
          %add3A_217 = arith.addi %mul3A_43, %add3A_216 : i32
          %dma_start3A_218 = arith.constant 0 : i32
          %dma_start3A_219 = tpu.memref_slice %arg10[%add3A_217, %dma_start3A_218] : memref<32x128xi32, #tpu.memory_space<vmem>> -> memref<1x128xi32, #tpu.memory_space<vmem>>
          %dma_start3A_220 = tpu.memref_squeeze %dma_start3A_219 : memref<1x128xi32, #tpu.memory_space<vmem>> -> memref<128xi32, #tpu.memory_space<vmem>>
          %dma_start3A_221 = arith.constant 0 : i32
          %dma_start3A_222 = arith.constant 0 : i32
          %dma_start3A_223 = tpu.memref_slice %arg13[%dma_start3A_221, %dma_start3A_222] : memref<10240x128xf32, #tpu.memory_space<vmem_shared>> -> memref<10240x128xf32, #tpu.memory_space<vmem_shared>>
          tpu.enqueue_indirect_dma source(%arg12 : memref<128x128xf32, #tpu.memory_space<vmem>>) target(%dma_start3A_223 : memref<10240x128xf32, #tpu.memory_space<vmem_shared>>) offsets(%dma_start3A_220 : memref<128xi32, #tpu.memory_space<vmem>>) semaphore(%arg15 : memref<!tpu.dma_semaphore, #tpu.memory_space<semaphore_mem>>) {add = true}
          %dma_wait3A_224 = arith.constant 0 : i32
          %dma_wait3A_225 = tpu.memref_slice %arg9[%add3A_209, %dma_wait3A_224] : memref<32x128xi32, #tpu.memory_space<vmem>> -> memref<1x128xi32, #tpu.memory_space<vmem>>
          %dma_wait3A_226 = tpu.memref_squeeze %dma_wait3A_225 : memref<1x128xi32, #tpu.memory_space<vmem>> -> memref<128xi32, #tpu.memory_space<vmem>>
          %dma_wait3A_227 = arith.constant 0 : i32
          %dma_wait3A_228 = arith.constant 0 : i32
          %dma_wait3A_229 = tpu.memref_slice %arg4[%dma_wait3A_227, %dma_wait3A_228] : memref<10240x128xf32, #tpu.memory_space<hbm>> -> memref<10240x128xf32, #tpu.memory_space<hbm>>
          tpu.wait_indirect_dma semaphore(%arg14 : memref<!tpu.dma_semaphore, #tpu.memory_space<semaphore_mem>>) src(%dma_wait3A_229 : memref<10240x128xf32, #tpu.memory_space<hbm>>) dst(%arg11 : memref<128x128xf32, #tpu.memory_space<vmem>>)
          %dma_wait3A_230 = arith.constant 0 : i32
          %dma_wait3A_231 = tpu.memref_slice %arg10[%add3A_217, %dma_wait3A_230] : memref<32x128xi32, #tpu.memory_space<vmem>> -> memref<1x128xi32, #tpu.memory_space<vmem>>
          %dma_wait3A_232 = tpu.memref_squeeze %dma_wait3A_231 : memref<1x128xi32, #tpu.memory_space<vmem>> -> memref<128xi32, #tpu.memory_space<vmem>>
          %dma_wait3A_233 = arith.constant 0 : i32
          %dma_wait3A_234 = arith.constant 0 : i32
          %dma_wait3A_235 = tpu.memref_slice %arg13[%dma_wait3A_233, %dma_wait3A_234] : memref<10240x128xf32, #tpu.memory_space<vmem_shared>> -> memref<10240x128xf32, #tpu.memory_space<vmem_shared>>
          tpu.wait_indirect_dma semaphore(%arg15 : memref<!tpu.dma_semaphore, #tpu.memory_space<semaphore_mem>>) src(%arg12 : memref<128x128xf32, #tpu.memory_space<vmem>>) dst(%dma_wait3A_235 : memref<10240x128xf32, #tpu.memory_space<vmem_shared>>)
          %add3A_236 = arith.constant 6 : i32
          %add3A_237 = arith.addi %mul3A_43, %add3A_236 : i32
          %add3A_238 = arith.constant 1 : i32
          %add3A_239 = arith.addi %add3A_237, %add3A_238 : i32
          %dma_start3A_240 = arith.constant 0 : i32
          %dma_start3A_241 = tpu.memref_slice %arg9[%add3A_239, %dma_start3A_240] : memref<32x128xi32, #tpu.memory_space<vmem>> -> memref<1x128xi32, #tpu.memory_space<vmem>>
          %dma_start3A_242 = tpu.memref_squeeze %dma_start3A_241 : memref<1x128xi32, #tpu.memory_space<vmem>> -> memref<128xi32, #tpu.memory_space<vmem>>
          %dma_start3A_243 = arith.constant 0 : i32
          %dma_start3A_244 = arith.constant 0 : i32
          %dma_start3A_245 = tpu.memref_slice %arg4[%dma_start3A_243, %dma_start3A_244] : memref<10240x128xf32, #tpu.memory_space<hbm>> -> memref<10240x128xf32, #tpu.memory_space<hbm>>
          tpu.enqueue_indirect_dma source(%dma_start3A_245 : memref<10240x128xf32, #tpu.memory_space<hbm>>) target(%arg12 : memref<128x128xf32, #tpu.memory_space<vmem>>) offsets(%dma_start3A_242 : memref<128xi32, #tpu.memory_space<vmem>>) semaphore(%arg14 : memref<!tpu.dma_semaphore, #tpu.memory_space<semaphore_mem>>)
          %add3A_246 = arith.constant 6 : i32
          %add3A_247 = arith.addi %mul3A_43, %add3A_246 : i32
          %dma_start3A_248 = arith.constant 0 : i32
          %dma_start3A_249 = tpu.memref_slice %arg10[%add3A_247, %dma_start3A_248] : memref<32x128xi32, #tpu.memory_space<vmem>> -> memref<1x128xi32, #tpu.memory_space<vmem>>
          %dma_start3A_250 = tpu.memref_squeeze %dma_start3A_249 : memref<1x128xi32, #tpu.memory_space<vmem>> -> memref<128xi32, #tpu.memory_space<vmem>>
          %dma_start3A_251 = arith.constant 0 : i32
          %dma_start3A_252 = arith.constant 0 : i32
          %dma_start3A_253 = tpu.memref_slice %arg13[%dma_start3A_251, %dma_start3A_252] : memref<10240x128xf32, #tpu.memory_space<vmem_shared>> -> memref<10240x128xf32, #tpu.memory_space<vmem_shared>>
          tpu.enqueue_indirect_dma source(%arg11 : memref<128x128xf32, #tpu.memory_space<vmem>>) target(%dma_start3A_253 : memref<10240x128xf32, #tpu.memory_space<vmem_shared>>) offsets(%dma_start3A_250 : memref<128xi32, #tpu.memory_space<vmem>>) semaphore(%arg15 : memref<!tpu.dma_semaphore, #tpu.memory_space<semaphore_mem>>) {add = true}
          %dma_wait3A_254 = arith.constant 0 : i32
          %dma_wait3A_255 = tpu.memref_slice %arg9[%add3A_239, %dma_wait3A_254] : memref<32x128xi32, #tpu.memory_space<vmem>> -> memref<1x128xi32, #tpu.memory_space<vmem>>
          %dma_wait3A_256 = tpu.memref_squeeze %dma_wait3A_255 : memref<1x128xi32, #tpu.memory_space<vmem>> -> memref<128xi32, #tpu.memory_space<vmem>>
          %dma_wait3A_257 = arith.constant 0 : i32
          %dma_wait3A_258 = arith.constant 0 : i32
          %dma_wait3A_259 = tpu.memref_slice %arg4[%dma_wait3A_257, %dma_wait3A_258] : memref<10240x128xf32, #tpu.memory_space<hbm>> -> memref<10240x128xf32, #tpu.memory_space<hbm>>
          tpu.wait_indirect_dma semaphore(%arg14 : memref<!tpu.dma_semaphore, #tpu.memory_space<semaphore_mem>>) src(%dma_wait3A_259 : memref<10240x128xf32, #tpu.memory_space<hbm>>) dst(%arg12 : memref<128x128xf32, #tpu.memory_space<vmem>>)
          %add3A_260 = arith.constant 7 : i32
          %add3A_261 = arith.addi %mul3A_43, %add3A_260 : i32
          %dma_start3A_262 = arith.constant 0 : i32
          %dma_start3A_263 = tpu.memref_slice %arg10[%add3A_261, %dma_start3A_262] : memref<32x128xi32, #tpu.memory_space<vmem>> -> memref<1x128xi32, #tpu.memory_space<vmem>>
          %dma_start3A_264 = tpu.memref_squeeze %dma_start3A_263 : memref<1x128xi32, #tpu.memory_space<vmem>> -> memref<128xi32, #tpu.memory_space<vmem>>
          %dma_start3A_265 = arith.constant 0 : i32
          %dma_start3A_266 = arith.constant 0 : i32
          %dma_start3A_267 = tpu.memref_slice %arg13[%dma_start3A_265, %dma_start3A_266] : memref<10240x128xf32, #tpu.memory_space<vmem_shared>> -> memref<10240x128xf32, #tpu.memory_space<vmem_shared>>
          tpu.enqueue_indirect_dma source(%arg12 : memref<128x128xf32, #tpu.memory_space<vmem>>) target(%dma_start3A_267 : memref<10240x128xf32, #tpu.memory_space<vmem_shared>>) offsets(%dma_start3A_264 : memref<128xi32, #tpu.memory_space<vmem>>) semaphore(%arg15 : memref<!tpu.dma_semaphore, #tpu.memory_space<semaphore_mem>>) {add = true}
          %dma_wait3A_268 = arith.constant 0 : i32
          %dma_wait3A_269 = tpu.memref_slice %arg10[%add3A_247, %dma_wait3A_268] : memref<32x128xi32, #tpu.memory_space<vmem>> -> memref<1x128xi32, #tpu.memory_space<vmem>>
          %dma_wait3A_270 = tpu.memref_squeeze %dma_wait3A_269 : memref<1x128xi32, #tpu.memory_space<vmem>> -> memref<128xi32, #tpu.memory_space<vmem>>
          %dma_wait3A_271 = arith.constant 0 : i32
          %dma_wait3A_272 = arith.constant 0 : i32
          %dma_wait3A_273 = tpu.memref_slice %arg13[%dma_wait3A_271, %dma_wait3A_272] : memref<10240x128xf32, #tpu.memory_space<vmem_shared>> -> memref<10240x128xf32, #tpu.memory_space<vmem_shared>>
          tpu.wait_indirect_dma semaphore(%arg15 : memref<!tpu.dma_semaphore, #tpu.memory_space<semaphore_mem>>) src(%arg11 : memref<128x128xf32, #tpu.memory_space<vmem>>) dst(%dma_wait3A_273 : memref<10240x128xf32, #tpu.memory_space<vmem_shared>>)
          %dma_wait3A_274 = arith.constant 0 : i32
          %dma_wait3A_275 = tpu.memref_slice %arg10[%add3A_261, %dma_wait3A_274] : memref<32x128xi32, #tpu.memory_space<vmem>> -> memref<1x128xi32, #tpu.memory_space<vmem>>
          %dma_wait3A_276 = tpu.memref_squeeze %dma_wait3A_275 : memref<1x128xi32, #tpu.memory_space<vmem>> -> memref<128xi32, #tpu.memory_space<vmem>>
          %dma_wait3A_277 = arith.constant 0 : i32
          %dma_wait3A_278 = arith.constant 0 : i32
          %dma_wait3A_279 = tpu.memref_slice %arg13[%dma_wait3A_277, %dma_wait3A_278] : memref<10240x128xf32, #tpu.memory_space<vmem_shared>> -> memref<10240x128xf32, #tpu.memory_space<vmem_shared>>
          tpu.wait_indirect_dma semaphore(%arg15 : memref<!tpu.dma_semaphore, #tpu.memory_space<semaphore_mem>>) src(%arg12 : memref<128x128xf32, #tpu.memory_space<vmem>>) dst(%dma_wait3A_279 : memref<10240x128xf32, #tpu.memory_space<vmem_shared>>)
        }
        %scan3A_40 = arith.constant 4 : i32
      }
      %scan3A_12 = arith.constant 5 : i32
      %barrier3A_13 = arith.constant 0 : index
      tpu.barrier barrier_id(%barrier3A_13)
      %mul3A_14 = arith.constant 640 : i32
      %mul3A_15 = arith.muli %arg1, %mul3A_14 : i32
      "tpu.region"() ({
        %run_scoped3A = tpu.sem_alloc : memref<!tpu.dma_semaphore, #tpu.memory_space<semaphore_mem>>
        %dma_start3A = arith.constant 0 : i32
        %dma_start3A_16 = tpu.memref_slice %arg7[%mul3A_15, %dma_start3A] : memref<10240x128xf32, #tpu.memory_space<hbm>> -> memref<640x128xf32, #tpu.memory_space<hbm>>
        %dma_start3A_17 = arith.constant 0 : i32
        %dma_start3A_18 = tpu.memref_slice %arg13[%mul3A_15, %dma_start3A_17] : memref<10240x128xf32, #tpu.memory_space<vmem_shared>> -> memref<640x128xf32, #tpu.memory_space<vmem_shared>>
        tpu.enqueue_dma source(%dma_start3A_18 : memref<640x128xf32, #tpu.memory_space<vmem_shared>>) target(%dma_start3A_16 : memref<640x128xf32, #tpu.memory_space<hbm>>) target_semaphore(%run_scoped3A : memref<!tpu.dma_semaphore, #tpu.memory_space<semaphore_mem>>)
        %dma_wait3A = arith.constant 0 : i32
        %dma_wait3A_19 = tpu.memref_slice %arg7[%mul3A_15, %dma_wait3A] : memref<10240x128xf32, #tpu.memory_space<hbm>> -> memref<640x128xf32, #tpu.memory_space<hbm>>
        %dma_wait3A_20 = arith.constant 0 : i32
        %dma_wait3A_21 = tpu.memref_slice %arg13[%mul3A_15, %dma_wait3A_20] : memref<10240x128xf32, #tpu.memory_space<vmem_shared>> -> memref<640x128xf32, #tpu.memory_space<vmem_shared>>
        tpu.wait_dma2 semaphore(%run_scoped3A : memref<!tpu.dma_semaphore, #tpu.memory_space<semaphore_mem>>) src(%dma_wait3A_21 : memref<640x128xf32, #tpu.memory_space<vmem_shared>>) dst(%dma_wait3A_19 : memref<640x128xf32, #tpu.memory_space<hbm>>)
        tpu.yield
      }) : () -> ()
    } else {
    }
    %eq3A_2 = arith.constant 1 : i32
    %eq3A_3 = arith.cmpi eq, %arg0, %eq3A_2 : i32
    %convert_element_type3A_4 = arith.extui %eq3A_3 : i1 to i32
    %cond3A_5 = arith.constant 0 : i32
    %cond3A_6 = arith.cmpi ne, %convert_element_type3A_4, %cond3A_5 : i32
    scf.if %cond3A_6 {
      %mul3A = arith.constant 640 : i32
      %mul3A_7 = arith.muli %arg1, %mul3A : i32
      "tpu.region"() ({
        %run_scoped3A = tpu.sem_alloc : memref<!tpu.dma_semaphore, #tpu.memory_space<semaphore_mem>>
        %dma_start3A = arith.constant 0 : i32
        %dma_start3A_16 = tpu.memref_slice %arg13[%mul3A_7, %dma_start3A] : memref<10240x128xf32, #tpu.memory_space<vmem_shared>> -> memref<640x128xf32, #tpu.memory_space<vmem_shared>>
        %dma_start3A_17 = arith.constant 0 : i32
        %dma_start3A_18 = tpu.memref_slice %arg6[%mul3A_7, %dma_start3A_17] : memref<10240x128xf32, #tpu.memory_space<hbm>> -> memref<640x128xf32, #tpu.memory_space<hbm>>
        tpu.enqueue_dma source(%dma_start3A_18 : memref<640x128xf32, #tpu.memory_space<hbm>>) target(%dma_start3A_16 : memref<640x128xf32, #tpu.memory_space<vmem_shared>>) target_semaphore(%run_scoped3A : memref<!tpu.dma_semaphore, #tpu.memory_space<semaphore_mem>>)
        %dma_wait3A = arith.constant 0 : i32
        %dma_wait3A_19 = tpu.memref_slice %arg13[%mul3A_7, %dma_wait3A] : memref<10240x128xf32, #tpu.memory_space<vmem_shared>> -> memref<640x128xf32, #tpu.memory_space<vmem_shared>>
        %dma_wait3A_20 = arith.constant 0 : i32
        %dma_wait3A_21 = tpu.memref_slice %arg6[%mul3A_7, %dma_wait3A_20] : memref<10240x128xf32, #tpu.memory_space<hbm>> -> memref<640x128xf32, #tpu.memory_space<hbm>>
        tpu.wait_dma2 semaphore(%run_scoped3A : memref<!tpu.dma_semaphore, #tpu.memory_space<semaphore_mem>>) src(%dma_wait3A_21 : memref<640x128xf32, #tpu.memory_space<hbm>>) dst(%dma_wait3A_19 : memref<640x128xf32, #tpu.memory_space<vmem_shared>>)
        tpu.yield
      }) : () -> ()
      %barrier3A = arith.constant 0 : index
      tpu.barrier barrier_id(%barrier3A)
      %scan3A = arith.constant 0 : i32
      %scan3A_8 = arith.constant 0 : i32
      %scan3A_9 = arith.constant 5 : i32
      %scan3A_10 = arith.addi %scan3A_8, %scan3A_9 : i32
      %scan3A_11 = arith.constant 1 : i32
      scf.for %scan3A_16 = %scan3A_8 to %scan3A_10 step %scan3A_11  : i32 {
        %mul3A_17 = arith.constant 5 : i32
        %mul3A_18 = arith.muli %arg1, %mul3A_17 : i32
        %add3A = arith.addi %mul3A_18, %scan3A_16 : i32
        %mul3A_19 = arith.constant 32 : i32
        %mul3A_20 = arith.muli %add3A, %mul3A_19 : i32
        %dma_start3A = arith.constant 0 : i32
        %dma_start3A_21 = tpu.memref_slice %arg2[%mul3A_20, %dma_start3A] : memref<2560x128xi32, #tpu.memory_space<hbm>> -> memref<32x128xi32, #tpu.memory_space<hbm>>
        %dma_start3A_22 = arith.constant 0 : i32
        %dma_start3A_23 = tpu.memref_slice %arg2[%mul3A_20, %dma_start3A_22] : memref<2560x128xi32, #tpu.memory_space<hbm>> -> memref<32x128xi32, #tpu.memory_space<hbm>>
        tpu.enqueue_dma source(%dma_start3A_23 : memref<32x128xi32, #tpu.memory_space<hbm>>) target(%arg9 : memref<32x128xi32, #tpu.memory_space<vmem>>) target_semaphore(%arg14 : memref<!tpu.dma_semaphore, #tpu.memory_space<semaphore_mem>>)
        %dma_start3A_24 = arith.constant 0 : i32
        %dma_start3A_25 = tpu.memref_slice %arg3[%mul3A_20, %dma_start3A_24] : memref<2560x128xi32, #tpu.memory_space<hbm>> -> memref<32x128xi32, #tpu.memory_space<hbm>>
        %dma_start3A_26 = arith.constant 0 : i32
        %dma_start3A_27 = tpu.memref_slice %arg3[%mul3A_20, %dma_start3A_26] : memref<2560x128xi32, #tpu.memory_space<hbm>> -> memref<32x128xi32, #tpu.memory_space<hbm>>
        tpu.enqueue_dma source(%dma_start3A_27 : memref<32x128xi32, #tpu.memory_space<hbm>>) target(%arg10 : memref<32x128xi32, #tpu.memory_space<vmem>>) target_semaphore(%arg14 : memref<!tpu.dma_semaphore, #tpu.memory_space<semaphore_mem>>)
        %dma_wait3A = arith.constant 0 : i32
        %dma_wait3A_28 = tpu.memref_slice %arg2[%mul3A_20, %dma_wait3A] : memref<2560x128xi32, #tpu.memory_space<hbm>> -> memref<32x128xi32, #tpu.memory_space<hbm>>
        %dma_wait3A_29 = arith.constant 0 : i32
        %dma_wait3A_30 = tpu.memref_slice %arg2[%mul3A_20, %dma_wait3A_29] : memref<2560x128xi32, #tpu.memory_space<hbm>> -> memref<32x128xi32, #tpu.memory_space<hbm>>
        tpu.wait_dma2 semaphore(%arg14 : memref<!tpu.dma_semaphore, #tpu.memory_space<semaphore_mem>>) src(%dma_wait3A_30 : memref<32x128xi32, #tpu.memory_space<hbm>>) dst(%arg9 : memref<32x128xi32, #tpu.memory_space<vmem>>)
        %dma_wait3A_31 = arith.constant 0 : i32
        %dma_wait3A_32 = tpu.memref_slice %arg3[%mul3A_20, %dma_wait3A_31] : memref<2560x128xi32, #tpu.memory_space<hbm>> -> memref<32x128xi32, #tpu.memory_space<hbm>>
        %dma_wait3A_33 = arith.constant 0 : i32
        %dma_wait3A_34 = tpu.memref_slice %arg3[%mul3A_20, %dma_wait3A_33] : memref<2560x128xi32, #tpu.memory_space<hbm>> -> memref<32x128xi32, #tpu.memory_space<hbm>>
        tpu.wait_dma2 semaphore(%arg14 : memref<!tpu.dma_semaphore, #tpu.memory_space<semaphore_mem>>) src(%dma_wait3A_34 : memref<32x128xi32, #tpu.memory_space<hbm>>) dst(%arg10 : memref<32x128xi32, #tpu.memory_space<vmem>>)
        %scan3A_35 = arith.constant 0 : i32
        %scan3A_36 = arith.constant 0 : i32
        %scan3A_37 = arith.constant 4 : i32
        %scan3A_38 = arith.addi %scan3A_36, %scan3A_37 : i32
        %scan3A_39 = arith.constant 1 : i32
        scf.for %scan3A_41 = %scan3A_36 to %scan3A_38 step %scan3A_39  : i32 {
          %mul3A_42 = arith.constant 8 : i32
          %mul3A_43 = arith.muli %scan3A_41, %mul3A_42 : i32
          %dma_start3A_44 = arith.constant 0 : i32
          %dma_start3A_45 = tpu.memref_slice %arg9[%mul3A_43, %dma_start3A_44] : memref<32x128xi32, #tpu.memory_space<vmem>> -> memref<1x128xi32, #tpu.memory_space<vmem>>
          %dma_start3A_46 = tpu.memref_squeeze %dma_start3A_45 : memref<1x128xi32, #tpu.memory_space<vmem>> -> memref<128xi32, #tpu.memory_space<vmem>>
          %dma_start3A_47 = arith.constant 0 : i32
          %dma_start3A_48 = arith.constant 0 : i32
          %dma_start3A_49 = tpu.memref_slice %arg5[%dma_start3A_47, %dma_start3A_48] : memref<10240x128xf32, #tpu.memory_space<hbm>> -> memref<10240x128xf32, #tpu.memory_space<hbm>>
          tpu.enqueue_indirect_dma source(%dma_start3A_49 : memref<10240x128xf32, #tpu.memory_space<hbm>>) target(%arg11 : memref<128x128xf32, #tpu.memory_space<vmem>>) offsets(%dma_start3A_46 : memref<128xi32, #tpu.memory_space<vmem>>) semaphore(%arg14 : memref<!tpu.dma_semaphore, #tpu.memory_space<semaphore_mem>>)
          %dma_wait3A_50 = arith.constant 0 : i32
          %dma_wait3A_51 = tpu.memref_slice %arg9[%mul3A_43, %dma_wait3A_50] : memref<32x128xi32, #tpu.memory_space<vmem>> -> memref<1x128xi32, #tpu.memory_space<vmem>>
          %dma_wait3A_52 = tpu.memref_squeeze %dma_wait3A_51 : memref<1x128xi32, #tpu.memory_space<vmem>> -> memref<128xi32, #tpu.memory_space<vmem>>
          %dma_wait3A_53 = arith.constant 0 : i32
          %dma_wait3A_54 = arith.constant 0 : i32
          %dma_wait3A_55 = tpu.memref_slice %arg5[%dma_wait3A_53, %dma_wait3A_54] : memref<10240x128xf32, #tpu.memory_space<hbm>> -> memref<10240x128xf32, #tpu.memory_space<hbm>>
          tpu.wait_indirect_dma semaphore(%arg14 : memref<!tpu.dma_semaphore, #tpu.memory_space<semaphore_mem>>) src(%dma_wait3A_55 : memref<10240x128xf32, #tpu.memory_space<hbm>>) dst(%arg11 : memref<128x128xf32, #tpu.memory_space<vmem>>)
          %add3A_56 = arith.constant 0 : i32
          %add3A_57 = arith.addi %mul3A_43, %add3A_56 : i32
          %add3A_58 = arith.constant 1 : i32
          %add3A_59 = arith.addi %add3A_57, %add3A_58 : i32
          %dma_start3A_60 = arith.constant 0 : i32
          %dma_start3A_61 = tpu.memref_slice %arg9[%add3A_59, %dma_start3A_60] : memref<32x128xi32, #tpu.memory_space<vmem>> -> memref<1x128xi32, #tpu.memory_space<vmem>>
          %dma_start3A_62 = tpu.memref_squeeze %dma_start3A_61 : memref<1x128xi32, #tpu.memory_space<vmem>> -> memref<128xi32, #tpu.memory_space<vmem>>
          %dma_start3A_63 = arith.constant 0 : i32
          %dma_start3A_64 = arith.constant 0 : i32
          %dma_start3A_65 = tpu.memref_slice %arg5[%dma_start3A_63, %dma_start3A_64] : memref<10240x128xf32, #tpu.memory_space<hbm>> -> memref<10240x128xf32, #tpu.memory_space<hbm>>
          tpu.enqueue_indirect_dma source(%dma_start3A_65 : memref<10240x128xf32, #tpu.memory_space<hbm>>) target(%arg12 : memref<128x128xf32, #tpu.memory_space<vmem>>) offsets(%dma_start3A_62 : memref<128xi32, #tpu.memory_space<vmem>>) semaphore(%arg14 : memref<!tpu.dma_semaphore, #tpu.memory_space<semaphore_mem>>)
          %add3A_66 = arith.constant 0 : i32
          %add3A_67 = arith.addi %mul3A_43, %add3A_66 : i32
          %dma_start3A_68 = arith.constant 0 : i32
          %dma_start3A_69 = tpu.memref_slice %arg10[%add3A_67, %dma_start3A_68] : memref<32x128xi32, #tpu.memory_space<vmem>> -> memref<1x128xi32, #tpu.memory_space<vmem>>
          %dma_start3A_70 = tpu.memref_squeeze %dma_start3A_69 : memref<1x128xi32, #tpu.memory_space<vmem>> -> memref<128xi32, #tpu.memory_space<vmem>>
          %dma_start3A_71 = arith.constant 0 : i32
          %dma_start3A_72 = arith.constant 0 : i32
          %dma_start3A_73 = tpu.memref_slice %arg13[%dma_start3A_71, %dma_start3A_72] : memref<10240x128xf32, #tpu.memory_space<vmem_shared>> -> memref<10240x128xf32, #tpu.memory_space<vmem_shared>>
          tpu.enqueue_indirect_dma source(%arg11 : memref<128x128xf32, #tpu.memory_space<vmem>>) target(%dma_start3A_73 : memref<10240x128xf32, #tpu.memory_space<vmem_shared>>) offsets(%dma_start3A_70 : memref<128xi32, #tpu.memory_space<vmem>>) semaphore(%arg15 : memref<!tpu.dma_semaphore, #tpu.memory_space<semaphore_mem>>) {add = true}
          %dma_wait3A_74 = arith.constant 0 : i32
          %dma_wait3A_75 = tpu.memref_slice %arg9[%add3A_59, %dma_wait3A_74] : memref<32x128xi32, #tpu.memory_space<vmem>> -> memref<1x128xi32, #tpu.memory_space<vmem>>
          %dma_wait3A_76 = tpu.memref_squeeze %dma_wait3A_75 : memref<1x128xi32, #tpu.memory_space<vmem>> -> memref<128xi32, #tpu.memory_space<vmem>>
          %dma_wait3A_77 = arith.constant 0 : i32
          %dma_wait3A_78 = arith.constant 0 : i32
          %dma_wait3A_79 = tpu.memref_slice %arg5[%dma_wait3A_77, %dma_wait3A_78] : memref<10240x128xf32, #tpu.memory_space<hbm>> -> memref<10240x128xf32, #tpu.memory_space<hbm>>
          tpu.wait_indirect_dma semaphore(%arg14 : memref<!tpu.dma_semaphore, #tpu.memory_space<semaphore_mem>>) src(%dma_wait3A_79 : memref<10240x128xf32, #tpu.memory_space<hbm>>) dst(%arg12 : memref<128x128xf32, #tpu.memory_space<vmem>>)
          %dma_wait3A_80 = arith.constant 0 : i32
          %dma_wait3A_81 = tpu.memref_slice %arg10[%add3A_67, %dma_wait3A_80] : memref<32x128xi32, #tpu.memory_space<vmem>> -> memref<1x128xi32, #tpu.memory_space<vmem>>
          %dma_wait3A_82 = tpu.memref_squeeze %dma_wait3A_81 : memref<1x128xi32, #tpu.memory_space<vmem>> -> memref<128xi32, #tpu.memory_space<vmem>>
          %dma_wait3A_83 = arith.constant 0 : i32
          %dma_wait3A_84 = arith.constant 0 : i32
          %dma_wait3A_85 = tpu.memref_slice %arg13[%dma_wait3A_83, %dma_wait3A_84] : memref<10240x128xf32, #tpu.memory_space<vmem_shared>> -> memref<10240x128xf32, #tpu.memory_space<vmem_shared>>
          tpu.wait_indirect_dma semaphore(%arg15 : memref<!tpu.dma_semaphore, #tpu.memory_space<semaphore_mem>>) src(%arg11 : memref<128x128xf32, #tpu.memory_space<vmem>>) dst(%dma_wait3A_85 : memref<10240x128xf32, #tpu.memory_space<vmem_shared>>)
          %add3A_86 = arith.constant 1 : i32
          %add3A_87 = arith.addi %mul3A_43, %add3A_86 : i32
          %add3A_88 = arith.constant 1 : i32
          %add3A_89 = arith.addi %add3A_87, %add3A_88 : i32
          %dma_start3A_90 = arith.constant 0 : i32
          %dma_start3A_91 = tpu.memref_slice %arg9[%add3A_89, %dma_start3A_90] : memref<32x128xi32, #tpu.memory_space<vmem>> -> memref<1x128xi32, #tpu.memory_space<vmem>>
          %dma_start3A_92 = tpu.memref_squeeze %dma_start3A_91 : memref<1x128xi32, #tpu.memory_space<vmem>> -> memref<128xi32, #tpu.memory_space<vmem>>
          %dma_start3A_93 = arith.constant 0 : i32
          %dma_start3A_94 = arith.constant 0 : i32
          %dma_start3A_95 = tpu.memref_slice %arg5[%dma_start3A_93, %dma_start3A_94] : memref<10240x128xf32, #tpu.memory_space<hbm>> -> memref<10240x128xf32, #tpu.memory_space<hbm>>
          tpu.enqueue_indirect_dma source(%dma_start3A_95 : memref<10240x128xf32, #tpu.memory_space<hbm>>) target(%arg11 : memref<128x128xf32, #tpu.memory_space<vmem>>) offsets(%dma_start3A_92 : memref<128xi32, #tpu.memory_space<vmem>>) semaphore(%arg14 : memref<!tpu.dma_semaphore, #tpu.memory_space<semaphore_mem>>)
          %add3A_96 = arith.constant 1 : i32
          %add3A_97 = arith.addi %mul3A_43, %add3A_96 : i32
          %dma_start3A_98 = arith.constant 0 : i32
          %dma_start3A_99 = tpu.memref_slice %arg10[%add3A_97, %dma_start3A_98] : memref<32x128xi32, #tpu.memory_space<vmem>> -> memref<1x128xi32, #tpu.memory_space<vmem>>
          %dma_start3A_100 = tpu.memref_squeeze %dma_start3A_99 : memref<1x128xi32, #tpu.memory_space<vmem>> -> memref<128xi32, #tpu.memory_space<vmem>>
          %dma_start3A_101 = arith.constant 0 : i32
          %dma_start3A_102 = arith.constant 0 : i32
          %dma_start3A_103 = tpu.memref_slice %arg13[%dma_start3A_101, %dma_start3A_102] : memref<10240x128xf32, #tpu.memory_space<vmem_shared>> -> memref<10240x128xf32, #tpu.memory_space<vmem_shared>>
          tpu.enqueue_indirect_dma source(%arg12 : memref<128x128xf32, #tpu.memory_space<vmem>>) target(%dma_start3A_103 : memref<10240x128xf32, #tpu.memory_space<vmem_shared>>) offsets(%dma_start3A_100 : memref<128xi32, #tpu.memory_space<vmem>>) semaphore(%arg15 : memref<!tpu.dma_semaphore, #tpu.memory_space<semaphore_mem>>) {add = true}
          %dma_wait3A_104 = arith.constant 0 : i32
          %dma_wait3A_105 = tpu.memref_slice %arg9[%add3A_89, %dma_wait3A_104] : memref<32x128xi32, #tpu.memory_space<vmem>> -> memref<1x128xi32, #tpu.memory_space<vmem>>
          %dma_wait3A_106 = tpu.memref_squeeze %dma_wait3A_105 : memref<1x128xi32, #tpu.memory_space<vmem>> -> memref<128xi32, #tpu.memory_space<vmem>>
          %dma_wait3A_107 = arith.constant 0 : i32
          %dma_wait3A_108 = arith.constant 0 : i32
          %dma_wait3A_109 = tpu.memref_slice %arg5[%dma_wait3A_107, %dma_wait3A_108] : memref<10240x128xf32, #tpu.memory_space<hbm>> -> memref<10240x128xf32, #tpu.memory_space<hbm>>
          tpu.wait_indirect_dma semaphore(%arg14 : memref<!tpu.dma_semaphore, #tpu.memory_space<semaphore_mem>>) src(%dma_wait3A_109 : memref<10240x128xf32, #tpu.memory_space<hbm>>) dst(%arg11 : memref<128x128xf32, #tpu.memory_space<vmem>>)
          %dma_wait3A_110 = arith.constant 0 : i32
          %dma_wait3A_111 = tpu.memref_slice %arg10[%add3A_97, %dma_wait3A_110] : memref<32x128xi32, #tpu.memory_space<vmem>> -> memref<1x128xi32, #tpu.memory_space<vmem>>
          %dma_wait3A_112 = tpu.memref_squeeze %dma_wait3A_111 : memref<1x128xi32, #tpu.memory_space<vmem>> -> memref<128xi32, #tpu.memory_space<vmem>>
          %dma_wait3A_113 = arith.constant 0 : i32
          %dma_wait3A_114 = arith.constant 0 : i32
          %dma_wait3A_115 = tpu.memref_slice %arg13[%dma_wait3A_113, %dma_wait3A_114] : memref<10240x128xf32, #tpu.memory_space<vmem_shared>> -> memref<10240x128xf32, #tpu.memory_space<vmem_shared>>
          tpu.wait_indirect_dma semaphore(%arg15 : memref<!tpu.dma_semaphore, #tpu.memory_space<semaphore_mem>>) src(%arg12 : memref<128x128xf32, #tpu.memory_space<vmem>>) dst(%dma_wait3A_115 : memref<10240x128xf32, #tpu.memory_space<vmem_shared>>)
          %add3A_116 = arith.constant 2 : i32
          %add3A_117 = arith.addi %mul3A_43, %add3A_116 : i32
          %add3A_118 = arith.constant 1 : i32
          %add3A_119 = arith.addi %add3A_117, %add3A_118 : i32
          %dma_start3A_120 = arith.constant 0 : i32
          %dma_start3A_121 = tpu.memref_slice %arg9[%add3A_119, %dma_start3A_120] : memref<32x128xi32, #tpu.memory_space<vmem>> -> memref<1x128xi32, #tpu.memory_space<vmem>>
          %dma_start3A_122 = tpu.memref_squeeze %dma_start3A_121 : memref<1x128xi32, #tpu.memory_space<vmem>> -> memref<128xi32, #tpu.memory_space<vmem>>
          %dma_start3A_123 = arith.constant 0 : i32
          %dma_start3A_124 = arith.constant 0 : i32
          %dma_start3A_125 = tpu.memref_slice %arg5[%dma_start3A_123, %dma_start3A_124] : memref<10240x128xf32, #tpu.memory_space<hbm>> -> memref<10240x128xf32, #tpu.memory_space<hbm>>
          tpu.enqueue_indirect_dma source(%dma_start3A_125 : memref<10240x128xf32, #tpu.memory_space<hbm>>) target(%arg12 : memref<128x128xf32, #tpu.memory_space<vmem>>) offsets(%dma_start3A_122 : memref<128xi32, #tpu.memory_space<vmem>>) semaphore(%arg14 : memref<!tpu.dma_semaphore, #tpu.memory_space<semaphore_mem>>)
          %add3A_126 = arith.constant 2 : i32
          %add3A_127 = arith.addi %mul3A_43, %add3A_126 : i32
          %dma_start3A_128 = arith.constant 0 : i32
          %dma_start3A_129 = tpu.memref_slice %arg10[%add3A_127, %dma_start3A_128] : memref<32x128xi32, #tpu.memory_space<vmem>> -> memref<1x128xi32, #tpu.memory_space<vmem>>
          %dma_start3A_130 = tpu.memref_squeeze %dma_start3A_129 : memref<1x128xi32, #tpu.memory_space<vmem>> -> memref<128xi32, #tpu.memory_space<vmem>>
          %dma_start3A_131 = arith.constant 0 : i32
          %dma_start3A_132 = arith.constant 0 : i32
          %dma_start3A_133 = tpu.memref_slice %arg13[%dma_start3A_131, %dma_start3A_132] : memref<10240x128xf32, #tpu.memory_space<vmem_shared>> -> memref<10240x128xf32, #tpu.memory_space<vmem_shared>>
          tpu.enqueue_indirect_dma source(%arg11 : memref<128x128xf32, #tpu.memory_space<vmem>>) target(%dma_start3A_133 : memref<10240x128xf32, #tpu.memory_space<vmem_shared>>) offsets(%dma_start3A_130 : memref<128xi32, #tpu.memory_space<vmem>>) semaphore(%arg15 : memref<!tpu.dma_semaphore, #tpu.memory_space<semaphore_mem>>) {add = true}
          %dma_wait3A_134 = arith.constant 0 : i32
          %dma_wait3A_135 = tpu.memref_slice %arg9[%add3A_119, %dma_wait3A_134] : memref<32x128xi32, #tpu.memory_space<vmem>> -> memref<1x128xi32, #tpu.memory_space<vmem>>
          %dma_wait3A_136 = tpu.memref_squeeze %dma_wait3A_135 : memref<1x128xi32, #tpu.memory_space<vmem>> -> memref<128xi32, #tpu.memory_space<vmem>>
          %dma_wait3A_137 = arith.constant 0 : i32
          %dma_wait3A_138 = arith.constant 0 : i32
          %dma_wait3A_139 = tpu.memref_slice %arg5[%dma_wait3A_137, %dma_wait3A_138] : memref<10240x128xf32, #tpu.memory_space<hbm>> -> memref<10240x128xf32, #tpu.memory_space<hbm>>
          tpu.wait_indirect_dma semaphore(%arg14 : memref<!tpu.dma_semaphore, #tpu.memory_space<semaphore_mem>>) src(%dma_wait3A_139 : memref<10240x128xf32, #tpu.memory_space<hbm>>) dst(%arg12 : memref<128x128xf32, #tpu.memory_space<vmem>>)
          %dma_wait3A_140 = arith.constant 0 : i32
          %dma_wait3A_141 = tpu.memref_slice %arg10[%add3A_127, %dma_wait3A_140] : memref<32x128xi32, #tpu.memory_space<vmem>> -> memref<1x128xi32, #tpu.memory_space<vmem>>
          %dma_wait3A_142 = tpu.memref_squeeze %dma_wait3A_141 : memref<1x128xi32, #tpu.memory_space<vmem>> -> memref<128xi32, #tpu.memory_space<vmem>>
          %dma_wait3A_143 = arith.constant 0 : i32
          %dma_wait3A_144 = arith.constant 0 : i32
          %dma_wait3A_145 = tpu.memref_slice %arg13[%dma_wait3A_143, %dma_wait3A_144] : memref<10240x128xf32, #tpu.memory_space<vmem_shared>> -> memref<10240x128xf32, #tpu.memory_space<vmem_shared>>
          tpu.wait_indirect_dma semaphore(%arg15 : memref<!tpu.dma_semaphore, #tpu.memory_space<semaphore_mem>>) src(%arg11 : memref<128x128xf32, #tpu.memory_space<vmem>>) dst(%dma_wait3A_145 : memref<10240x128xf32, #tpu.memory_space<vmem_shared>>)
          %add3A_146 = arith.constant 3 : i32
          %add3A_147 = arith.addi %mul3A_43, %add3A_146 : i32
          %add3A_148 = arith.constant 1 : i32
          %add3A_149 = arith.addi %add3A_147, %add3A_148 : i32
          %dma_start3A_150 = arith.constant 0 : i32
          %dma_start3A_151 = tpu.memref_slice %arg9[%add3A_149, %dma_start3A_150] : memref<32x128xi32, #tpu.memory_space<vmem>> -> memref<1x128xi32, #tpu.memory_space<vmem>>
          %dma_start3A_152 = tpu.memref_squeeze %dma_start3A_151 : memref<1x128xi32, #tpu.memory_space<vmem>> -> memref<128xi32, #tpu.memory_space<vmem>>
          %dma_start3A_153 = arith.constant 0 : i32
          %dma_start3A_154 = arith.constant 0 : i32
          %dma_start3A_155 = tpu.memref_slice %arg5[%dma_start3A_153, %dma_start3A_154] : memref<10240x128xf32, #tpu.memory_space<hbm>> -> memref<10240x128xf32, #tpu.memory_space<hbm>>
          tpu.enqueue_indirect_dma source(%dma_start3A_155 : memref<10240x128xf32, #tpu.memory_space<hbm>>) target(%arg11 : memref<128x128xf32, #tpu.memory_space<vmem>>) offsets(%dma_start3A_152 : memref<128xi32, #tpu.memory_space<vmem>>) semaphore(%arg14 : memref<!tpu.dma_semaphore, #tpu.memory_space<semaphore_mem>>)
          %add3A_156 = arith.constant 3 : i32
          %add3A_157 = arith.addi %mul3A_43, %add3A_156 : i32
          %dma_start3A_158 = arith.constant 0 : i32
          %dma_start3A_159 = tpu.memref_slice %arg10[%add3A_157, %dma_start3A_158] : memref<32x128xi32, #tpu.memory_space<vmem>> -> memref<1x128xi32, #tpu.memory_space<vmem>>
          %dma_start3A_160 = tpu.memref_squeeze %dma_start3A_159 : memref<1x128xi32, #tpu.memory_space<vmem>> -> memref<128xi32, #tpu.memory_space<vmem>>
          %dma_start3A_161 = arith.constant 0 : i32
          %dma_start3A_162 = arith.constant 0 : i32
          %dma_start3A_163 = tpu.memref_slice %arg13[%dma_start3A_161, %dma_start3A_162] : memref<10240x128xf32, #tpu.memory_space<vmem_shared>> -> memref<10240x128xf32, #tpu.memory_space<vmem_shared>>
          tpu.enqueue_indirect_dma source(%arg12 : memref<128x128xf32, #tpu.memory_space<vmem>>) target(%dma_start3A_163 : memref<10240x128xf32, #tpu.memory_space<vmem_shared>>) offsets(%dma_start3A_160 : memref<128xi32, #tpu.memory_space<vmem>>) semaphore(%arg15 : memref<!tpu.dma_semaphore, #tpu.memory_space<semaphore_mem>>) {add = true}
          %dma_wait3A_164 = arith.constant 0 : i32
          %dma_wait3A_165 = tpu.memref_slice %arg9[%add3A_149, %dma_wait3A_164] : memref<32x128xi32, #tpu.memory_space<vmem>> -> memref<1x128xi32, #tpu.memory_space<vmem>>
          %dma_wait3A_166 = tpu.memref_squeeze %dma_wait3A_165 : memref<1x128xi32, #tpu.memory_space<vmem>> -> memref<128xi32, #tpu.memory_space<vmem>>
          %dma_wait3A_167 = arith.constant 0 : i32
          %dma_wait3A_168 = arith.constant 0 : i32
          %dma_wait3A_169 = tpu.memref_slice %arg5[%dma_wait3A_167, %dma_wait3A_168] : memref<10240x128xf32, #tpu.memory_space<hbm>> -> memref<10240x128xf32, #tpu.memory_space<hbm>>
          tpu.wait_indirect_dma semaphore(%arg14 : memref<!tpu.dma_semaphore, #tpu.memory_space<semaphore_mem>>) src(%dma_wait3A_169 : memref<10240x128xf32, #tpu.memory_space<hbm>>) dst(%arg11 : memref<128x128xf32, #tpu.memory_space<vmem>>)
          %dma_wait3A_170 = arith.constant 0 : i32
          %dma_wait3A_171 = tpu.memref_slice %arg10[%add3A_157, %dma_wait3A_170] : memref<32x128xi32, #tpu.memory_space<vmem>> -> memref<1x128xi32, #tpu.memory_space<vmem>>
          %dma_wait3A_172 = tpu.memref_squeeze %dma_wait3A_171 : memref<1x128xi32, #tpu.memory_space<vmem>> -> memref<128xi32, #tpu.memory_space<vmem>>
          %dma_wait3A_173 = arith.constant 0 : i32
          %dma_wait3A_174 = arith.constant 0 : i32
          %dma_wait3A_175 = tpu.memref_slice %arg13[%dma_wait3A_173, %dma_wait3A_174] : memref<10240x128xf32, #tpu.memory_space<vmem_shared>> -> memref<10240x128xf32, #tpu.memory_space<vmem_shared>>
          tpu.wait_indirect_dma semaphore(%arg15 : memref<!tpu.dma_semaphore, #tpu.memory_space<semaphore_mem>>) src(%arg12 : memref<128x128xf32, #tpu.memory_space<vmem>>) dst(%dma_wait3A_175 : memref<10240x128xf32, #tpu.memory_space<vmem_shared>>)
          %add3A_176 = arith.constant 4 : i32
          %add3A_177 = arith.addi %mul3A_43, %add3A_176 : i32
          %add3A_178 = arith.constant 1 : i32
          %add3A_179 = arith.addi %add3A_177, %add3A_178 : i32
          %dma_start3A_180 = arith.constant 0 : i32
          %dma_start3A_181 = tpu.memref_slice %arg9[%add3A_179, %dma_start3A_180] : memref<32x128xi32, #tpu.memory_space<vmem>> -> memref<1x128xi32, #tpu.memory_space<vmem>>
          %dma_start3A_182 = tpu.memref_squeeze %dma_start3A_181 : memref<1x128xi32, #tpu.memory_space<vmem>> -> memref<128xi32, #tpu.memory_space<vmem>>
          %dma_start3A_183 = arith.constant 0 : i32
          %dma_start3A_184 = arith.constant 0 : i32
          %dma_start3A_185 = tpu.memref_slice %arg5[%dma_start3A_183, %dma_start3A_184] : memref<10240x128xf32, #tpu.memory_space<hbm>> -> memref<10240x128xf32, #tpu.memory_space<hbm>>
          tpu.enqueue_indirect_dma source(%dma_start3A_185 : memref<10240x128xf32, #tpu.memory_space<hbm>>) target(%arg12 : memref<128x128xf32, #tpu.memory_space<vmem>>) offsets(%dma_start3A_182 : memref<128xi32, #tpu.memory_space<vmem>>) semaphore(%arg14 : memref<!tpu.dma_semaphore, #tpu.memory_space<semaphore_mem>>)
          %add3A_186 = arith.constant 4 : i32
          %add3A_187 = arith.addi %mul3A_43, %add3A_186 : i32
          %dma_start3A_188 = arith.constant 0 : i32
          %dma_start3A_189 = tpu.memref_slice %arg10[%add3A_187, %dma_start3A_188] : memref<32x128xi32, #tpu.memory_space<vmem>> -> memref<1x128xi32, #tpu.memory_space<vmem>>
          %dma_start3A_190 = tpu.memref_squeeze %dma_start3A_189 : memref<1x128xi32, #tpu.memory_space<vmem>> -> memref<128xi32, #tpu.memory_space<vmem>>
          %dma_start3A_191 = arith.constant 0 : i32
          %dma_start3A_192 = arith.constant 0 : i32
          %dma_start3A_193 = tpu.memref_slice %arg13[%dma_start3A_191, %dma_start3A_192] : memref<10240x128xf32, #tpu.memory_space<vmem_shared>> -> memref<10240x128xf32, #tpu.memory_space<vmem_shared>>
          tpu.enqueue_indirect_dma source(%arg11 : memref<128x128xf32, #tpu.memory_space<vmem>>) target(%dma_start3A_193 : memref<10240x128xf32, #tpu.memory_space<vmem_shared>>) offsets(%dma_start3A_190 : memref<128xi32, #tpu.memory_space<vmem>>) semaphore(%arg15 : memref<!tpu.dma_semaphore, #tpu.memory_space<semaphore_mem>>) {add = true}
          %dma_wait3A_194 = arith.constant 0 : i32
          %dma_wait3A_195 = tpu.memref_slice %arg9[%add3A_179, %dma_wait3A_194] : memref<32x128xi32, #tpu.memory_space<vmem>> -> memref<1x128xi32, #tpu.memory_space<vmem>>
          %dma_wait3A_196 = tpu.memref_squeeze %dma_wait3A_195 : memref<1x128xi32, #tpu.memory_space<vmem>> -> memref<128xi32, #tpu.memory_space<vmem>>
          %dma_wait3A_197 = arith.constant 0 : i32
          %dma_wait3A_198 = arith.constant 0 : i32
          %dma_wait3A_199 = tpu.memref_slice %arg5[%dma_wait3A_197, %dma_wait3A_198] : memref<10240x128xf32, #tpu.memory_space<hbm>> -> memref<10240x128xf32, #tpu.memory_space<hbm>>
          tpu.wait_indirect_dma semaphore(%arg14 : memref<!tpu.dma_semaphore, #tpu.memory_space<semaphore_mem>>) src(%dma_wait3A_199 : memref<10240x128xf32, #tpu.memory_space<hbm>>) dst(%arg12 : memref<128x128xf32, #tpu.memory_space<vmem>>)
          %dma_wait3A_200 = arith.constant 0 : i32
          %dma_wait3A_201 = tpu.memref_slice %arg10[%add3A_187, %dma_wait3A_200] : memref<32x128xi32, #tpu.memory_space<vmem>> -> memref<1x128xi32, #tpu.memory_space<vmem>>
          %dma_wait3A_202 = tpu.memref_squeeze %dma_wait3A_201 : memref<1x128xi32, #tpu.memory_space<vmem>> -> memref<128xi32, #tpu.memory_space<vmem>>
          %dma_wait3A_203 = arith.constant 0 : i32
          %dma_wait3A_204 = arith.constant 0 : i32
          %dma_wait3A_205 = tpu.memref_slice %arg13[%dma_wait3A_203, %dma_wait3A_204] : memref<10240x128xf32, #tpu.memory_space<vmem_shared>> -> memref<10240x128xf32, #tpu.memory_space<vmem_shared>>
          tpu.wait_indirect_dma semaphore(%arg15 : memref<!tpu.dma_semaphore, #tpu.memory_space<semaphore_mem>>) src(%arg11 : memref<128x128xf32, #tpu.memory_space<vmem>>) dst(%dma_wait3A_205 : memref<10240x128xf32, #tpu.memory_space<vmem_shared>>)
          %add3A_206 = arith.constant 5 : i32
          %add3A_207 = arith.addi %mul3A_43, %add3A_206 : i32
          %add3A_208 = arith.constant 1 : i32
          %add3A_209 = arith.addi %add3A_207, %add3A_208 : i32
          %dma_start3A_210 = arith.constant 0 : i32
          %dma_start3A_211 = tpu.memref_slice %arg9[%add3A_209, %dma_start3A_210] : memref<32x128xi32, #tpu.memory_space<vmem>> -> memref<1x128xi32, #tpu.memory_space<vmem>>
          %dma_start3A_212 = tpu.memref_squeeze %dma_start3A_211 : memref<1x128xi32, #tpu.memory_space<vmem>> -> memref<128xi32, #tpu.memory_space<vmem>>
          %dma_start3A_213 = arith.constant 0 : i32
          %dma_start3A_214 = arith.constant 0 : i32
          %dma_start3A_215 = tpu.memref_slice %arg5[%dma_start3A_213, %dma_start3A_214] : memref<10240x128xf32, #tpu.memory_space<hbm>> -> memref<10240x128xf32, #tpu.memory_space<hbm>>
          tpu.enqueue_indirect_dma source(%dma_start3A_215 : memref<10240x128xf32, #tpu.memory_space<hbm>>) target(%arg11 : memref<128x128xf32, #tpu.memory_space<vmem>>) offsets(%dma_start3A_212 : memref<128xi32, #tpu.memory_space<vmem>>) semaphore(%arg14 : memref<!tpu.dma_semaphore, #tpu.memory_space<semaphore_mem>>)
          %add3A_216 = arith.constant 5 : i32
          %add3A_217 = arith.addi %mul3A_43, %add3A_216 : i32
          %dma_start3A_218 = arith.constant 0 : i32
          %dma_start3A_219 = tpu.memref_slice %arg10[%add3A_217, %dma_start3A_218] : memref<32x128xi32, #tpu.memory_space<vmem>> -> memref<1x128xi32, #tpu.memory_space<vmem>>
          %dma_start3A_220 = tpu.memref_squeeze %dma_start3A_219 : memref<1x128xi32, #tpu.memory_space<vmem>> -> memref<128xi32, #tpu.memory_space<vmem>>
          %dma_start3A_221 = arith.constant 0 : i32
          %dma_start3A_222 = arith.constant 0 : i32
          %dma_start3A_223 = tpu.memref_slice %arg13[%dma_start3A_221, %dma_start3A_222] : memref<10240x128xf32, #tpu.memory_space<vmem_shared>> -> memref<10240x128xf32, #tpu.memory_space<vmem_shared>>
          tpu.enqueue_indirect_dma source(%arg12 : memref<128x128xf32, #tpu.memory_space<vmem>>) target(%dma_start3A_223 : memref<10240x128xf32, #tpu.memory_space<vmem_shared>>) offsets(%dma_start3A_220 : memref<128xi32, #tpu.memory_space<vmem>>) semaphore(%arg15 : memref<!tpu.dma_semaphore, #tpu.memory_space<semaphore_mem>>) {add = true}
          %dma_wait3A_224 = arith.constant 0 : i32
          %dma_wait3A_225 = tpu.memref_slice %arg9[%add3A_209, %dma_wait3A_224] : memref<32x128xi32, #tpu.memory_space<vmem>> -> memref<1x128xi32, #tpu.memory_space<vmem>>
          %dma_wait3A_226 = tpu.memref_squeeze %dma_wait3A_225 : memref<1x128xi32, #tpu.memory_space<vmem>> -> memref<128xi32, #tpu.memory_space<vmem>>
          %dma_wait3A_227 = arith.constant 0 : i32
          %dma_wait3A_228 = arith.constant 0 : i32
          %dma_wait3A_229 = tpu.memref_slice %arg5[%dma_wait3A_227, %dma_wait3A_228] : memref<10240x128xf32, #tpu.memory_space<hbm>> -> memref<10240x128xf32, #tpu.memory_space<hbm>>
          tpu.wait_indirect_dma semaphore(%arg14 : memref<!tpu.dma_semaphore, #tpu.memory_space<semaphore_mem>>) src(%dma_wait3A_229 : memref<10240x128xf32, #tpu.memory_space<hbm>>) dst(%arg11 : memref<128x128xf32, #tpu.memory_space<vmem>>)
          %dma_wait3A_230 = arith.constant 0 : i32
          %dma_wait3A_231 = tpu.memref_slice %arg10[%add3A_217, %dma_wait3A_230] : memref<32x128xi32, #tpu.memory_space<vmem>> -> memref<1x128xi32, #tpu.memory_space<vmem>>
          %dma_wait3A_232 = tpu.memref_squeeze %dma_wait3A_231 : memref<1x128xi32, #tpu.memory_space<vmem>> -> memref<128xi32, #tpu.memory_space<vmem>>
          %dma_wait3A_233 = arith.constant 0 : i32
          %dma_wait3A_234 = arith.constant 0 : i32
          %dma_wait3A_235 = tpu.memref_slice %arg13[%dma_wait3A_233, %dma_wait3A_234] : memref<10240x128xf32, #tpu.memory_space<vmem_shared>> -> memref<10240x128xf32, #tpu.memory_space<vmem_shared>>
          tpu.wait_indirect_dma semaphore(%arg15 : memref<!tpu.dma_semaphore, #tpu.memory_space<semaphore_mem>>) src(%arg12 : memref<128x128xf32, #tpu.memory_space<vmem>>) dst(%dma_wait3A_235 : memref<10240x128xf32, #tpu.memory_space<vmem_shared>>)
          %add3A_236 = arith.constant 6 : i32
          %add3A_237 = arith.addi %mul3A_43, %add3A_236 : i32
          %add3A_238 = arith.constant 1 : i32
          %add3A_239 = arith.addi %add3A_237, %add3A_238 : i32
          %dma_start3A_240 = arith.constant 0 : i32
          %dma_start3A_241 = tpu.memref_slice %arg9[%add3A_239, %dma_start3A_240] : memref<32x128xi32, #tpu.memory_space<vmem>> -> memref<1x128xi32, #tpu.memory_space<vmem>>
          %dma_start3A_242 = tpu.memref_squeeze %dma_start3A_241 : memref<1x128xi32, #tpu.memory_space<vmem>> -> memref<128xi32, #tpu.memory_space<vmem>>
          %dma_start3A_243 = arith.constant 0 : i32
          %dma_start3A_244 = arith.constant 0 : i32
          %dma_start3A_245 = tpu.memref_slice %arg5[%dma_start3A_243, %dma_start3A_244] : memref<10240x128xf32, #tpu.memory_space<hbm>> -> memref<10240x128xf32, #tpu.memory_space<hbm>>
          tpu.enqueue_indirect_dma source(%dma_start3A_245 : memref<10240x128xf32, #tpu.memory_space<hbm>>) target(%arg12 : memref<128x128xf32, #tpu.memory_space<vmem>>) offsets(%dma_start3A_242 : memref<128xi32, #tpu.memory_space<vmem>>) semaphore(%arg14 : memref<!tpu.dma_semaphore, #tpu.memory_space<semaphore_mem>>)
          %add3A_246 = arith.constant 6 : i32
          %add3A_247 = arith.addi %mul3A_43, %add3A_246 : i32
          %dma_start3A_248 = arith.constant 0 : i32
          %dma_start3A_249 = tpu.memref_slice %arg10[%add3A_247, %dma_start3A_248] : memref<32x128xi32, #tpu.memory_space<vmem>> -> memref<1x128xi32, #tpu.memory_space<vmem>>
          %dma_start3A_250 = tpu.memref_squeeze %dma_start3A_249 : memref<1x128xi32, #tpu.memory_space<vmem>> -> memref<128xi32, #tpu.memory_space<vmem>>
          %dma_start3A_251 = arith.constant 0 : i32
          %dma_start3A_252 = arith.constant 0 : i32
          %dma_start3A_253 = tpu.memref_slice %arg13[%dma_start3A_251, %dma_start3A_252] : memref<10240x128xf32, #tpu.memory_space<vmem_shared>> -> memref<10240x128xf32, #tpu.memory_space<vmem_shared>>
          tpu.enqueue_indirect_dma source(%arg11 : memref<128x128xf32, #tpu.memory_space<vmem>>) target(%dma_start3A_253 : memref<10240x128xf32, #tpu.memory_space<vmem_shared>>) offsets(%dma_start3A_250 : memref<128xi32, #tpu.memory_space<vmem>>) semaphore(%arg15 : memref<!tpu.dma_semaphore, #tpu.memory_space<semaphore_mem>>) {add = true}
          %dma_wait3A_254 = arith.constant 0 : i32
          %dma_wait3A_255 = tpu.memref_slice %arg9[%add3A_239, %dma_wait3A_254] : memref<32x128xi32, #tpu.memory_space<vmem>> -> memref<1x128xi32, #tpu.memory_space<vmem>>
          %dma_wait3A_256 = tpu.memref_squeeze %dma_wait3A_255 : memref<1x128xi32, #tpu.memory_space<vmem>> -> memref<128xi32, #tpu.memory_space<vmem>>
          %dma_wait3A_257 = arith.constant 0 : i32
          %dma_wait3A_258 = arith.constant 0 : i32
          %dma_wait3A_259 = tpu.memref_slice %arg5[%dma_wait3A_257, %dma_wait3A_258] : memref<10240x128xf32, #tpu.memory_space<hbm>> -> memref<10240x128xf32, #tpu.memory_space<hbm>>
          tpu.wait_indirect_dma semaphore(%arg14 : memref<!tpu.dma_semaphore, #tpu.memory_space<semaphore_mem>>) src(%dma_wait3A_259 : memref<10240x128xf32, #tpu.memory_space<hbm>>) dst(%arg12 : memref<128x128xf32, #tpu.memory_space<vmem>>)
          %add3A_260 = arith.constant 7 : i32
          %add3A_261 = arith.addi %mul3A_43, %add3A_260 : i32
          %dma_start3A_262 = arith.constant 0 : i32
          %dma_start3A_263 = tpu.memref_slice %arg10[%add3A_261, %dma_start3A_262] : memref<32x128xi32, #tpu.memory_space<vmem>> -> memref<1x128xi32, #tpu.memory_space<vmem>>
          %dma_start3A_264 = tpu.memref_squeeze %dma_start3A_263 : memref<1x128xi32, #tpu.memory_space<vmem>> -> memref<128xi32, #tpu.memory_space<vmem>>
          %dma_start3A_265 = arith.constant 0 : i32
          %dma_start3A_266 = arith.constant 0 : i32
          %dma_start3A_267 = tpu.memref_slice %arg13[%dma_start3A_265, %dma_start3A_266] : memref<10240x128xf32, #tpu.memory_space<vmem_shared>> -> memref<10240x128xf32, #tpu.memory_space<vmem_shared>>
          tpu.enqueue_indirect_dma source(%arg12 : memref<128x128xf32, #tpu.memory_space<vmem>>) target(%dma_start3A_267 : memref<10240x128xf32, #tpu.memory_space<vmem_shared>>) offsets(%dma_start3A_264 : memref<128xi32, #tpu.memory_space<vmem>>) semaphore(%arg15 : memref<!tpu.dma_semaphore, #tpu.memory_space<semaphore_mem>>) {add = true}
          %dma_wait3A_268 = arith.constant 0 : i32
          %dma_wait3A_269 = tpu.memref_slice %arg10[%add3A_247, %dma_wait3A_268] : memref<32x128xi32, #tpu.memory_space<vmem>> -> memref<1x128xi32, #tpu.memory_space<vmem>>
          %dma_wait3A_270 = tpu.memref_squeeze %dma_wait3A_269 : memref<1x128xi32, #tpu.memory_space<vmem>> -> memref<128xi32, #tpu.memory_space<vmem>>
          %dma_wait3A_271 = arith.constant 0 : i32
          %dma_wait3A_272 = arith.constant 0 : i32
          %dma_wait3A_273 = tpu.memref_slice %arg13[%dma_wait3A_271, %dma_wait3A_272] : memref<10240x128xf32, #tpu.memory_space<vmem_shared>> -> memref<10240x128xf32, #tpu.memory_space<vmem_shared>>
          tpu.wait_indirect_dma semaphore(%arg15 : memref<!tpu.dma_semaphore, #tpu.memory_space<semaphore_mem>>) src(%arg11 : memref<128x128xf32, #tpu.memory_space<vmem>>) dst(%dma_wait3A_273 : memref<10240x128xf32, #tpu.memory_space<vmem_shared>>)
          %dma_wait3A_274 = arith.constant 0 : i32
          %dma_wait3A_275 = tpu.memref_slice %arg10[%add3A_261, %dma_wait3A_274] : memref<32x128xi32, #tpu.memory_space<vmem>> -> memref<1x128xi32, #tpu.memory_space<vmem>>
          %dma_wait3A_276 = tpu.memref_squeeze %dma_wait3A_275 : memref<1x128xi32, #tpu.memory_space<vmem>> -> memref<128xi32, #tpu.memory_space<vmem>>
          %dma_wait3A_277 = arith.constant 0 : i32
          %dma_wait3A_278 = arith.constant 0 : i32
          %dma_wait3A_279 = tpu.memref_slice %arg13[%dma_wait3A_277, %dma_wait3A_278] : memref<10240x128xf32, #tpu.memory_space<vmem_shared>> -> memref<10240x128xf32, #tpu.memory_space<vmem_shared>>
          tpu.wait_indirect_dma semaphore(%arg15 : memref<!tpu.dma_semaphore, #tpu.memory_space<semaphore_mem>>) src(%arg12 : memref<128x128xf32, #tpu.memory_space<vmem>>) dst(%dma_wait3A_279 : memref<10240x128xf32, #tpu.memory_space<vmem_shared>>)
        }
        %scan3A_40 = arith.constant 4 : i32
      }
      %scan3A_12 = arith.constant 5 : i32
      %barrier3A_13 = arith.constant 0 : index
      tpu.barrier barrier_id(%barrier3A_13)
      %mul3A_14 = arith.constant 640 : i32
      %mul3A_15 = arith.muli %arg1, %mul3A_14 : i32
      "tpu.region"() ({
        %run_scoped3A = tpu.sem_alloc : memref<!tpu.dma_semaphore, #tpu.memory_space<semaphore_mem>>
        %dma_start3A = arith.constant 0 : i32
        %dma_start3A_16 = tpu.memref_slice %arg8[%mul3A_15, %dma_start3A] : memref<10240x128xf32, #tpu.memory_space<hbm>> -> memref<640x128xf32, #tpu.memory_space<hbm>>
        %dma_start3A_17 = arith.constant 0 : i32
        %dma_start3A_18 = tpu.memref_slice %arg13[%mul3A_15, %dma_start3A_17] : memref<10240x128xf32, #tpu.memory_space<vmem_shared>> -> memref<640x128xf32, #tpu.memory_space<vmem_shared>>
        tpu.enqueue_dma source(%dma_start3A_18 : memref<640x128xf32, #tpu.memory_space<vmem_shared>>) target(%dma_start3A_16 : memref<640x128xf32, #tpu.memory_space<hbm>>) target_semaphore(%run_scoped3A : memref<!tpu.dma_semaphore, #tpu.memory_space<semaphore_mem>>)
        %dma_wait3A = arith.constant 0 : i32
        %dma_wait3A_19 = tpu.memref_slice %arg8[%mul3A_15, %dma_wait3A] : memref<10240x128xf32, #tpu.memory_space<hbm>> -> memref<640x128xf32, #tpu.memory_space<hbm>>
        %dma_wait3A_20 = arith.constant 0 : i32
        %dma_wait3A_21 = tpu.memref_slice %arg13[%mul3A_15, %dma_wait3A_20] : memref<10240x128xf32, #tpu.memory_space<vmem_shared>> -> memref<640x128xf32, #tpu.memory_space<vmem_shared>>
        tpu.wait_dma2 semaphore(%run_scoped3A : memref<!tpu.dma_semaphore, #tpu.memory_space<semaphore_mem>>) src(%dma_wait3A_21 : memref<640x128xf32, #tpu.memory_space<vmem_shared>>) dst(%dma_wait3A_19 : memref<640x128xf32, #tpu.memory_space<hbm>>)
        tpu.yield
      }) : () -> ()
    } else {
    }
    return
  }
}

module attributes {stable_mosaic.version = 14 : i64} {
  func.func @_b1_body(%arg0: i32, %arg1: memref<2560x128xf32, #tpu.memory_space<vmem>>, %arg2: memref<128x256xf32, #tpu.memory_space<vmem>>, %arg3: memref<1x256xf32, #tpu.memory_space<vmem>>, %arg4: memref<2560x1xf32, #tpu.memory_space<vmem>>, %arg5: memref<2560x128xf32, #tpu.memory_space<vmem>>, %arg6: memref<2560x128xf32, #tpu.memory_space<vmem>>) attributes {dimension_semantics = [#tpu.dimension_semantics<arbitrary>], iteration_bounds = array<i64: 4>, scalar_prefetch = 0 : i64, scratch_operands = 0 : i64, tpu.core_type = #tpu.core_type<tc>, window_params = [{transform_indices = @transform_0, window_bounds = array<i64: 2560, 128>}, {pipeline_mode = #tpu.pipeline_mode<synchronous>, transform_indices = @transform_1, window_bounds = array<i64: 128, 256>}, {pipeline_mode = #tpu.pipeline_mode<synchronous>, transform_indices = @transform_2, window_bounds = array<i64: 1, 256>}, {transform_indices = @transform_3, window_bounds = array<i64: 2560, 1>}, {transform_indices = @transform_4, window_bounds = array<i64: 2560, 128>}, {transform_indices = @transform_5, window_bounds = array<i64: 2560, 128>}]} {
    %get3A = arith.constant 0 : index
    %get3A_0 = arith.constant 0 : index
    %get3A_1 = vector.load %arg1[%get3A, %get3A_0] : memref<2560x128xf32, #tpu.memory_space<vmem>>, vector<2560x128xf32>
    %get3A_2 = arith.constant 0 : index
    %get3A_3 = arith.constant 0 : index
    %get3A_4 = vector.load %arg2[%get3A_2, %get3A_3] : memref<128x256xf32, #tpu.memory_space<vmem>>, vector<128x256xf32>
    %dot_general3A = arith.constant dense<0.000000e+00> : vector<2560x256xf32>
    %dot_general3A_5 = tpu.matmul %get3A_1, %get3A_4, %dot_general3A {dimension_numbers = #tpu.dot_dimension_numbers<[1], [0], [0], [1], [0, 0, 1, 1], [], []>, transpose_lhs_hint = false} : vector<2560x128xf32>, vector<128x256xf32>, vector<2560x256xf32> -> vector<2560x256xf32>
    %get3A_6 = arith.constant 0 : index
    %get3A_7 = arith.constant 0 : index
    %get3A_8 = vector.load %arg3[%get3A_6, %get3A_7] : memref<1x256xf32, #tpu.memory_space<vmem>>, vector<1x256xf32>
    %add3A = vector.broadcast %get3A_8 : vector<1x256xf32> to vector<2560x256xf32>
    %add3A_9 = arith.addf %dot_general3A_5, %add3A : vector<2560x256xf32>
    %get3A_10 = arith.constant 0 : index
    %get3A_11 = arith.constant 0 : index
    %get3A_12 = vector.load %arg4[%get3A_10, %get3A_11] : memref<2560x1xf32, #tpu.memory_space<vmem>>, vector<2560x1xf32>
    %gt3A = arith.constant 0.000000e+00 : f32
    %gt3A_13 = vector.broadcast %gt3A : f32 to vector<2560x1xf32>
    %gt3A_14 = arith.cmpf ogt, %get3A_12, %gt3A_13 : vector<2560x1xf32>
    %jit3A = arith.constant 1.000000e+00 : f32
    %broadcast_in_dim3A = vector.broadcast %jit3A : f32 to vector<2560x1xf32>
    %select_n3A = arith.select %gt3A_14, %get3A_12, %broadcast_in_dim3A : vector<2560x1xi1>, vector<2560x1xf32>
    %rsqrt3A = math.rsqrt %select_n3A : vector<2560x1xf32>
    %mul3A = vector.broadcast %rsqrt3A : vector<2560x1xf32> to vector<2560x256xf32>
    %mul3A_15 = arith.mulf %add3A_9, %mul3A : vector<2560x256xf32>
    %slice3A = vector.extract_strided_slice %mul3A_15 {offsets = [0, 0], sizes = [2560, 128], strides = [1, 1]} : vector<2560x256xf32> to vector<2560x128xf32>
    %swap3A = arith.constant 0 : index
    %swap3A_16 = arith.constant 0 : index
    %swap3A_17 = vector.load %arg5[%swap3A, %swap3A_16] : memref<2560x128xf32, #tpu.memory_space<vmem>>, vector<2560x128xf32>
    tpu.vector_store %arg5[%swap3A, %swap3A_16], %slice3A {strides = array<i32>} : memref<2560x128xf32, #tpu.memory_space<vmem>>, vector<2560x128xf32>,
    %slice3A_18 = vector.extract_strided_slice %mul3A_15 {offsets = [0, 128], sizes = [2560, 128], strides = [1, 1]} : vector<2560x256xf32> to vector<2560x128xf32>
    %swap3A_19 = arith.constant 0 : index
    %swap3A_20 = arith.constant 0 : index
    %swap3A_21 = vector.load %arg6[%swap3A_19, %swap3A_20] : memref<2560x128xf32, #tpu.memory_space<vmem>>, vector<2560x128xf32>
    tpu.vector_store %arg6[%swap3A_19, %swap3A_20], %slice3A_18 {strides = array<i32>} : memref<2560x128xf32, #tpu.memory_space<vmem>>, vector<2560x128xf32>,
    return
  }
  func.func @transform_0(%arg0: i32) -> (i32, i32) {
    %c0_i32 = arith.constant 0 : i32
    %c0_i32_0 = arith.constant 0 : i32
    return %arg0, %c0_i32 : i32, i32
  }
  func.func @transform_1(%arg0: i32) -> (i32, i32) {
    %c0_i32 = arith.constant 0 : i32
    %c0_i32_0 = arith.constant 0 : i32
    %c0_i32_1 = arith.constant 0 : i32
    return %c0_i32, %c0_i32_0 : i32, i32
  }
  func.func @transform_2(%arg0: i32) -> (i32, i32) {
    %c0_i32 = arith.constant 0 : i32
    %c0_i32_0 = arith.constant 0 : i32
    %c0_i32_1 = arith.constant 0 : i32
    return %c0_i32, %c0_i32_0 : i32, i32
  }
  func.func @transform_3(%arg0: i32) -> (i32, i32) {
    %c0_i32 = arith.constant 0 : i32
    %c0_i32_0 = arith.constant 0 : i32
    return %arg0, %c0_i32 : i32, i32
  }
  func.func @transform_4(%arg0: i32) -> (i32, i32) {
    %c0_i32 = arith.constant 0 : i32
    %c0_i32_0 = arith.constant 0 : i32
    return %arg0, %c0_i32 : i32, i32
  }
  func.func @transform_5(%arg0: i32) -> (i32, i32) {
    %c0_i32 = arith.constant 0 : i32
    %c0_i32_0 = arith.constant 0 : i32
    return %arg0, %c0_i32 : i32, i32
  }
}

module attributes {stable_mosaic.version = 14 : i64} {
  func.func @_b2_body(%arg0: i32, %arg1: memref<2560x128xf32, #tpu.memory_space<vmem>>, %arg2: memref<2560x128xf32, #tpu.memory_space<vmem>>, %arg3: memref<2560x1xf32, #tpu.memory_space<vmem>>, %arg4: memref<2560x1xf32, #tpu.memory_space<vmem>>, %arg5: memref<256x256xf32, #tpu.memory_space<vmem>>, %arg6: memref<1x256xf32, #tpu.memory_space<vmem>>, %arg7: memref<2560x128xf32, #tpu.memory_space<vmem>>, %arg8: memref<2560x128xf32, #tpu.memory_space<vmem>>) attributes {dimension_semantics = [#tpu.dimension_semantics<arbitrary>], iteration_bounds = array<i64: 4>, scalar_prefetch = 0 : i64, scratch_operands = 0 : i64, tpu.core_type = #tpu.core_type<tc>, window_params = [{transform_indices = @transform_0, window_bounds = array<i64: 2560, 128>}, {transform_indices = @transform_1, window_bounds = array<i64: 2560, 128>}, {transform_indices = @transform_2, window_bounds = array<i64: 2560, 1>}, {transform_indices = @transform_3, window_bounds = array<i64: 2560, 1>}, {pipeline_mode = #tpu.pipeline_mode<synchronous>, transform_indices = @transform_4, window_bounds = array<i64: 256, 256>}, {pipeline_mode = #tpu.pipeline_mode<synchronous>, transform_indices = @transform_5, window_bounds = array<i64: 1, 256>}, {transform_indices = @transform_6, window_bounds = array<i64: 2560, 128>}, {transform_indices = @transform_7, window_bounds = array<i64: 2560, 128>}]} {
    %get3A = arith.constant 0 : index
    %get3A_0 = arith.constant 0 : index
    %get3A_1 = vector.load %arg1[%get3A, %get3A_0] : memref<2560x128xf32, #tpu.memory_space<vmem>>, vector<2560x128xf32>
    %get3A_2 = arith.constant 0 : index
    %get3A_3 = arith.constant 0 : index
    %get3A_4 = vector.load %arg2[%get3A_2, %get3A_3] : memref<2560x128xf32, #tpu.memory_space<vmem>>, vector<2560x128xf32>
    %concatenate3A = tpu.concatenate %get3A_1, %get3A_4 in 1 : vector<2560x128xf32>, vector<2560x128xf32> -> vector<2560x256xf32>
    %get3A_5 = arith.constant 0 : index
    %get3A_6 = arith.constant 0 : index
    %get3A_7 = vector.load %arg3[%get3A_5, %get3A_6] : memref<2560x1xf32, #tpu.memory_space<vmem>>, vector<2560x1xf32>
    %gt3A = arith.constant 0.000000e+00 : f32
    %gt3A_8 = vector.broadcast %gt3A : f32 to vector<2560x1xf32>
    %gt3A_9 = arith.cmpf ogt, %get3A_7, %gt3A_8 : vector<2560x1xf32>
    %jit3A = arith.constant 1.000000e+00 : f32
    %broadcast_in_dim3A = vector.broadcast %jit3A : f32 to vector<2560x1xf32>
    %select_n3A = arith.select %gt3A_9, %get3A_7, %broadcast_in_dim3A : vector<2560x1xi1>, vector<2560x1xf32>
    %rsqrt3A = math.rsqrt %select_n3A : vector<2560x1xf32>
    %mul3A = vector.broadcast %rsqrt3A : vector<2560x1xf32> to vector<2560x256xf32>
    %mul3A_10 = arith.mulf %concatenate3A, %mul3A : vector<2560x256xf32>
    %max3A = arith.constant 0.000000e+00 : f32
    %max3A_11 = vector.broadcast %max3A : f32 to vector<2560x256xf32>
    %max3A_12 = arith.maximumf %mul3A_10, %max3A_11 : vector<2560x256xf32>
    %get3A_13 = arith.constant 0 : index
    %get3A_14 = arith.constant 0 : index
    %get3A_15 = vector.load %arg5[%get3A_13, %get3A_14] : memref<256x256xf32, #tpu.memory_space<vmem>>, vector<256x256xf32>
    %dot_general3A = arith.constant dense<0.000000e+00> : vector<2560x256xf32>
    %dot_general3A_16 = tpu.matmul %max3A_12, %get3A_15, %dot_general3A {dimension_numbers = #tpu.dot_dimension_numbers<[1], [0], [0], [1], [0, 0, 1, 1], [], []>, transpose_lhs_hint = false} : vector<2560x256xf32>, vector<256x256xf32>, vector<2560x256xf32> -> vector<2560x256xf32>
    %get3A_17 = arith.constant 0 : index
    %get3A_18 = arith.constant 0 : index
    %get3A_19 = vector.load %arg6[%get3A_17, %get3A_18] : memref<1x256xf32, #tpu.memory_space<vmem>>, vector<1x256xf32>
    %add3A = vector.broadcast %get3A_19 : vector<1x256xf32> to vector<2560x256xf32>
    %add3A_20 = arith.addf %dot_general3A_16, %add3A : vector<2560x256xf32>
    %get3A_21 = arith.constant 0 : index
    %get3A_22 = arith.constant 0 : index
    %get3A_23 = vector.load %arg4[%get3A_21, %get3A_22] : memref<2560x1xf32, #tpu.memory_space<vmem>>, vector<2560x1xf32>
    %gt3A_24 = arith.constant 0.000000e+00 : f32
    %gt3A_25 = vector.broadcast %gt3A_24 : f32 to vector<2560x1xf32>
    %gt3A_26 = arith.cmpf ogt, %get3A_23, %gt3A_25 : vector<2560x1xf32>
    %jit3A_27 = arith.constant 1.000000e+00 : f32
    %broadcast_in_dim3A_28 = vector.broadcast %jit3A_27 : f32 to vector<2560x1xf32>
    %select_n3A_29 = arith.select %gt3A_26, %get3A_23, %broadcast_in_dim3A_28 : vector<2560x1xi1>, vector<2560x1xf32>
    %rsqrt3A_30 = math.rsqrt %select_n3A_29 : vector<2560x1xf32>
    %mul3A_31 = vector.broadcast %rsqrt3A_30 : vector<2560x1xf32> to vector<2560x256xf32>
    %mul3A_32 = arith.mulf %add3A_20, %mul3A_31 : vector<2560x256xf32>
    %slice3A = vector.extract_strided_slice %mul3A_32 {offsets = [0, 0], sizes = [2560, 128], strides = [1, 1]} : vector<2560x256xf32> to vector<2560x128xf32>
    %swap3A = arith.constant 0 : index
    %swap3A_33 = arith.constant 0 : index
    %swap3A_34 = vector.load %arg7[%swap3A, %swap3A_33] : memref<2560x128xf32, #tpu.memory_space<vmem>>, vector<2560x128xf32>
    tpu.vector_store %arg7[%swap3A, %swap3A_33], %slice3A {strides = array<i32>} : memref<2560x128xf32, #tpu.memory_space<vmem>>, vector<2560x128xf32>,
    %slice3A_35 = vector.extract_strided_slice %mul3A_32 {offsets = [0, 128], sizes = [2560, 128], strides = [1, 1]} : vector<2560x256xf32> to vector<2560x128xf32>
    %swap3A_36 = arith.constant 0 : index
    %swap3A_37 = arith.constant 0 : index
    %swap3A_38 = vector.load %arg8[%swap3A_36, %swap3A_37] : memref<2560x128xf32, #tpu.memory_space<vmem>>, vector<2560x128xf32>
    tpu.vector_store %arg8[%swap3A_36, %swap3A_37], %slice3A_35 {strides = array<i32>} : memref<2560x128xf32, #tpu.memory_space<vmem>>, vector<2560x128xf32>,
    return
  }
  func.func @transform_0(%arg0: i32) -> (i32, i32) {
    %c0_i32 = arith.constant 0 : i32
    %c0_i32_0 = arith.constant 0 : i32
    return %arg0, %c0_i32 : i32, i32
  }
  func.func @transform_1(%arg0: i32) -> (i32, i32) {
    %c0_i32 = arith.constant 0 : i32
    %c0_i32_0 = arith.constant 0 : i32
    return %arg0, %c0_i32 : i32, i32
  }
  func.func @transform_2(%arg0: i32) -> (i32, i32) {
    %c0_i32 = arith.constant 0 : i32
    %c0_i32_0 = arith.constant 0 : i32
    return %arg0, %c0_i32 : i32, i32
  }
  func.func @transform_3(%arg0: i32) -> (i32, i32) {
    %c0_i32 = arith.constant 0 : i32
    %c0_i32_0 = arith.constant 0 : i32
    return %arg0, %c0_i32 : i32, i32
  }
  func.func @transform_4(%arg0: i32) -> (i32, i32) {
    %c0_i32 = arith.constant 0 : i32
    %c0_i32_0 = arith.constant 0 : i32
    %c0_i32_1 = arith.constant 0 : i32
    return %c0_i32, %c0_i32_0 : i32, i32
  }
  func.func @transform_5(%arg0: i32) -> (i32, i32) {
    %c0_i32 = arith.constant 0 : i32
    %c0_i32_0 = arith.constant 0 : i32
    %c0_i32_1 = arith.constant 0 : i32
    return %c0_i32, %c0_i32_0 : i32, i32
  }
  func.func @transform_6(%arg0: i32) -> (i32, i32) {
    %c0_i32 = arith.constant 0 : i32
    %c0_i32_0 = arith.constant 0 : i32
    return %arg0, %c0_i32 : i32, i32
  }
  func.func @transform_7(%arg0: i32) -> (i32, i32) {
    %c0_i32 = arith.constant 0 : i32
    %c0_i32_0 = arith.constant 0 : i32
    return %arg0, %c0_i32 : i32, i32
  }
}

module attributes {stable_mosaic.version = 14 : i64} {
  func.func @_b3_body(%arg0: i32, %arg1: memref<2000x128xf32, #tpu.memory_space<vmem>>, %arg2: memref<2000x128xf32, #tpu.memory_space<vmem>>, %arg3: memref<2000x1xf32, #tpu.memory_space<vmem>>, %arg4: memref<256x40xf32, #tpu.memory_space<vmem>>, %arg5: memref<1x40xf32, #tpu.memory_space<vmem>>, %arg6: memref<2000x40xf32, #tpu.memory_space<vmem>>) attributes {dimension_semantics = [#tpu.dimension_semantics<arbitrary>], iteration_bounds = array<i64: 5>, scalar_prefetch = 0 : i64, scratch_operands = 0 : i64, tpu.core_type = #tpu.core_type<tc>, window_params = [{transform_indices = @transform_0, window_bounds = array<i64: 2000, 128>}, {transform_indices = @transform_1, window_bounds = array<i64: 2000, 128>}, {transform_indices = @transform_2, window_bounds = array<i64: 2000, 1>}, {pipeline_mode = #tpu.pipeline_mode<synchronous>, transform_indices = @transform_3, window_bounds = array<i64: 256, 40>}, {pipeline_mode = #tpu.pipeline_mode<synchronous>, transform_indices = @transform_4, window_bounds = array<i64: 1, 40>}, {transform_indices = @transform_5, window_bounds = array<i64: 2000, 40>}]} {
    %get3A = arith.constant 0 : index
    %get3A_0 = arith.constant 0 : index
    %get3A_1 = vector.load %arg1[%get3A, %get3A_0] : memref<2000x128xf32, #tpu.memory_space<vmem>>, vector<2000x128xf32>
    %get3A_2 = arith.constant 0 : index
    %get3A_3 = arith.constant 0 : index
    %get3A_4 = vector.load %arg2[%get3A_2, %get3A_3] : memref<2000x128xf32, #tpu.memory_space<vmem>>, vector<2000x128xf32>
    %concatenate3A = tpu.concatenate %get3A_1, %get3A_4 in 1 : vector<2000x128xf32>, vector<2000x128xf32> -> vector<2000x256xf32>
    %get3A_5 = arith.constant 0 : index
    %get3A_6 = arith.constant 0 : index
    %get3A_7 = vector.load %arg3[%get3A_5, %get3A_6] : memref<2000x1xf32, #tpu.memory_space<vmem>>, vector<2000x1xf32>
    %gt3A = arith.constant 0.000000e+00 : f32
    %gt3A_8 = vector.broadcast %gt3A : f32 to vector<2000x1xf32>
    %gt3A_9 = arith.cmpf ogt, %get3A_7, %gt3A_8 : vector<2000x1xf32>
    %jit3A = arith.constant 1.000000e+00 : f32
    %broadcast_in_dim3A = vector.broadcast %jit3A : f32 to vector<2000x1xf32>
    %select_n3A = arith.select %gt3A_9, %get3A_7, %broadcast_in_dim3A : vector<2000x1xi1>, vector<2000x1xf32>
    %rsqrt3A = math.rsqrt %select_n3A : vector<2000x1xf32>
    %mul3A = vector.broadcast %rsqrt3A : vector<2000x1xf32> to vector<2000x256xf32>
    %mul3A_10 = arith.mulf %concatenate3A, %mul3A : vector<2000x256xf32>
    %max3A = arith.constant 0.000000e+00 : f32
    %max3A_11 = vector.broadcast %max3A : f32 to vector<2000x256xf32>
    %max3A_12 = arith.maximumf %mul3A_10, %max3A_11 : vector<2000x256xf32>
    %get3A_13 = arith.constant 0 : index
    %get3A_14 = arith.constant 0 : index
    %get3A_15 = vector.load %arg4[%get3A_13, %get3A_14] : memref<256x40xf32, #tpu.memory_space<vmem>>, vector<256x40xf32>
    %dot_general3A = arith.constant dense<0.000000e+00> : vector<2000x40xf32>
    %dot_general3A_16 = tpu.matmul %max3A_12, %get3A_15, %dot_general3A {dimension_numbers = #tpu.dot_dimension_numbers<[1], [0], [0], [1], [0, 0, 1, 1], [], []>, transpose_lhs_hint = false} : vector<2000x256xf32>, vector<256x40xf32>, vector<2000x40xf32> -> vector<2000x40xf32>
    %get3A_17 = arith.constant 0 : index
    %get3A_18 = arith.constant 0 : index
    %get3A_19 = vector.load %arg5[%get3A_17, %get3A_18] : memref<1x40xf32, #tpu.memory_space<vmem>>, vector<1x40xf32>
    %add3A = vector.broadcast %get3A_19 : vector<1x40xf32> to vector<2000x40xf32>
    %add3A_20 = arith.addf %dot_general3A_16, %add3A : vector<2000x40xf32>
    %swap3A = arith.constant 0 : index
    %swap3A_21 = arith.constant 0 : index
    %swap3A_22 = vector.load %arg6[%swap3A, %swap3A_21] : memref<2000x40xf32, #tpu.memory_space<vmem>>, vector<2000x40xf32>
    tpu.vector_store %arg6[%swap3A, %swap3A_21], %add3A_20 {strides = array<i32>} : memref<2000x40xf32, #tpu.memory_space<vmem>>, vector<2000x40xf32>,
    return
  }
  func.func @transform_0(%arg0: i32) -> (i32, i32) {
    %c0_i32 = arith.constant 0 : i32
    %c0_i32_0 = arith.constant 0 : i32
    return %arg0, %c0_i32 : i32, i32
  }
  func.func @transform_1(%arg0: i32) -> (i32, i32) {
    %c0_i32 = arith.constant 0 : i32
    %c0_i32_0 = arith.constant 0 : i32
    return %arg0, %c0_i32 : i32, i32
  }
  func.func @transform_2(%arg0: i32) -> (i32, i32) {
    %c0_i32 = arith.constant 0 : i32
    %c0_i32_0 = arith.constant 0 : i32
    return %arg0, %c0_i32 : i32, i32
  }
  func.func @transform_3(%arg0: i32) -> (i32, i32) {
    %c0_i32 = arith.constant 0 : i32
    %c0_i32_0 = arith.constant 0 : i32
    %c0_i32_1 = arith.constant 0 : i32
    return %c0_i32, %c0_i32_0 : i32, i32
  }
  func.func @transform_4(%arg0: i32) -> (i32, i32) {
    %c0_i32 = arith.constant 0 : i32
    %c0_i32_0 = arith.constant 0 : i32
    %c0_i32_1 = arith.constant 0 : i32
    return %c0_i32, %c0_i32_0 : i32, i32
  }
  func.func @transform_5(%arg0: i32) -> (i32, i32) {
    %c0_i32 = arith.constant 0 : i32
    %c0_i32_0 = arith.constant 0 : i32
    return %arg0, %c0_i32 : i32, i32
  }
}

</mosaic_0001>

<sc_bundles>
// kernel: body.5.cloned.1.call-start
scs
__scs_entry_jumppad:
0x0: {  	(pc) =	sbr.rel $0x88, $3  }
0x1: {  	(tag) =	ssettag $0x0;
	lr =	simm.s32 $0x1  }
0x2: {  	[smem:$0x3F99] =	sst lr;
	_ =	strace $0xD0000000  }
0x3: {  	_ = 	snop  }
0x4: {  	_ = 	snop  }
0x5: {  	_ = 	snop  }
0x6: {  	_ = 	snop  }
0x7: {  	_ = 	snop  }
__scs_overlays_trampoline_lowered:
0x8: {  	[smem:$0x3FA8] =	sst s0  }
0x9: {  	[smem:$0x3FA9] =	sst s1  }
0xa: {  	[smem:$0x3FAA] =	sst s2  }
0xb: {  	[smem:$0x3FAB] =	sst s3  }
0xc: {  	[smem:$0x3FAC] =	sst s4  }
0xd: {  	[smem:$0x3FAD] =	sst s5  }
0xe: {  	[smem:$0x3FAE] =	sst s6  }
0xf: {  	[smem:$0x3FAF] =	sst s7  }
0x10: {  	[smem:$0x3FB0] =	sst s8  }
0x11: {  	[smem:$0x3FB1] =	sst s9;
	s0 =	simm.s32 @!p0 $0x0  }
0x12: {  	s1 =	sld [smem:$0x3F97];
	s0 =	simm.s32 @p0 $0x1  }
0x13: {  	[smem:$0x3FB2] =	sst s0;
	s0 =	simm.s32 @!p1 $0x0  }
0x14: {  	s2 =	sld [smem:$0x3F96];
	s0 =	simm.s32 @p1 $0x1  }
0x15: {  	[smem:$0x3FB3] =	sst s0;
	s0 =	simm.s32 @!p2 $0x0  }
0x16: {  	s3 =	sld [smem:$0x3FDB];
	s0 =	simm.s32 @p2 $0x1  }
0x17: {  	s4 =	simm.s32 $0x1BF5;
	[smem:$0x3FB5] =	sst s0  }
0x18: {  	s0 =	sld [smem:$0x3F98];
	_ =	swait.ge [sflag:s4], $0x0  }
0x19: {  	s7 =	sld [smem:$0x3F99]  }
0x1a: {  	s8 =	sadd.s32 $0xFFFFE003, lr  }
0x1b: {  	s9 =	sadd.s32 $0xFFFFFEF7, lr;
	s5 =	simm.s32 $0xFFFFFFFF;
	p2 =	slt.u32 s8, $0xFFFFF086  }
0x1c: {  	p1 =	slt.u32 s9, $0xF7A;
	s5 =	simm.s32 @!p2 $0x0  }
0x1d: {  	s5 =	simm.s32 @p1 $0x1;
	p0 =	seq.s32 s7, s2  }
0x1e: {  	s7 =	smul.u32 @!p0 $0xF7A, s2;
	p2 =	seq.s32 @!p0 s5, $0x0  }
0x1f: {  	s9 =	smul.u32 $0xF7A, s1;
	s8 =	simm.s32 @!p0 $0x1BF5;
	p2 =	por !p2, p0  }
0x20: {  	[sflag:s8] =	ssyncset.s32 @!p0 $0xFFFFF086;
	s6 =	sadd.s32 @!p0 s3, s7;
	s7 =	simm.s32 @!p0 $0x108  }
0x21: {  	s3 =	sadd.s32 s3, s9;
	s6 =	sadd.s32 @!p0 $0x88, s6;
	s7 =	simm.s32 @p2 $0x1082  }
0x22: {  	[simem:s7], [sflag:s8] =	dma.local @!p0 [hbm:s6], $0xF7A  }
0x23: {  	s9 =	sor.u32 $0xD0000000, s2;
	s6 =	simm.s32 $0x108;
	_ =	swait.ge @!p0 [sflag:s8], $0x0  }
0x24: {  	s3 =	sadd.s32 $0x88, s3;
	s6 =	simm.s32 @!p1 $0x1082;
	[sflag:s4] =	ssyncset.s32 $0xFFFFF086  }
0x25: {  	[simem:s6], [sflag:s4] =	dma.local [hbm:s3], $0xF7A  }
0x26: {  	[smem:$0x3F99] =	sst s1;
	(tag) =	ssettag s2;
	_ =	strace s9  }
0x27: {  	s1 =	sld [smem:$0x3FA9]  }
0x28: {  	s2 =	sld [smem:$0x3FAA]  }
0x29: {  	s4 =	sld [smem:$0x3FAC]  }
0x2a: {  	p0 =	seq.s32 s5, $0x0;
	s5 =	sld [smem:$0x3FAD]  }
0x2b: {  	s6 =	sld [smem:$0x3FAE]  }
0x2c: {  	s7 =	sld [smem:$0x3FAF]  }
0x2d: {  	s3 =	simm.s32 $0x108;
	s8 =	sld [smem:$0x3FB0]  }
0x2e: {  	s3 =	simm.s32 @!p0 $0x1082;
	s9 =	sld [smem:$0x3FB1]  }
0x2f: {  	lr =	sadd.s32 s0, s3;
	s0 =	sld [smem:$0x3FA8]  }
0x30: {  	s3 =	sld [smem:$0x3FAB]  }
0x31: {  	[smem:$0x3FB4] =	sst s10  }
0x32: {  	s10 =	sld [smem:$0x3FB2];
	_ =	sdelay $0x3  }
0x33: {  	p0 =	seq.s32 s10, $0x1;
	s10 =	sld [smem:$0x3FB4];
	_ =	sdelay $0x3  }
0x34: {  	[smem:$0x3FB4] =	sst s10  }
0x35: {  	s10 =	sld [smem:$0x3FB3];
	_ =	sdelay $0x3  }
0x36: {  	p1 =	seq.s32 s10, $0x1;
	s10 =	sld [smem:$0x3FB4];
	_ =	sdelay $0x3  }
0x37: {  	[smem:$0x3FB4] =	sst s10  }
0x38: {  	s10 =	sld [smem:$0x3FB5]  }
0x39: {  	_ = 	snop;
	(pc) =	sbr.ind lr, $3  }
0x3a: {  	_ = 	snop  }
0x3b: {  	_ = 	snop  }
0x3c: {  	p2 =	seq.s32 s10, $0x1;
	s10 =	sld [smem:$0x3FB4]  }
0x3d: {  	_ =	shalt  }
0x3e: {  	_ =	shalt  }
0x3f: {  	_ =	shalt  }
0x40: {  	_ =	shalt  }
0x41: {  	_ =	shalt  }
0x42: {  	_ =	shalt  }
0x43: {  	_ =	shalt  }
0x44: {  	_ =	shalt  }
0x45: {  	_ =	shalt  }
0x46: {  	_ =	shalt  }
0x47: {  	_ =	shalt  }
0x48: {  	_ =	shalt  }
0x49: {  	_ =	shalt  }
0x4a: {  	_ =	shalt  }
0x4b: {  	_ =	shalt  }
0x4c: {  	_ =	shalt  }
0x4d: {  	_ =	shalt  }
0x4e: {  	_ =	shalt  }
0x4f: {  	_ =	shalt  }
0x50: {  	_ =	shalt  }
0x51: {  	_ =	shalt  }
0x52: {  	_ =	shalt  }
0x53: {  	_ =	shalt  }
0x54: {  	_ =	shalt  }
0x55: {  	_ =	shalt  }
0x56: {  	_ =	shalt  }
0x57: {  	_ =	shalt  }
0x58: {  	_ =	shalt  }
0x59: {  	_ =	shalt  }
0x5a: {  	_ =	shalt  }
0x5b: {  	_ =	shalt  }
0x5c: {  	_ =	shalt  }
0x5d: {  	_ =	shalt  }
0x5e: {  	_ =	shalt  }
0x5f: {  	_ =	shalt  }
0x60: {  	_ =	shalt  }
0x61: {  	_ =	shalt  }
0x62: {  	_ =	shalt  }
0x63: {  	_ =	shalt  }
0x64: {  	_ =	shalt  }
0x65: {  	_ =	shalt  }
0x66: {  	_ =	shalt  }
0x67: {  	_ =	shalt  }
0x68: {  	_ =	shalt  }
0x69: {  	_ =	shalt  }
0x6a: {  	_ =	shalt  }
0x6b: {  	_ =	shalt  }
0x6c: {  	_ =	shalt  }
0x6d: {  	_ =	shalt  }
0x6e: {  	_ =	shalt  }
0x6f: {  	_ =	shalt  }
0x70: {  	_ =	shalt  }
0x71: {  	_ =	shalt  }
0x72: {  	_ =	shalt  }
0x73: {  	_ =	shalt  }
0x74: {  	_ =	shalt  }
0x75: {  	_ =	shalt  }
0x76: {  	_ =	shalt  }
0x77: {  	_ =	shalt  }
0x78: {  	_ =	shalt  }
0x79: {  	_ =	shalt  }
0x7a: {  	_ =	shalt  }
0x7b: {  	_ =	shalt  }
0x7c: {  	_ =	shalt  }
0x7d: {  	_ =	shalt  }
0x7e: {  	_ =	shalt  }
0x7f: {  	_ =	shalt  }
0x80: {  	_ =	shalt  }
0x81: {  	_ =	shalt  }
0x82: {  	_ =	shalt  }
0x83: {  	_ =	shalt  }
0x84: {  	_ =	shalt  }
0x85: {  	_ =	shalt  }
0x86: {  	_ =	shalt  }
0x87: {  	_ =	shalt  }
.Lfunc_end0:
.L_simem_size_0:
called_computation_lowered:
.L_overlay_start_0:
0x88: {  	s2 =	sld [smem:$0x3FD9]  }
0x89: {  	s3 =	sld [smem:$0x3FFE];
	_ =	sdelay $0x1  }
0x8a: {  	s1 =	srdreg.scid  }
0x8b: {  	s0 =	sand.u32 $0x1, s1  }
0x8c: {  	s17 =	sshll.u32 s0, $0xA;
	s2 =	sadd.s32 s3, s2  }
0x8d: {  	s2 =	sadd.s32 s2, s17  }
0x8e: {  	[smem:$0x3FC0] =	sst s2  }
0x8f: {  	_ = 	snop  }
0x90: {  	s2 =	sld [smem:$0x3FD0];
	(tm) =	ssettm $0x1  }
0x91: {  	s18 =	sld [smem:$0x3FFB];
	_ =	sdelay $0x3  }
0x92: {  	_ =	strace s18  }
0x93: {  	s3 =	sld [smem:$0x3FFC];
	_ =	sdelay $0x3  }
0x94: {  	_ =	strace s3  }
0x95: {  	s3 =	sld [smem:$0x3FFD];
	_ =	sdelay $0x3  }
0x96: {  	_ =	strace s3  }
0x97: {  	_ =	strace $0x8FFFFFFF  }
0x98: {  	s19 =	sld [smem:$0x3FDB];
	_ =	sdelay $0x1  }
0x99: {  	s4 =	simm.s32 $_scs_section_size  }
0x9a: {  	s5 =	simm.s32 $_size__tile_overlayer_lowered;
	s6 =	simm.s32 $_tile_overlayer_lowered  }
0x9b: {  	s22 =	simm.s32 $0x1BFF;
	s21 =	sshll.u32 s6, $0x1;
	s3 =	sadd.s32 s4, s19  }
0x9c: {  	s7 =	simm.s32 $0x0;
	s20 =	sshll.u32 s5, $0x1;
	s5 =	sadd.s32 s21, s3  }
0x9d: {  	[timem:s7], [sflag:s22] =	dma.local [hbm:s5], s20  }
0x9e: {  	_ =	swait.ge [sflag:s22], s20  }
0x9f: {  	s4 =	ssub.s32 $0x0, s20;
	[sflag:s22] =	ssyncset.done $0x0  }
0xa0: {  	[sflag:s22] =	ssyncadd.s32 s4;
	_ =	sdelay $0x1  }
0xa1: {  	s23 =	simm.s32 $0x1B8B  }
0xa2: {  	_ =	swait.ge [sflag:s23], $0x1  }
0xa3: {  	[sflag:s23] =	ssyncset.done $0x0  }
0xa4: {  	s25 =	simm.s32 $0x1B8E;
	s24 =	sld [smem:$0x3FFE];
	[sflag:s23] =	ssyncadd.s32 $0xFFFFFFFF  }
0xa5: {  	s26 =	simm.s32 $execute0_lowered;
	[smem:$0x3FD2] =	sst s25  }
0xa6: {  	s5 =	sshll.u32 s26, $0x1;
	_ =	strace $0x80000049;
	[dreg:$0x1] =	wrdreg $0xFFFFFFFF  }
0xa7: {  	s28 =	simm.s32 $_size_execute0_lowered;
	s3 =	sadd.s32 s3, s5;
	[dreg:$0x0] =	wrdreg $0x0  }
0xa8: {  	s5 =	sshll.u32 s28, $0x1;
	[dreg:$0x2] =	wrdreg s3  }
0xa9: {  	[dreg:$0x3] =	wrdreg s5  }
0xaa: {  	[dreg:$0x4] =	wrdreg $0xC0  }
0xab: {  	_ =	task [dreg:s7], $0x5FFFF  }
0xac: {  	[dreg:$0x1] =	wrdreg $0xFFFFFFFF  }
0xad: {  	[dreg:$0x0] =	wrdreg $0x60  }
0xae: {  	[dreg:$0x2] =	wrdreg s24  }
0xaf: {  	[dreg:$0x3] =	wrdreg s2  }
0xb0: {  	[dreg:$0x4] =	wrdreg $0xA0000  }
0xb1: {  	[dreg:$0x5] =	wrdreg $0x9  }
0xb2: {  	_ =	task.clear_ibuf [dreg:s7], $0x6FFFF;
	_ =	strace $0x90000049  }
0xb3: {  	s29 =	simm.s32 $0x9;
	_ =	strace $0x8000004B  }
0xb4: {  	_ =	swait.ge [sflag:s29], $0x1  }
0xb5: {  	[sflag:s29] =	ssyncadd.s32 $0xFFFFFFFF  }
0xb6: {  	_ =	strace $0x9000004B  }
0xb7: {  	_ =	sfence  }
0xb8: {  	s30 =	sld [smem:$0x0];
	_ =	sdelay $0x2  }
0xb9: {  	s31 =	sshll.u32 s1, $0xD;
	s1 =	sshrl.u32 s1, $0x2  }
0xba: {  	s3 =	sand.u32 $0x4000, s31;
	s1 =	sadd.s32 s1, s30  }
0xbb: {  	s0 =	sor.u32 s3, s0;
	s1 =	sshll.u32 s1, $0x11  }
0xbc: {  	s0 =	sor.u32 s1, s0  }
0xbd: {  	s0 =	sadd.s32 $0x8F2B, s0  }
0xbe: {  	[sflag:s0] =	ssyncadd.remote.s32 $0x1  }
0xbf: {  	_ =	sfence.sel $0xFFFF  }
0xc0: {  	[dreg:$0x0] =	wrdreg $0xFFFFFFFF;
	(pc) =	sbr.abs _section_cstart, $3  }
0xc1: {  	[dreg:$0x1] =	wrdreg $0xFFFFFFFF  }
0xc2: {  	_ =	task.clear_ibuf [dreg:s7], $0x2FFFF;
	_ =	strace $0x9FFFFFFF  }
0xc3: {  	(tm) =	ssettm $0x7FFFFFFF  }
tec
execute0_lowered:
.L_overlay_start_1:
0x0: {  	(tag) =	ssettag $0x1  }
0x1: {  	s10 =	rddreg [dreg:$0x0]  }
0x2: {  	s1 =	rddreg [dreg:$0x1]  }
0x3: {  	s2 =	rddreg [dreg:$0x2]  }
0x4: {  	s0 =	rddreg [dreg:$0x3];
	s4 =	simm.s32 $0x0  }
0x5: {  	s3 =	stileid.u32;
	s8 =	srdreg.scid;
	s17 =	simm.s32 $0x1000  }
0x6: {  	s18 =	simm.s32 $0x1;
	s19 =	simm.s32 $0x80;
	s20 =	simm.s32 $0x2000  }
0x7: {  	s21 =	simm.s32 $0x6000;
	s22 =	simm.s32 $0x2;
	[smem:$0x7FF] =	sst s4  }
0x8: {  	s5 =	sadd.s32 $0x2400, s10;
	s6 =	sadd.s32 $0x5DA00, s10;
	s7 =	smul.u32 $0x2800, s3  }
0x9: {  	s11 =	sand.u32 $0x1, s8;
	s8 =	sadd.s32 $0x85A00, s10;
	s13 =	smul.u32 $0x50000, s3  }
0xa: {  	s9 =	sadd.s32 $0xADA00, s10;
	s31 =	sshll.u32 s3, $0x6;
	_ =	strace $0x8000004A  }
.Ltmp0:
0xb: {  	s12 =	ssub.s32 $0x2, s11;
	p0 =	seq.s32 s11, $0x1;
	(pc) =	sbr.rel .LBB2_1-.Ltmp0, $4  }
0xc: {  	s14 =	sadd.s32 s7, s10;
	s15 =	sshrl.u32 s12, $0x1;
	s30 =	sshrl.u32 s13, $0x2  }
0xd: {  	s10 =	sadd.s32 $0xD5A00, s10;
	s15 =	ssub.s32 s12, s15;
	s16 =	sadd.s32 s30, s2  }
0xe: {  	s11 =	sadd.s32 $0xFDA00, s14;
	s12 =	smul.u32 $0x5, s3;
	s14 =	sor.u32 $0x1C03, s31  }
0xf: {  	s13 =	smax.u32 s15, $0x1;
	s15 =	sshrl.u32 s16, $0x3;
	s16 =	simm.s32 $0x3  }
.LBB2_10:
0x10: {  	s4 =	sadd.s32 $0x1, s4  }
0x11: {  	p1 =	sne.s32 s4, s13  }
.Ltmp1:
0x12: {  	s23 =	sadd.s32 s23, s7;
	[bflag:$0x0] =	sbarrier.arrive $0xFFFF;
	(pc) =	sbr.rel @!p1 .LBB2_11-.Ltmp1, $4  }
0x13: {  	[hbm:s23], [sflag:s14] =	dma.local [spmem:s15], $0x2800  }
0x14: {  	_ =	swait.ge [sflag:s16], $0x2800  }
0x15: {  	[sflag:s16] =	ssyncset.done $0x0  }
0x16: {  	[sflag:s16] =	ssyncadd.s32 $0xFFFFD800  }
.LBB2_1:
0x17: {  	[spmem:s15], [sflag:s14] =	dma.local [hbm:s11], $0x2800  }
.Ltmp2:
0x18: {  	_ =	swait.ge [sflag:s16], $0x2800;
	(pc) =	sbr.rel @!p0 .LBB2_2-.Ltmp2, $4  }
0x19: {  	[sflag:s16] =	ssyncset.done $0x0  }
0x1a: {  	[sflag:s16] =	ssyncadd.s32 $0xFFFFD800  }
0x1b: {  	[bflag:$0x0] =	sbarrier.arrive $0xFFFF  }
0x1c: {  	s23 =	simm.s32 $0x0;
	s24 =	simm.s32 $0x0  }
.LBB2_6:
0x1d: {  	s23 =	sadd.s32 s12, s24  }
0x1e: {  	s23 =	sshll.u32 s23, $0x9  }
0x1f: {  	s26 =	simm.s32 $0x0;
	s25 =	sadd.s32 s5, s23  }
0x20: {  	[tilespmem:s26], [sflag:$0x1] =	stream.linear.gather [hbm4b:s25+s26], $0x1000, $0x38;
	[tilespmem:$0x1E000] =	vst v63  }
0x21: {  	s23 =	sadd.s32 s1, s23  }
0x22: {  	[tilespmem:s17], [sflag:$0x1] =	stream.linear.gather [hbm4b:s23+s26], $0x1000, $0x38;
	[tilespmem:$0x1E000] =	vst v63  }
0x23: {  	_ =	swait.ge [sflag:s18], $0x1000  }
0x24: {  	[sflag:s18] =	ssyncset.done $0x0  }
0x25: {  	[sflag:s18] =	ssyncadd.s32 $0xFFFFF000  }
0x26: {  	_ =	swait.ge [sflag:s18], $0x1000  }
0x27: {  	[sflag:s18] =	ssyncset.done $0x0  }
0x28: {  	s31 =	simm.s32 $0x0;
	[sflag:s18] =	ssyncadd.s32 $0xFFFFF000  }
0x29: {  	[tilespmem:s20], [sflag:$0x1] =	stream.indirect.gather [hbm4b:s8+s19], $0x80, s31, s19, $0xb8;
	[tilespmem:$0x1E000] =	vst v63  }
0x2a: {  	_ =	swait.ge [sflag:s18], $0x4000  }
0x2b: {  	[sflag:s18] =	ssyncset.done $0x0  }
0x2c: {  	s25 =	simm.s32 $0x80;
	[sflag:s18] =	ssyncadd.s32 $0xFFFFC000  }
0x2d: {  	[tilespmem:s21], [sflag:$0x1] =	stream.indirect.gather [hbm4b:s8+s19], $0x80, s25, s19, $0xb8;
	[tilespmem:$0x1E000] =	vst v63  }
0x2e: {  	s26 =	simm.s32 $0x1000  }
0x2f: {  	[spmem:s2] =	stream.indirect.scatter.add.f32 [tilespmem:s20], [sflag:$0x2], $0x80, s26, s19, $0xb8;
	[tilespmem:$0x1E000] =	vst v63  }
0x30: {  	_ =	swait.ge [sflag:s18], $0x4000  }
0x31: {  	[sflag:s18] =	ssyncset.done $0x0  }
0x32: {  	[sflag:s18] =	ssyncadd.s32 $0xFFFFC000  }
0x33: {  	_ =	swait.ge [sflag:s22], $0x4000  }
0x34: {  	[sflag:s22] =	ssyncset.done $0x0  }
0x35: {  	s29 =	simm.s32 $0x100;
	[sflag:s22] =	ssyncadd.s32 $0xFFFFC000  }
0x36: {  	[tilespmem:s20], [sflag:$0x1] =	stream.indirect.gather [hbm4b:s8+s19], $0x80, s29, s19, $0xb8;
	[tilespmem:$0x1E000] =	vst v63  }
0x37: {  	s30 =	simm.s32 $0x1080  }
0x38: {  	[spmem:s2] =	stream.indirect.scatter.add.f32 [tilespmem:s21], [sflag:$0x2], $0x80, s30, s19, $0xb8;
	[tilespmem:$0x1E000] =	vst v63  }
0x39: {  	_ =	swait.ge [sflag:s18], $0x4000  }
0x3a: {  	[sflag:s18] =	ssyncset.done $0x0  }
0x3b: {  	[sflag:s18] =	ssyncadd.s32 $0xFFFFC000  }
0x3c: {  	_ =	swait.ge [sflag:s22], $0x4000  }
0x3d: {  	[sflag:s22] =	ssyncset.done $0x0  }
0x3e: {  	s31 =	simm.s32 $0x180;
	[sflag:s22] =	ssyncadd.s32 $0xFFFFC000  }
0x3f: {  	[tilespmem:s21], [sflag:$0x1] =	stream.indirect.gather [hbm4b:s8+s19], $0x80, s31, s19, $0xb8;
	[tilespmem:$0x1E000] =	vst v63  }
0x40: {  	s25 =	simm.s32 $0x1100  }
0x41: {  	[spmem:s2] =	stream.indirect.scatter.add.f32 [tilespmem:s20], [sflag:$0x2], $0x80, s25, s19, $0xb8;
	[tilespmem:$0x1E000] =	vst v63  }
0x42: {  	_ =	swait.ge [sflag:s18], $0x4000  }
0x43: {  	[sflag:s18] =	ssyncset.done $0x0  }
0x44: {  	[sflag:s18] =	ssyncadd.s32 $0xFFFFC000  }
0x45: {  	_ =	swait.ge [sflag:s22], $0x4000  }
0x46: {  	[sflag:s22] =	ssyncset.done $0x0  }
0x47: {  	s26 =	simm.s32 $0x200;
	[sflag:s22] =	ssyncadd.s32 $0xFFFFC000  }
0x48: {  	[tilespmem:s20], [sflag:$0x1] =	stream.indirect.gather [hbm4b:s8+s19], $0x80, s26, s19, $0xb8;
	[tilespmem:$0x1E000] =	vst v63  }
0x49: {  	s29 =	simm.s32 $0x1180  }
0x4a: {  	[spmem:s2] =	stream.indirect.scatter.add.f32 [tilespmem:s21], [sflag:$0x2], $0x80, s29, s19, $0xb8;
	[tilespmem:$0x1E000] =	vst v63  }
0x4b: {  	_ =	swait.ge [sflag:s18], $0x4000  }
0x4c: {  	[sflag:s18] =	ssyncset.done $0x0  }
0x4d: {  	[sflag:s18] =	ssyncadd.s32 $0xFFFFC000  }
0x4e: {  	_ =	swait.ge [sflag:s22], $0x4000  }
0x4f: {  	[sflag:s22] =	ssyncset.done $0x0  }
0x50: {  	s30 =	simm.s32 $0x280;
	[sflag:s22] =	ssyncadd.s32 $0xFFFFC000  }
0x51: {  	[tilespmem:s21], [sflag:$0x1] =	stream.indirect.gather [hbm4b:s8+s19], $0x80, s30, s19, $0xb8;
	[tilespmem:$0x1E000] =	vst v63  }
0x52: {  	s31 =	simm.s32 $0x1200  }
0x53: {  	[spmem:s2] =	stream.indirect.scatter.add.f32 [tilespmem:s20], [sflag:$0x2], $0x80, s31, s19, $0xb8;
	[tilespmem:$0x1E000] =	vst v63  }
0x54: {  	_ =	swait.ge [sflag:s18], $0x4000  }
0x55: {  	[sflag:s18] =	ssyncset.done $0x0  }
0x56: {  	[sflag:s18] =	ssyncadd.s32 $0xFFFFC000  }
0x57: {  	_ =	swait.ge [sflag:s22], $0x4000  }
0x58: {  	[sflag:s22] =	ssyncset.done $0x0  }
0x59: {  	s25 =	simm.s32 $0x300;
	[sflag:s22] =	ssyncadd.s32 $0xFFFFC000  }
0x5a: {  	[tilespmem:s20], [sflag:$0x1] =	stream.indirect.gather [hbm4b:s8+s19], $0x80, s25, s19, $0xb8;
	[tilespmem:$0x1E000] =	vst v63  }
0x5b: {  	s26 =	simm.s32 $0x1280  }
0x5c: {  	[spmem:s2] =	stream.indirect.scatter.add.f32 [tilespmem:s21], [sflag:$0x2], $0x80, s26, s19, $0xb8;
	[tilespmem:$0x1E000] =	vst v63  }
0x5d: {  	_ =	swait.ge [sflag:s18], $0x4000  }
0x5e: {  	[sflag:s18] =	ssyncset.done $0x0  }
0x5f: {  	[sflag:s18] =	ssyncadd.s32 $0xFFFFC000  }
0x60: {  	_ =	swait.ge [sflag:s22], $0x4000  }
0x61: {  	[sflag:s22] =	ssyncset.done $0x0  }
0x62: {  	s29 =	simm.s32 $0x380;
	[sflag:s22] =	ssyncadd.s32 $0xFFFFC000  }
0x63: {  	[tilespmem:s21], [sflag:$0x1] =	stream.indirect.gather [hbm4b:s8+s19], $0x80, s29, s19, $0xb8;
	[tilespmem:$0x1E000] =	vst v63  }
0x64: {  	s30 =	simm.s32 $0x1300  }
0x65: {  	[spmem:s2] =	stream.indirect.scatter.add.f32 [tilespmem:s20], [sflag:$0x2], $0x80, s30, s19, $0xb8;
	[tilespmem:$0x1E000] =	vst v63  }
0x66: {  	_ =	swait.ge [sflag:s18], $0x4000  }
0x67: {  	[sflag:s18] =	ssyncset.done $0x0  }
0x68: {  	s31 =	simm.s32 $0x1380;
	[sflag:s18] =	ssyncadd.s32 $0xFFFFC000  }
0x69: {  	[spmem:s2] =	stream.indirect.scatter.add.f32 [tilespmem:s21], [sflag:$0x2], $0x80, s31, s19, $0xb8;
	[tilespmem:$0x1E000] =	vst v63  }
0x6a: {  	_ =	swait.ge [sflag:s22], $0x4000  }
0x6b: {  	[sflag:s22] =	ssyncset.done $0x0  }
0x6c: {  	[sflag:s22] =	ssyncadd.s32 $0xFFFFC000  }
0x6d: {  	_ =	swait.ge [sflag:s22], $0x4000  }
0x6e: {  	s28 =	simm.s32 $0x2000;
	s23 =	simm.s32 $0x1000;
	[sflag:s22] =	ssyncset.done $0x0  }
.LBB2_7:
0x6f: {  	s26 =	sshra.s32 s23, $0x2  }
0x70: {  	[sflag:s22] =	ssyncadd.s32 $0xFFFFC000;
	s23 =	smov.u32 s28;
	s25 =	sadd.s32 $0x1000, s28  }
0x71: {  	[tilespmem:s20], [sflag:$0x1] =	stream.indirect.gather [hbm4b:s8+s19], $0x80, s26, s19, $0xb8;
	[tilespmem:$0x1E000] =	vst v63  }
0x72: {  	p1 =	sne.s32 s28, $0x3000;
	_ =	swait.ge [sflag:s18], $0x4000  }
0x73: {  	[sflag:s18] =	ssyncset.done $0x0  }
0x74: {  	s28 =	sadd.s32 $0x80, s26;
	[sflag:s18] =	ssyncadd.s32 $0xFFFFC000  }
0x75: {  	[tilespmem:s21], [sflag:$0x1] =	stream.indirect.gather [hbm4b:s8+s19], $0x80, s28, s19, $0xb8;
	[tilespmem:$0x1E000] =	vst v63  }
0x76: {  	s28 =	sadd.s32 $0x1000, s26  }
0x77: {  	[spmem:s2] =	stream.indirect.scatter.add.f32 [tilespmem:s20], [sflag:$0x2], $0x80, s28, s19, $0xb8;
	[tilespmem:$0x1E000] =	vst v63  }
0x78: {  	_ =	swait.ge [sflag:s18], $0x4000  }
0x79: {  	[sflag:s18] =	ssyncset.done $0x0  }
0x7a: {  	[sflag:s18] =	ssyncadd.s32 $0xFFFFC000  }
0x7b: {  	_ =	swait.ge [sflag:s22], $0x4000  }
0x7c: {  	[sflag:s22] =	ssyncset.done $0x0  }
0x7d: {  	s28 =	sadd.s32 $0x100, s26;
	[sflag:s22] =	ssyncadd.s32 $0xFFFFC000  }
0x7e: {  	[tilespmem:s20], [sflag:$0x1] =	stream.indirect.gather [hbm4b:s8+s19], $0x80, s28, s19, $0xb8;
	[tilespmem:$0x1E000] =	vst v63  }
0x7f: {  	s28 =	sadd.s32 $0x1080, s26  }
0x80: {  	[spmem:s2] =	stream.indirect.scatter.add.f32 [tilespmem:s21], [sflag:$0x2], $0x80, s28, s19, $0xb8;
	[tilespmem:$0x1E000] =	vst v63  }
0x81: {  	_ =	swait.ge [sflag:s18], $0x4000  }
0x82: {  	[sflag:s18] =	ssyncset.done $0x0  }
0x83: {  	[sflag:s18] =	ssyncadd.s32 $0xFFFFC000  }
0x84: {  	_ =	swait.ge [sflag:s22], $0x4000  }
0x85: {  	[sflag:s22] =	ssyncset.done $0x0  }
0x86: {  	s28 =	sadd.s32 $0x180, s26;
	[sflag:s22] =	ssyncadd.s32 $0xFFFFC000  }
0x87: {  	[tilespmem:s21], [sflag:$0x1] =	stream.indirect.gather [hbm4b:s8+s19], $0x80, s28, s19, $0xb8;
	[tilespmem:$0x1E000] =	vst v63  }
0x88: {  	s28 =	sadd.s32 $0x1100, s26  }
0x89: {  	[spmem:s2] =	stream.indirect.scatter.add.f32 [tilespmem:s20], [sflag:$0x2], $0x80, s28, s19, $0xb8;
	[tilespmem:$0x1E000] =	vst v63  }
0x8a: {  	_ =	swait.ge [sflag:s18], $0x4000  }
0x8b: {  	[sflag:s18] =	ssyncset.done $0x0  }
0x8c: {  	[sflag:s18] =	ssyncadd.s32 $0xFFFFC000  }
0x8d: {  	_ =	swait.ge [sflag:s22], $0x4000  }
0x8e: {  	[sflag:s22] =	ssyncset.done $0x0  }
0x8f: {  	s28 =	sadd.s32 $0x200, s26;
	[sflag:s22] =	ssyncadd.s32 $0xFFFFC000  }
0x90: {  	[tilespmem:s20], [sflag:$0x1] =	stream.indirect.gather [hbm4b:s8+s19], $0x80, s28, s19, $0xb8;
	[tilespmem:$0x1E000] =	vst v63  }
0x91: {  	s28 =	sadd.s32 $0x1180, s26  }
0x92: {  	[spmem:s2] =	stream.indirect.scatter.add.f32 [tilespmem:s21], [sflag:$0x2], $0x80, s28, s19, $0xb8;
	[tilespmem:$0x1E000] =	vst v63  }
0x93: {  	_ =	swait.ge [sflag:s18], $0x4000  }
0x94: {  	[sflag:s18] =	ssyncset.done $0x0  }
0x95: {  	[sflag:s18] =	ssyncadd.s32 $0xFFFFC000  }
0x96: {  	_ =	swait.ge [sflag:s22], $0x4000  }
0x97: {  	[sflag:s22] =	ssyncset.done $0x0  }
0x98: {  	s28 =	sadd.s32 $0x280, s26;
	[sflag:s22] =	ssyncadd.s32 $0xFFFFC000  }
0x99: {  	[tilespmem:s21], [sflag:$0x1] =	stream.indirect.gather [hbm4b:s8+s19], $0x80, s28, s19, $0xb8;
	[tilespmem:$0x1E000] =	vst v63  }
0x9a: {  	s28 =	sadd.s32 $0x1200, s26  }
0x9b: {  	[spmem:s2] =	stream.indirect.scatter.add.f32 [tilespmem:s20], [sflag:$0x2], $0x80, s28, s19, $0xb8;
	[tilespmem:$0x1E000] =	vst v63  }
0x9c: {  	_ =	swait.ge [sflag:s18], $0x4000  }
0x9d: {  	[sflag:s18] =	ssyncset.done $0x0  }
0x9e: {  	[sflag:s18] =	ssyncadd.s32 $0xFFFFC000  }
0x9f: {  	_ =	swait.ge [sflag:s22], $0x4000  }
0xa0: {  	[sflag:s22] =	ssyncset.done $0x0  }
0xa1: {  	s28 =	sadd.s32 $0x300, s26;
	[sflag:s22] =	ssyncadd.s32 $0xFFFFC000  }
0xa2: {  	[tilespmem:s20], [sflag:$0x1] =	stream.indirect.gather [hbm4b:s8+s19], $0x80, s28, s19, $0xb8;
	[tilespmem:$0x1E000] =	vst v63  }
0xa3: {  	s28 =	sadd.s32 $0x1280, s26  }
0xa4: {  	[spmem:s2] =	stream.indirect.scatter.add.f32 [tilespmem:s21], [sflag:$0x2], $0x80, s28, s19, $0xb8;
	[tilespmem:$0x1E000] =	vst v63  }
0xa5: {  	_ =	swait.ge [sflag:s18], $0x4000  }
0xa6: {  	[sflag:s18] =	ssyncset.done $0x0  }
0xa7: {  	[sflag:s18] =	ssyncadd.s32 $0xFFFFC000  }
0xa8: {  	_ =	swait.ge [sflag:s22], $0x4000  }
0xa9: {  	[sflag:s22] =	ssyncset.done $0x0  }
0xaa: {  	s28 =	sadd.s32 $0x380, s26;
	[sflag:s22] =	ssyncadd.s32 $0xFFFFC000  }
0xab: {  	[tilespmem:s21], [sflag:$0x1] =	stream.indirect.gather [hbm4b:s8+s19], $0x80, s28, s19, $0xb8;
	[tilespmem:$0x1E000] =	vst v63  }
0xac: {  	s28 =	sadd.s32 $0x1300, s26  }
0xad: {  	[spmem:s2] =	stream.indirect.scatter.add.f32 [tilespmem:s20], [sflag:$0x2], $0x80, s28, s19, $0xb8;
	[tilespmem:$0x1E000] =	vst v63  }
0xae: {  	_ =	swait.ge [sflag:s18], $0x4000  }
0xaf: {  	[sflag:s18] =	ssyncset.done $0x0  }
0xb0: {  	s26 =	sadd.s32 $0x1380, s26;
	[sflag:s18] =	ssyncadd.s32 $0xFFFFC000  }
0xb1: {  	[spmem:s2] =	stream.indirect.scatter.add.f32 [tilespmem:s21], [sflag:$0x2], $0x80, s26, s19, $0xb8;
	[tilespmem:$0x1E000] =	vst v63  }
.Ltmp3:
0xb2: {  	_ =	swait.ge [sflag:s22], $0x4000;
	(pc) =	sbr.rel @p1 .LBB2_7-.Ltmp3, $4  }
0xb3: {  	[sflag:s22] =	ssyncset.done $0x0  }
0xb4: {  	[sflag:s22] =	ssyncadd.s32 $0xFFFFC000  }
0xb5: {  	_ =	swait.ge [sflag:s22], $0x4000  }
0xb6: {  	s28 =	smov.u32 s25;
	[sflag:s22] =	ssyncset.done $0x0  }
0xb7: {  	s23 =	sshra.s32 s23, $0x2;
	[sflag:s22] =	ssyncadd.s32 $0xFFFFC000  }
0xb8: {  	[tilespmem:s20], [sflag:$0x1] =	stream.indirect.gather [hbm4b:s8+s19], $0x80, s23, s19, $0xb8;
	[tilespmem:$0x1E000] =	vst v63  }
0xb9: {  	_ =	swait.ge [sflag:s18], $0x4000  }
0xba: {  	[sflag:s18] =	ssyncset.done $0x0  }
0xbb: {  	s25 =	sadd.s32 $0x80, s23;
	[sflag:s18] =	ssyncadd.s32 $0xFFFFC000  }
0xbc: {  	[tilespmem:s21], [sflag:$0x1] =	stream.indirect.gather [hbm4b:s8+s19], $0x80, s25, s19, $0xb8;
	[tilespmem:$0x1E000] =	vst v63  }
0xbd: {  	s29 =	sadd.s32 $0x1000, s23  }
0xbe: {  	[spmem:s2] =	stream.indirect.scatter.add.f32 [tilespmem:s20], [sflag:$0x2], $0x80, s29, s19, $0xb8;
	[tilespmem:$0x1E000] =	vst v63  }
0xbf: {  	_ =	swait.ge [sflag:s18], $0x4000  }
0xc0: {  	[sflag:s18] =	ssyncset.done $0x0  }
0xc1: {  	[sflag:s18] =	ssyncadd.s32 $0xFFFFC000  }
0xc2: {  	_ =	swait.ge [sflag:s22], $0x4000  }
0xc3: {  	[sflag:s22] =	ssyncset.done $0x0  }
0xc4: {  	s30 =	sadd.s32 $0x100, s23;
	[sflag:s22] =	ssyncadd.s32 $0xFFFFC000  }
0xc5: {  	[tilespmem:s20], [sflag:$0x1] =	stream.indirect.gather [hbm4b:s8+s19], $0x80, s30, s19, $0xb8;
	[tilespmem:$0x1E000] =	vst v63  }
0xc6: {  	s31 =	sadd.s32 $0x1080, s23  }
0xc7: {  	[spmem:s2] =	stream.indirect.scatter.add.f32 [tilespmem:s21], [sflag:$0x2], $0x80, s31, s19, $0xb8;
	[tilespmem:$0x1E000] =	vst v63  }
0xc8: {  	_ =	swait.ge [sflag:s18], $0x4000  }
0xc9: {  	[sflag:s18] =	ssyncset.done $0x0  }
0xca: {  	[sflag:s18] =	ssyncadd.s32 $0xFFFFC000  }
0xcb: {  	_ =	swait.ge [sflag:s22], $0x4000  }
0xcc: {  	[sflag:s22] =	ssyncset.done $0x0  }
0xcd: {  	s26 =	sadd.s32 $0x180, s23;
	[sflag:s22] =	ssyncadd.s32 $0xFFFFC000  }
0xce: {  	[tilespmem:s21], [sflag:$0x1] =	stream.indirect.gather [hbm4b:s8+s19], $0x80, s26, s19, $0xb8;
	[tilespmem:$0x1E000] =	vst v63  }
0xcf: {  	s28 =	sadd.s32 $0x1100, s23  }
0xd0: {  	[spmem:s2] =	stream.indirect.scatter.add.f32 [tilespmem:s20], [sflag:$0x2], $0x80, s28, s19, $0xb8;
	[tilespmem:$0x1E000] =	vst v63  }
0xd1: {  	_ =	swait.ge [sflag:s18], $0x4000  }
0xd2: {  	[sflag:s18] =	ssyncset.done $0x0  }
0xd3: {  	[sflag:s18] =	ssyncadd.s32 $0xFFFFC000  }
0xd4: {  	_ =	swait.ge [sflag:s22], $0x4000  }
0xd5: {  	[sflag:s22] =	ssyncset.done $0x0  }
0xd6: {  	s29 =	sadd.s32 $0x200, s23;
	[sflag:s22] =	ssyncadd.s32 $0xFFFFC000  }
0xd7: {  	[tilespmem:s20], [sflag:$0x1] =	stream.indirect.gather [hbm4b:s8+s19], $0x80, s29, s19, $0xb8;
	[tilespmem:$0x1E000] =	vst v63  }
0xd8: {  	s30 =	sadd.s32 $0x1180, s23  }
0xd9: {  	[spmem:s2] =	stream.indirect.scatter.add.f32 [tilespmem:s21], [sflag:$0x2], $0x80, s30, s19, $0xb8;
	[tilespmem:$0x1E000] =	vst v63  }
0xda: {  	_ =	swait.ge [sflag:s18], $0x4000  }
0xdb: {  	[sflag:s18] =	ssyncset.done $0x0  }
0xdc: {  	[sflag:s18] =	ssyncadd.s32 $0xFFFFC000  }
0xdd: {  	_ =	swait.ge [sflag:s22], $0x4000  }
0xde: {  	[sflag:s22] =	ssyncset.done $0x0  }
0xdf: {  	s31 =	sadd.s32 $0x280, s23;
	[sflag:s22] =	ssyncadd.s32 $0xFFFFC000  }
0xe0: {  	[tilespmem:s21], [sflag:$0x1] =	stream.indirect.gather [hbm4b:s8+s19], $0x80, s31, s19, $0xb8;
	[tilespmem:$0x1E000] =	vst v63  }
0xe1: {  	s26 =	sadd.s32 $0x1200, s23  }
0xe2: {  	[spmem:s2] =	stream.indirect.scatter.add.f32 [tilespmem:s20], [sflag:$0x2], $0x80, s26, s19, $0xb8;
	[tilespmem:$0x1E000] =	vst v63  }
0xe3: {  	_ =	swait.ge [sflag:s18], $0x4000  }
0xe4: {  	[sflag:s18] =	ssyncset.done $0x0  }
0xe5: {  	[sflag:s18] =	ssyncadd.s32 $0xFFFFC000  }
0xe6: {  	_ =	swait.ge [sflag:s22], $0x4000  }
0xe7: {  	[sflag:s22] =	ssyncset.done $0x0  }
0xe8: {  	s28 =	sadd.s32 $0x300, s23;
	[sflag:s22] =	ssyncadd.s32 $0xFFFFC000  }
0xe9: {  	[tilespmem:s20], [sflag:$0x1] =	stream.indirect.gather [hbm4b:s8+s19], $0x80, s28, s19, $0xb8;
	[tilespmem:$0x1E000] =	vst v63  }
0xea: {  	s29 =	sadd.s32 $0x1280, s23  }
0xeb: {  	[spmem:s2] =	stream.indirect.scatter.add.f32 [tilespmem:s21], [sflag:$0x2], $0x80, s29, s19, $0xb8;
	[tilespmem:$0x1E000] =	vst v63  }
0xec: {  	_ =	swait.ge [sflag:s18], $0x4000  }
0xed: {  	[sflag:s18] =	ssyncset.done $0x0  }
0xee: {  	[sflag:s18] =	ssyncadd.s32 $0xFFFFC000  }
0xef: {  	_ =	swait.ge [sflag:s22], $0x4000  }
0xf0: {  	[sflag:s22] =	ssyncset.done $0x0  }
0xf1: {  	s30 =	sadd.s32 $0x380, s23;
	[sflag:s22] =	ssyncadd.s32 $0xFFFFC000  }
0xf2: {  	[tilespmem:s21], [sflag:$0x1] =	stream.indirect.gather [hbm4b:s8+s19], $0x80, s30, s19, $0xb8;
	[tilespmem:$0x1E000] =	vst v63  }
0xf3: {  	s31 =	sadd.s32 $0x1300, s23  }
0xf4: {  	[spmem:s2] =	stream.indirect.scatter.add.f32 [tilespmem:s20], [sflag:$0x2], $0x80, s31, s19, $0xb8;
	[tilespmem:$0x1E000] =	vst v63  }
0xf5: {  	_ =	swait.ge [sflag:s18], $0x4000  }
0xf6: {  	[sflag:s18] =	ssyncset.done $0x0  }
0xf7: {  	s24 =	sadd.s32 $0x1, s24;
	s23 =	sadd.s32 $0x1380, s23;
	[sflag:s18] =	ssyncadd.s32 $0xFFFFC000  }
0xf8: {  	[spmem:s2] =	stream.indirect.scatter.add.f32 [tilespmem:s21], [sflag:$0x2], $0x80, s23, s19, $0xb8;
	[tilespmem:$0x1E000] =	vst v63  }
0xf9: {  	p1 =	sne.s32 s24, $0x5;
	_ =	swait.ge [sflag:s22], $0x4000  }
.Ltmp4:
0xfa: {  	[sflag:s22] =	ssyncset.done $0x0;
	(pc) =	sbr.rel @p1 .LBB2_6-.Ltmp4, $4  }
0xfb: {  	[sflag:s22] =	ssyncadd.s32 $0xFFFFC000  }
0xfc: {  	_ =	swait.ge [sflag:s22], $0x4000  }
0xfd: {  	[sflag:s22] =	ssyncset.done $0x0  }
0xfe: {  	[sflag:s22] =	ssyncadd.s32 $0xFFFFC000  }
.Ltmp5:
0xff: {  	(pc) =	sbr.rel .LBB2_10-.Ltmp5, $2  }
0x100: {  	_ =	sdelay $0x2  }
0x101: {  	s23 =	smov.u32 s10  }
.LBB2_2:
0x102: {  	s24 =	sadd.s32 s12, s23  }
0x103: {  	s24 =	sshll.u32 s24, $0x9  }
0x104: {  	s26 =	simm.s32 $0x0;
	s25 =	sadd.s32 s5, s24  }
0x105: {  	[tilespmem:s26], [sflag:$0x1] =	stream.linear.gather [hbm4b:s25+s26], $0x1000, $0x38;
	[tilespmem:$0x1E000] =	vst v63  }
0x106: {  	s24 =	sadd.s32 s1, s24  }
0x107: {  	[tilespmem:s17], [sflag:$0x1] =	stream.linear.gather [hbm4b:s24+s26], $0x1000, $0x38;
	[tilespmem:$0x1E000] =	vst v63  }
0x108: {  	_ =	swait.ge [sflag:s18], $0x1000  }
0x109: {  	[sflag:s18] =	ssyncset.done $0x0  }
0x10a: {  	[sflag:s18] =	ssyncadd.s32 $0xFFFFF000  }
0x10b: {  	_ =	swait.ge [sflag:s18], $0x1000  }
0x10c: {  	[sflag:s18] =	ssyncset.done $0x0  }
0x10d: {  	s31 =	simm.s32 $0x0;
	[sflag:s18] =	ssyncadd.s32 $0xFFFFF000  }
0x10e: {  	[tilespmem:s20], [sflag:$0x1] =	stream.indirect.gather [hbm4b:s6+s19], $0x80, s31, s19, $0xb8;
	[tilespmem:$0x1E000] =	vst v63  }
0x10f: {  	_ =	swait.ge [sflag:s18], $0x4000  }
0x110: {  	[sflag:s18] =	ssyncset.done $0x0  }
0x111: {  	s25 =	simm.s32 $0x80;
	[sflag:s18] =	ssyncadd.s32 $0xFFFFC000  }
0x112: {  	[tilespmem:s21], [sflag:$0x1] =	stream.indirect.gather [hbm4b:s6+s19], $0x80, s25, s19, $0xb8;
	[tilespmem:$0x1E000] =	vst v63  }
0x113: {  	s26 =	simm.s32 $0x1000  }
0x114: {  	[spmem:s2] =	stream.indirect.scatter.add.f32 [tilespmem:s20], [sflag:$0x2], $0x80, s26, s19, $0xb8;
	[tilespmem:$0x1E000] =	vst v63  }
0x115: {  	_ =	swait.ge [sflag:s18], $0x4000  }
0x116: {  	[sflag:s18] =	ssyncset.done $0x0  }
0x117: {  	[sflag:s18] =	ssyncadd.s32 $0xFFFFC000  }
0x118: {  	_ =	swait.ge [sflag:s22], $0x4000  }
0x119: {  	[sflag:s22] =	ssyncset.done $0x0  }
0x11a: {  	s29 =	simm.s32 $0x100;
	[sflag:s22] =	ssyncadd.s32 $0xFFFFC000  }
0x11b: {  	[tilespmem:s20], [sflag:$0x1] =	stream.indirect.gather [hbm4b:s6+s19], $0x80, s29, s19, $0xb8;
	[tilespmem:$0x1E000] =	vst v63  }
0x11c: {  	s30 =	simm.s32 $0x1080  }
0x11d: {  	[spmem:s2] =	stream.indirect.scatter.add.f32 [tilespmem:s21], [sflag:$0x2], $0x80, s30, s19, $0xb8;
	[tilespmem:$0x1E000] =	vst v63  }
0x11e: {  	_ =	swait.ge [sflag:s18], $0x4000  }
0x11f: {  	[sflag:s18] =	ssyncset.done $0x0  }
0x120: {  	[sflag:s18] =	ssyncadd.s32 $0xFFFFC000  }
0x121: {  	_ =	swait.ge [sflag:s22], $0x4000  }
0x122: {  	[sflag:s22] =	ssyncset.done $0x0  }
0x123: {  	s31 =	simm.s32 $0x180;
	[sflag:s22] =	ssyncadd.s32 $0xFFFFC000  }
0x124: {  	[tilespmem:s21], [sflag:$0x1] =	stream.indirect.gather [hbm4b:s6+s19], $0x80, s31, s19, $0xb8;
	[tilespmem:$0x1E000] =	vst v63  }
0x125: {  	s25 =	simm.s32 $0x1100  }
0x126: {  	[spmem:s2] =	stream.indirect.scatter.add.f32 [tilespmem:s20], [sflag:$0x2], $0x80, s25, s19, $0xb8;
	[tilespmem:$0x1E000] =	vst v63  }
0x127: {  	_ =	swait.ge [sflag:s18], $0x4000  }
0x128: {  	[sflag:s18] =	ssyncset.done $0x0  }
0x129: {  	[sflag:s18] =	ssyncadd.s32 $0xFFFFC000  }
0x12a: {  	_ =	swait.ge [sflag:s22], $0x4000  }
0x12b: {  	[sflag:s22] =	ssyncset.done $0x0  }
0x12c: {  	s26 =	simm.s32 $0x200;
	[sflag:s22] =	ssyncadd.s32 $0xFFFFC000  }
0x12d: {  	[tilespmem:s20], [sflag:$0x1] =	stream.indirect.gather [hbm4b:s6+s19], $0x80, s26, s19, $0xb8;
	[tilespmem:$0x1E000] =	vst v63  }
0x12e: {  	s29 =	simm.s32 $0x1180  }
0x12f: {  	[spmem:s2] =	stream.indirect.scatter.add.f32 [tilespmem:s21], [sflag:$0x2], $0x80, s29, s19, $0xb8;
	[tilespmem:$0x1E000] =	vst v63  }
0x130: {  	_ =	swait.ge [sflag:s18], $0x4000  }
0x131: {  	[sflag:s18] =	ssyncset.done $0x0  }
0x132: {  	[sflag:s18] =	ssyncadd.s32 $0xFFFFC000  }
0x133: {  	_ =	swait.ge [sflag:s22], $0x4000  }
0x134: {  	[sflag:s22] =	ssyncset.done $0x0  }
0x135: {  	s30 =	simm.s32 $0x280;
	[sflag:s22] =	ssyncadd.s32 $0xFFFFC000  }
0x136: {  	[tilespmem:s21], [sflag:$0x1] =	stream.indirect.gather [hbm4b:s6+s19], $0x80, s30, s19, $0xb8;
	[tilespmem:$0x1E000] =	vst v63  }
0x137: {  	s31 =	simm.s32 $0x1200  }
0x138: {  	[spmem:s2] =	stream.indirect.scatter.add.f32 [tilespmem:s20], [sflag:$0x2], $0x80, s31, s19, $0xb8;
	[tilespmem:$0x1E000] =	vst v63  }
0x139: {  	_ =	swait.ge [sflag:s18], $0x4000  }
0x13a: {  	[sflag:s18] =	ssyncset.done $0x0  }
0x13b: {  	[sflag:s18] =	ssyncadd.s32 $0xFFFFC000  }
0x13c: {  	_ =	swait.ge [sflag:s22], $0x4000  }
0x13d: {  	[sflag:s22] =	ssyncset.done $0x0  }
0x13e: {  	s25 =	simm.s32 $0x300;
	[sflag:s22] =	ssyncadd.s32 $0xFFFFC000  }
0x13f: {  	[tilespmem:s20], [sflag:$0x1] =	stream.indirect.gather [hbm4b:s6+s19], $0x80, s25, s19, $0xb8;
	[tilespmem:$0x1E000] =	vst v63  }
0x140: {  	s26 =	simm.s32 $0x1280  }
0x141: {  	[spmem:s2] =	stream.indirect.scatter.add.f32 [tilespmem:s21], [sflag:$0x2], $0x80, s26, s19, $0xb8;
	[tilespmem:$0x1E000] =	vst v63  }
0x142: {  	_ =	swait.ge [sflag:s18], $0x4000  }
0x143: {  	[sflag:s18] =	ssyncset.done $0x0  }
0x144: {  	[sflag:s18] =	ssyncadd.s32 $0xFFFFC000  }
0x145: {  	_ =	swait.ge [sflag:s22], $0x4000  }
0x146: {  	[sflag:s22] =	ssyncset.done $0x0  }
0x147: {  	s29 =	simm.s32 $0x380;
	[sflag:s22] =	ssyncadd.s32 $0xFFFFC000  }
0x148: {  	[tilespmem:s21], [sflag:$0x1] =	stream.indirect.gather [hbm4b:s6+s19], $0x80, s29, s19, $0xb8;
	[tilespmem:$0x1E000] =	vst v63  }
0x149: {  	s30 =	simm.s32 $0x1300  }
0x14a: {  	[spmem:s2] =	stream.indirect.scatter.add.f32 [tilespmem:s20], [sflag:$0x2], $0x80, s30, s19, $0xb8;
	[tilespmem:$0x1E000] =	vst v63  }
0x14b: {  	_ =	swait.ge [sflag:s18], $0x4000  }
0x14c: {  	[sflag:s18] =	ssyncset.done $0x0  }
0x14d: {  	s31 =	simm.s32 $0x1380;
	[sflag:s18] =	ssyncadd.s32 $0xFFFFC000  }
0x14e: {  	[spmem:s2] =	stream.indirect.scatter.add.f32 [tilespmem:s21], [sflag:$0x2], $0x80, s31, s19, $0xb8;
	[tilespmem:$0x1E000] =	vst v63  }
0x14f: {  	_ =	swait.ge [sflag:s22], $0x4000  }
0x150: {  	[sflag:s22] =	ssyncset.done $0x0  }
0x151: {  	[sflag:s22] =	ssyncadd.s32 $0xFFFFC000  }
0x152: {  	_ =	swait.ge [sflag:s22], $0x4000  }
0x153: {  	s28 =	simm.s32 $0x2000;
	s24 =	simm.s32 $0x1000;
	[sflag:s22] =	ssyncset.done $0x0  }
.LBB2_3:
0x154: {  	s26 =	sshra.s32 s24, $0x2  }
0x155: {  	[sflag:s22] =	ssyncadd.s32 $0xFFFFC000;
	s24 =	smov.u32 s28;
	s25 =	sadd.s32 $0x1000, s28  }
0x156: {  	[tilespmem:s20], [sflag:$0x1] =	stream.indirect.gather [hbm4b:s6+s19], $0x80, s26, s19, $0xb8;
	[tilespmem:$0x1E000] =	vst v63  }
0x157: {  	p1 =	sne.s32 s28, $0x3000;
	_ =	swait.ge [sflag:s18], $0x4000  }
0x158: {  	[sflag:s18] =	ssyncset.done $0x0  }
0x159: {  	s28 =	sadd.s32 $0x80, s26;
	[sflag:s18] =	ssyncadd.s32 $0xFFFFC000  }
0x15a: {  	[tilespmem:s21], [sflag:$0x1] =	stream.indirect.gather [hbm4b:s6+s19], $0x80, s28, s19, $0xb8;
	[tilespmem:$0x1E000] =	vst v63  }
0x15b: {  	s28 =	sadd.s32 $0x1000, s26  }
0x15c: {  	[spmem:s2] =	stream.indirect.scatter.add.f32 [tilespmem:s20], [sflag:$0x2], $0x80, s28, s19, $0xb8;
	[tilespmem:$0x1E000] =	vst v63  }
0x15d: {  	_ =	swait.ge [sflag:s18], $0x4000  }
0x15e: {  	[sflag:s18] =	ssyncset.done $0x0  }
0x15f: {  	[sflag:s18] =	ssyncadd.s32 $0xFFFFC000  }
0x160: {  	_ =	swait.ge [sflag:s22], $0x4000  }
0x161: {  	[sflag:s22] =	ssyncset.done $0x0  }
0x162: {  	s28 =	sadd.s32 $0x100, s26;
	[sflag:s22] =	ssyncadd.s32 $0xFFFFC000  }
0x163: {  	[tilespmem:s20], [sflag:$0x1] =	stream.indirect.gather [hbm4b:s6+s19], $0x80, s28, s19, $0xb8;
	[tilespmem:$0x1E000] =	vst v63  }
0x164: {  	s28 =	sadd.s32 $0x1080, s26  }
0x165: {  	[spmem:s2] =	stream.indirect.scatter.add.f32 [tilespmem:s21], [sflag:$0x2], $0x80, s28, s19, $0xb8;
	[tilespmem:$0x1E000] =	vst v63  }
0x166: {  	_ =	swait.ge [sflag:s18], $0x4000  }
0x167: {  	[sflag:s18] =	ssyncset.done $0x0  }
0x168: {  	[sflag:s18] =	ssyncadd.s32 $0xFFFFC000  }
0x169: {  	_ =	swait.ge [sflag:s22], $0x4000  }
0x16a: {  	[sflag:s22] =	ssyncset.done $0x0  }
0x16b: {  	s28 =	sadd.s32 $0x180, s26;
	[sflag:s22] =	ssyncadd.s32 $0xFFFFC000  }
0x16c: {  	[tilespmem:s21], [sflag:$0x1] =	stream.indirect.gather [hbm4b:s6+s19], $0x80, s28, s19, $0xb8;
	[tilespmem:$0x1E000] =	vst v63  }
0x16d: {  	s28 =	sadd.s32 $0x1100, s26  }
0x16e: {  	[spmem:s2] =	stream.indirect.scatter.add.f32 [tilespmem:s20], [sflag:$0x2], $0x80, s28, s19, $0xb8;
	[tilespmem:$0x1E000] =	vst v63  }
0x16f: {  	_ =	swait.ge [sflag:s18], $0x4000  }
0x170: {  	[sflag:s18] =	ssyncset.done $0x0  }
0x171: {  	[sflag:s18] =	ssyncadd.s32 $0xFFFFC000  }
0x172: {  	_ =	swait.ge [sflag:s22], $0x4000  }
0x173: {  	[sflag:s22] =	ssyncset.done $0x0  }
0x174: {  	s28 =	sadd.s32 $0x200, s26;
	[sflag:s22] =	ssyncadd.s32 $0xFFFFC000  }
0x175: {  	[tilespmem:s20], [sflag:$0x1] =	stream.indirect.gather [hbm4b:s6+s19], $0x80, s28, s19, $0xb8;
	[tilespmem:$0x1E000] =	vst v63  }
0x176: {  	s28 =	sadd.s32 $0x1180, s26  }
0x177: {  	[spmem:s2] =	stream.indirect.scatter.add.f32 [tilespmem:s21], [sflag:$0x2], $0x80, s28, s19, $0xb8;
	[tilespmem:$0x1E000] =	vst v63  }
0x178: {  	_ =	swait.ge [sflag:s18], $0x4000  }
0x179: {  	[sflag:s18] =	ssyncset.done $0x0  }
0x17a: {  	[sflag:s18] =	ssyncadd.s32 $0xFFFFC000  }
0x17b: {  	_ =	swait.ge [sflag:s22], $0x4000  }
0x17c: {  	[sflag:s22] =	ssyncset.done $0x0  }
0x17d: {  	s28 =	sadd.s32 $0x280, s26;
	[sflag:s22] =	ssyncadd.s32 $0xFFFFC000  }
0x17e: {  	[tilespmem:s21], [sflag:$0x1] =	stream.indirect.gather [hbm4b:s6+s19], $0x80, s28, s19, $0xb8;
	[tilespmem:$0x1E000] =	vst v63  }
0x17f: {  	s28 =	sadd.s32 $0x1200, s26  }
0x180: {  	[spmem:s2] =	stream.indirect.scatter.add.f32 [tilespmem:s20], [sflag:$0x2], $0x80, s28, s19, $0xb8;
	[tilespmem:$0x1E000] =	vst v63  }
0x181: {  	_ =	swait.ge [sflag:s18], $0x4000  }
0x182: {  	[sflag:s18] =	ssyncset.done $0x0  }
0x183: {  	[sflag:s18] =	ssyncadd.s32 $0xFFFFC000  }
0x184: {  	_ =	swait.ge [sflag:s22], $0x4000  }
0x185: {  	[sflag:s22] =	ssyncset.done $0x0  }
0x186: {  	s28 =	sadd.s32 $0x300, s26;
	[sflag:s22] =	ssyncadd.s32 $0xFFFFC000  }
0x187: {  	[tilespmem:s20], [sflag:$0x1] =	stream.indirect.gather [hbm4b:s6+s19], $0x80, s28, s19, $0xb8;
	[tilespmem:$0x1E000] =	vst v63  }
0x188: {  	s28 =	sadd.s32 $0x1280, s26  }
0x189: {  	[spmem:s2] =	stream.indirect.scatter.add.f32 [tilespmem:s21], [sflag:$0x2], $0x80, s28, s19, $0xb8;
	[tilespmem:$0x1E000] =	vst v63  }
0x18a: {  	_ =	swait.ge [sflag:s18], $0x4000  }
0x18b: {  	[sflag:s18] =	ssyncset.done $0x0  }
0x18c: {  	[sflag:s18] =	ssyncadd.s32 $0xFFFFC000  }
0x18d: {  	_ =	swait.ge [sflag:s22], $0x4000  }
0x18e: {  	[sflag:s22] =	ssyncset.done $0x0  }
0x18f: {  	s28 =	sadd.s32 $0x380, s26;
	[sflag:s22] =	ssyncadd.s32 $0xFFFFC000  }
0x190: {  	[tilespmem:s21], [sflag:$0x1] =	stream.indirect.gather [hbm4b:s6+s19], $0x80, s28, s19, $0xb8;
	[tilespmem:$0x1E000] =	vst v63  }
0x191: {  	s28 =	sadd.s32 $0x1300, s26  }
0x192: {  	[spmem:s2] =	stream.indirect.scatter.add.f32 [tilespmem:s20], [sflag:$0x2], $0x80, s28, s19, $0xb8;
	[tilespmem:$0x1E000] =	vst v63  }
0x193: {  	_ =	swait.ge [sflag:s18], $0x4000  }
0x194: {  	[sflag:s18] =	ssyncset.done $0x0  }
0x195: {  	s26 =	sadd.s32 $0x1380, s26;
	[sflag:s18] =	ssyncadd.s32 $0xFFFFC000  }
0x196: {  	[spmem:s2] =	stream.indirect.scatter.add.f32 [tilespmem:s21], [sflag:$0x2], $0x80, s26, s19, $0xb8;
	[tilespmem:$0x1E000] =	vst v63  }
.Ltmp6:
0x197: {  	_ =	swait.ge [sflag:s22], $0x4000;
	(pc) =	sbr.rel @p1 .LBB2_3-.Ltmp6, $4  }
0x198: {  	[sflag:s22] =	ssyncset.done $0x0  }
0x199: {  	[sflag:s22] =	ssyncadd.s32 $0xFFFFC000  }
0x19a: {  	_ =	swait.ge [sflag:s22], $0x4000  }
0x19b: {  	s28 =	smov.u32 s25;
	[sflag:s22] =	ssyncset.done $0x0  }
0x19c: {  	s24 =	sshra.s32 s24, $0x2;
	[sflag:s22] =	ssyncadd.s32 $0xFFFFC000  }
0x19d: {  	[tilespmem:s20], [sflag:$0x1] =	stream.indirect.gather [hbm4b:s6+s19], $0x80, s24, s19, $0xb8;
	[tilespmem:$0x1E000] =	vst v63  }
0x19e: {  	_ =	swait.ge [sflag:s18], $0x4000  }
0x19f: {  	[sflag:s18] =	ssyncset.done $0x0  }
0x1a0: {  	s25 =	sadd.s32 $0x80, s24;
	[sflag:s18] =	ssyncadd.s32 $0xFFFFC000  }
0x1a1: {  	[tilespmem:s21], [sflag:$0x1] =	stream.indirect.gather [hbm4b:s6+s19], $0x80, s25, s19, $0xb8;
	[tilespmem:$0x1E000] =	vst v63  }
0x1a2: {  	s29 =	sadd.s32 $0x1000, s24  }
0x1a3: {  	[spmem:s2] =	stream.indirect.scatter.add.f32 [tilespmem:s20], [sflag:$0x2], $0x80, s29, s19, $0xb8;
	[tilespmem:$0x1E000] =	vst v63  }
0x1a4: {  	_ =	swait.ge [sflag:s18], $0x4000  }
0x1a5: {  	[sflag:s18] =	ssyncset.done $0x0  }
0x1a6: {  	[sflag:s18] =	ssyncadd.s32 $0xFFFFC000  }
0x1a7: {  	_ =	swait.ge [sflag:s22], $0x4000  }
0x1a8: {  	[sflag:s22] =	ssyncset.done $0x0  }
0x1a9: {  	s30 =	sadd.s32 $0x100, s24;
	[sflag:s22] =	ssyncadd.s32 $0xFFFFC000  }
0x1aa: {  	[tilespmem:s20], [sflag:$0x1] =	stream.indirect.gather [hbm4b:s6+s19], $0x80, s30, s19, $0xb8;
	[tilespmem:$0x1E000] =	vst v63  }
0x1ab: {  	s31 =	sadd.s32 $0x1080, s24  }
0x1ac: {  	[spmem:s2] =	stream.indirect.scatter.add.f32 [tilespmem:s21], [sflag:$0x2], $0x80, s31, s19, $0xb8;
	[tilespmem:$0x1E000] =	vst v63  }
0x1ad: {  	_ =	swait.ge [sflag:s18], $0x4000  }
0x1ae: {  	[sflag:s18] =	ssyncset.done $0x0  }
0x1af: {  	[sflag:s18] =	ssyncadd.s32 $0xFFFFC000  }
0x1b0: {  	_ =	swait.ge [sflag:s22], $0x4000  }
0x1b1: {  	[sflag:s22] =	ssyncset.done $0x0  }
0x1b2: {  	s26 =	sadd.s32 $0x180, s24;
	[sflag:s22] =	ssyncadd.s32 $0xFFFFC000  }
0x1b3: {  	[tilespmem:s21], [sflag:$0x1] =	stream.indirect.gather [hbm4b:s6+s19], $0x80, s26, s19, $0xb8;
	[tilespmem:$0x1E000] =	vst v63  }
0x1b4: {  	s28 =	sadd.s32 $0x1100, s24  }
0x1b5: {  	[spmem:s2] =	stream.indirect.scatter.add.f32 [tilespmem:s20], [sflag:$0x2], $0x80, s28, s19, $0xb8;
	[tilespmem:$0x1E000] =	vst v63  }
0x1b6: {  	_ =	swait.ge [sflag:s18], $0x4000  }
0x1b7: {  	[sflag:s18] =	ssyncset.done $0x0  }
0x1b8: {  	[sflag:s18] =	ssyncadd.s32 $0xFFFFC000  }
0x1b9: {  	_ =	swait.ge [sflag:s22], $0x4000  }
0x1ba: {  	[sflag:s22] =	ssyncset.done $0x0  }
0x1bb: {  	s29 =	sadd.s32 $0x200, s24;
	[sflag:s22] =	ssyncadd.s32 $0xFFFFC000  }
0x1bc: {  	[tilespmem:s20], [sflag:$0x1] =	stream.indirect.gather [hbm4b:s6+s19], $0x80, s29, s19, $0xb8;
	[tilespmem:$0x1E000] =	vst v63  }
0x1bd: {  	s30 =	sadd.s32 $0x1180, s24  }
0x1be: {  	[spmem:s2] =	stream.indirect.scatter.add.f32 [tilespmem:s21], [sflag:$0x2], $0x80, s30, s19, $0xb8;
	[tilespmem:$0x1E000] =	vst v63  }
0x1bf: {  	_ =	swait.ge [sflag:s18], $0x4000  }
0x1c0: {  	[sflag:s18] =	ssyncset.done $0x0  }
0x1c1: {  	[sflag:s18] =	ssyncadd.s32 $0xFFFFC000  }
0x1c2: {  	_ =	swait.ge [sflag:s22], $0x4000  }
0x1c3: {  	[sflag:s22] =	ssyncset.done $0x0  }
0x1c4: {  	s31 =	sadd.s32 $0x280, s24;
	[sflag:s22] =	ssyncadd.s32 $0xFFFFC000  }
0x1c5: {  	[tilespmem:s21], [sflag:$0x1] =	stream.indirect.gather [hbm4b:s6+s19], $0x80, s31, s19, $0xb8;
	[tilespmem:$0x1E000] =	vst v63  }
0x1c6: {  	s26 =	sadd.s32 $0x1200, s24  }
0x1c7: {  	[spmem:s2] =	stream.indirect.scatter.add.f32 [tilespmem:s20], [sflag:$0x2], $0x80, s26, s19, $0xb8;
	[tilespmem:$0x1E000] =	vst v63  }
0x1c8: {  	_ =	swait.ge [sflag:s18], $0x4000  }
0x1c9: {  	[sflag:s18] =	ssyncset.done $0x0  }
0x1ca: {  	[sflag:s18] =	ssyncadd.s32 $0xFFFFC000  }
0x1cb: {  	_ =	swait.ge [sflag:s22], $0x4000  }
0x1cc: {  	[sflag:s22] =	ssyncset.done $0x0  }
0x1cd: {  	s28 =	sadd.s32 $0x300, s24;
	[sflag:s22] =	ssyncadd.s32 $0xFFFFC000  }
0x1ce: {  	[tilespmem:s20], [sflag:$0x1] =	stream.indirect.gather [hbm4b:s6+s19], $0x80, s28, s19, $0xb8;
	[tilespmem:$0x1E000] =	vst v63  }
0x1cf: {  	s29 =	sadd.s32 $0x1280, s24  }
0x1d0: {  	[spmem:s2] =	stream.indirect.scatter.add.f32 [tilespmem:s21], [sflag:$0x2], $0x80, s29, s19, $0xb8;
	[tilespmem:$0x1E000] =	vst v63  }
0x1d1: {  	_ =	swait.ge [sflag:s18], $0x4000  }
0x1d2: {  	[sflag:s18] =	ssyncset.done $0x0  }
0x1d3: {  	[sflag:s18] =	ssyncadd.s32 $0xFFFFC000  }
0x1d4: {  	_ =	swait.ge [sflag:s22], $0x4000  }
0x1d5: {  	[sflag:s22] =	ssyncset.done $0x0  }
0x1d6: {  	s30 =	sadd.s32 $0x380, s24;
	[sflag:s22] =	ssyncadd.s32 $0xFFFFC000  }
0x1d7: {  	[tilespmem:s21], [sflag:$0x1] =	stream.indirect.gather [hbm4b:s6+s19], $0x80, s30, s19, $0xb8;
	[tilespmem:$0x1E000] =	vst v63  }
0x1d8: {  	s31 =	sadd.s32 $0x1300, s24  }
0x1d9: {  	[spmem:s2] =	stream.indirect.scatter.add.f32 [tilespmem:s20], [sflag:$0x2], $0x80, s31, s19, $0xb8;
	[tilespmem:$0x1E000] =	vst v63  }
0x1da: {  	_ =	swait.ge [sflag:s18], $0x4000  }
0x1db: {  	[sflag:s18] =	ssyncset.done $0x0  }
0x1dc: {  	s23 =	sadd.s32 $0x1, s23;
	s24 =	sadd.s32 $0x1380, s24;
	[sflag:s18] =	ssyncadd.s32 $0xFFFFC000  }
0x1dd: {  	[spmem:s2] =	stream.indirect.scatter.add.f32 [tilespmem:s21], [sflag:$0x2], $0x80, s24, s19, $0xb8;
	[tilespmem:$0x1E000] =	vst v63  }
0x1de: {  	p1 =	seq.s32 s23, $0x5;
	_ =	swait.ge [sflag:s22], $0x4000  }
.Ltmp7:
0x1df: {  	[sflag:s22] =	ssyncset.done $0x0;
	(pc) =	sbr.rel @!p1 .LBB2_2-.Ltmp7, $4  }
0x1e0: {  	[sflag:s22] =	ssyncadd.s32 $0xFFFFC000  }
0x1e1: {  	_ =	swait.ge [sflag:s22], $0x4000  }
0x1e2: {  	[sflag:s22] =	ssyncset.done $0x0  }
0x1e3: {  	[sflag:s22] =	ssyncadd.s32 $0xFFFFC000  }
.Ltmp8:
0x1e4: {  	(pc) =	sbr.rel .LBB2_10-.Ltmp8, $2  }
0x1e5: {  	_ =	sdelay $0x2  }
0x1e6: {  	s23 =	smov.u32 s9  }
.LBB2_11:
0x1e7: {  	_ =	sfence.sel $0x180000  }
0x1e8: {  	[bflag:$0x0] =	sbarrier.arrive $0xFFFF  }
0x1e9: {  	p0 =	sne.s32 s3, $0x0;
	_ =	strace $0x9000004A  }
0x1ea: {  	s0 =	sadd.s32 @!p0 $0x100000, s0;
	[bflag:$0x2] =	sbarrier.arrive $0xFFFF  }
0x1eb: {  	[sflag:s0] =	ssyncadd.tile.s32 @!p0 $0x1;
	_ =	shalt  }
.Lfunc_end2:
_tile_overlayer_lowered:
.L_overlay_start_2:
0x1ec: {  	(tag) =	ssettag $0x2  }
0x1ed: {  	s0 =	rddreg [dreg:$0x0];
	s2 =	stileid.u32  }
0x1ee: {  	s1 =	rddreg [dreg:$0x1];
	p0 =	sne.s32 s2, $0x0  }
0x1ef: {  	s3 =	rddreg [dreg:$0x2];
	[bflag:$0x3] =	sbarrier.arrive $0xFFFF;
	s2 =	simm.s32 @!p0 $0x1C03  }
0x1f0: {  	[timem:s3], [sflag:s2] =	dma.local @!p0 [hbm:s0], s1  }
0x1f1: {  	s0 =	simm.s32 @!p0 $0x3  }
0x1f2: {  	_ =	swait.ge @!p0 [sflag:s0], s1  }
0x1f3: {  	s1 =	ssub.s32 @!p0 $0x0, s1;
	[sflag:s0] =	ssyncset.done @!p0 $0x0  }
0x1f4: {  	[sflag:s0] =	ssyncadd.s32 @!p0 s1  }
0x1f5: {  	[bflag:$0x3] =	sbarrier.arrive $0xFFFF  }
0x1f6: {  	_ =	shalt  }

// kernel: kernel.5.cloned.1.call-start
scs
__scs_entry_jumppad:
0x0: {  	(pc) =	sbr.rel $0x88, $3  }
0x1: {  	(tag) =	ssettag $0x0;
	lr =	simm.s32 $0x1  }
0x2: {  	[smem:$0x3F99] =	sst lr;
	_ =	strace $0xD0000000  }
0x3: {  	_ = 	snop  }
0x4: {  	_ = 	snop  }
0x5: {  	_ = 	snop  }
0x6: {  	_ = 	snop  }
0x7: {  	_ = 	snop  }
__scs_overlays_trampoline_lowered:
0x8: {  	[smem:$0x3FA8] =	sst s0  }
0x9: {  	[smem:$0x3FA9] =	sst s1  }
0xa: {  	[smem:$0x3FAA] =	sst s2  }
0xb: {  	[smem:$0x3FAB] =	sst s3  }
0xc: {  	[smem:$0x3FAC] =	sst s4  }
0xd: {  	[smem:$0x3FAD] =	sst s5  }
0xe: {  	[smem:$0x3FAE] =	sst s6  }
0xf: {  	[smem:$0x3FAF] =	sst s7  }
0x10: {  	[smem:$0x3FB0] =	sst s8  }
0x11: {  	[smem:$0x3FB1] =	sst s9;
	s0 =	simm.s32 @!p0 $0x0  }
0x12: {  	s1 =	sld [smem:$0x3F97];
	s0 =	simm.s32 @p0 $0x1  }
0x13: {  	[smem:$0x3FB2] =	sst s0;
	s0 =	simm.s32 @!p1 $0x0  }
0x14: {  	s2 =	sld [smem:$0x3F96];
	s0 =	simm.s32 @p1 $0x1  }
0x15: {  	[smem:$0x3FB3] =	sst s0;
	s0 =	simm.s32 @!p2 $0x0  }
0x16: {  	s3 =	sld [smem:$0x3FDB];
	s0 =	simm.s32 @p2 $0x1  }
0x17: {  	s4 =	simm.s32 $0x1BF5;
	[smem:$0x3FB5] =	sst s0  }
0x18: {  	s0 =	sld [smem:$0x3F98];
	_ =	swait.ge [sflag:s4], $0x0  }
0x19: {  	s7 =	sld [smem:$0x3F99]  }
0x1a: {  	s8 =	sadd.s32 $0xFFFFE003, lr  }
0x1b: {  	s9 =	sadd.s32 $0xFFFFFEF7, lr;
	s5 =	simm.s32 $0xFFFFFFFF;
	p2 =	slt.u32 s8, $0xFFFFF086  }
0x1c: {  	p1 =	slt.u32 s9, $0xF7A;
	s5 =	simm.s32 @!p2 $0x0  }
0x1d: {  	s5 =	simm.s32 @p1 $0x1;
	p0 =	seq.s32 s7, s2  }
0x1e: {  	s7 =	smul.u32 @!p0 $0xF7A, s2;
	p2 =	seq.s32 @!p0 s5, $0x0  }
0x1f: {  	s9 =	smul.u32 $0xF7A, s1;
	s8 =	simm.s32 @!p0 $0x1BF5;
	p2 =	por !p2, p0  }
0x20: {  	[sflag:s8] =	ssyncset.s32 @!p0 $0xFFFFF086;
	s6 =	sadd.s32 @!p0 s3, s7;
	s7 =	simm.s32 @!p0 $0x108  }
0x21: {  	s3 =	sadd.s32 s3, s9;
	s6 =	sadd.s32 @!p0 $0x88, s6;
	s7 =	simm.s32 @p2 $0x1082  }
0x22: {  	[simem:s7], [sflag:s8] =	dma.local @!p0 [hbm:s6], $0xF7A  }
0x23: {  	s9 =	sor.u32 $0xD0000000, s2;
	s6 =	simm.s32 $0x108;
	_ =	swait.ge @!p0 [sflag:s8], $0x0  }
0x24: {  	s3 =	sadd.s32 $0x88, s3;
	s6 =	simm.s32 @!p1 $0x1082;
	[sflag:s4] =	ssyncset.s32 $0xFFFFF086  }
0x25: {  	[simem:s6], [sflag:s4] =	dma.local [hbm:s3], $0xF7A  }
0x26: {  	[smem:$0x3F99] =	sst s1;
	(tag) =	ssettag s2;
	_ =	strace s9  }
0x27: {  	s1 =	sld [smem:$0x3FA9]  }
0x28: {  	s2 =	sld [smem:$0x3FAA]  }
0x29: {  	s4 =	sld [smem:$0x3FAC]  }
0x2a: {  	p0 =	seq.s32 s5, $0x0;
	s5 =	sld [smem:$0x3FAD]  }
0x2b: {  	s6 =	sld [smem:$0x3FAE]  }
0x2c: {  	s7 =	sld [smem:$0x3FAF]  }
0x2d: {  	s3 =	simm.s32 $0x108;
	s8 =	sld [smem:$0x3FB0]  }
0x2e: {  	s3 =	simm.s32 @!p0 $0x1082;
	s9 =	sld [smem:$0x3FB1]  }
0x2f: {  	lr =	sadd.s32 s0, s3;
	s0 =	sld [smem:$0x3FA8]  }
0x30: {  	s3 =	sld [smem:$0x3FAB]  }
0x31: {  	[smem:$0x3FB4] =	sst s10  }
0x32: {  	s10 =	sld [smem:$0x3FB2];
	_ =	sdelay $0x3  }
0x33: {  	p0 =	seq.s32 s10, $0x1;
	s10 =	sld [smem:$0x3FB4];
	_ =	sdelay $0x3  }
0x34: {  	[smem:$0x3FB4] =	sst s10  }
0x35: {  	s10 =	sld [smem:$0x3FB3];
	_ =	sdelay $0x3  }
0x36: {  	p1 =	seq.s32 s10, $0x1;
	s10 =	sld [smem:$0x3FB4];
	_ =	sdelay $0x3  }
0x37: {  	[smem:$0x3FB4] =	sst s10  }
0x38: {  	s10 =	sld [smem:$0x3FB5]  }
0x39: {  	_ = 	snop;
	(pc) =	sbr.ind lr, $3  }
0x3a: {  	_ = 	snop  }
0x3b: {  	_ = 	snop  }
0x3c: {  	p2 =	seq.s32 s10, $0x1;
	s10 =	sld [smem:$0x3FB4]  }
0x3d: {  	_ =	shalt  }
0x3e: {  	_ =	shalt  }
0x3f: {  	_ =	shalt  }
0x40: {  	_ =	shalt  }
0x41: {  	_ =	shalt  }
0x42: {  	_ =	shalt  }
0x43: {  	_ =	shalt  }
0x44: {  	_ =	shalt  }
0x45: {  	_ =	shalt  }
0x46: {  	_ =	shalt  }
0x47: {  	_ =	shalt  }
0x48: {  	_ =	shalt  }
0x49: {  	_ =	shalt  }
0x4a: {  	_ =	shalt  }
0x4b: {  	_ =	shalt  }
0x4c: {  	_ =	shalt  }
0x4d: {  	_ =	shalt  }
0x4e: {  	_ =	shalt  }
0x4f: {  	_ =	shalt  }
0x50: {  	_ =	shalt  }
0x51: {  	_ =	shalt  }
0x52: {  	_ =	shalt  }
0x53: {  	_ =	shalt  }
0x54: {  	_ =	shalt  }
0x55: {  	_ =	shalt  }
0x56: {  	_ =	shalt  }
0x57: {  	_ =	shalt  }
0x58: {  	_ =	shalt  }
0x59: {  	_ =	shalt  }
0x5a: {  	_ =	shalt  }
0x5b: {  	_ =	shalt  }
0x5c: {  	_ =	shalt  }
0x5d: {  	_ =	shalt  }
0x5e: {  	_ =	shalt  }
0x5f: {  	_ =	shalt  }
0x60: {  	_ =	shalt  }
0x61: {  	_ =	shalt  }
0x62: {  	_ =	shalt  }
0x63: {  	_ =	shalt  }
0x64: {  	_ =	shalt  }
0x65: {  	_ =	shalt  }
0x66: {  	_ =	shalt  }
0x67: {  	_ =	shalt  }
0x68: {  	_ =	shalt  }
0x69: {  	_ =	shalt  }
0x6a: {  	_ =	shalt  }
0x6b: {  	_ =	shalt  }
0x6c: {  	_ =	shalt  }
0x6d: {  	_ =	shalt  }
0x6e: {  	_ =	shalt  }
0x6f: {  	_ =	shalt  }
0x70: {  	_ =	shalt  }
0x71: {  	_ =	shalt  }
0x72: {  	_ =	shalt  }
0x73: {  	_ =	shalt  }
0x74: {  	_ =	shalt  }
0x75: {  	_ =	shalt  }
0x76: {  	_ =	shalt  }
0x77: {  	_ =	shalt  }
0x78: {  	_ =	shalt  }
0x79: {  	_ =	shalt  }
0x7a: {  	_ =	shalt  }
0x7b: {  	_ =	shalt  }
0x7c: {  	_ =	shalt  }
0x7d: {  	_ =	shalt  }
0x7e: {  	_ =	shalt  }
0x7f: {  	_ =	shalt  }
0x80: {  	_ =	shalt  }
0x81: {  	_ =	shalt  }
0x82: {  	_ =	shalt  }
0x83: {  	_ =	shalt  }
0x84: {  	_ =	shalt  }
0x85: {  	_ =	shalt  }
0x86: {  	_ =	shalt  }
0x87: {  	_ =	shalt  }
.Lfunc_end0:
.L_simem_size_0:
called_computation.1_lowered:
.L_overlay_start_0:
0x88: {  	s2 =	sld [smem:$0x3FD9]  }
0x89: {  	s3 =	sld [smem:$0x3FFE];
	_ =	sdelay $0x1  }
0x8a: {  	s1 =	srdreg.scid  }
0x8b: {  	s0 =	sand.u32 $0x1, s1  }
0x8c: {  	s17 =	sshll.u32 s0, $0xA;
	s2 =	sadd.s32 s3, s2  }
0x8d: {  	s2 =	sadd.s32 s2, s17  }
0x8e: {  	[smem:$0x3FC0] =	sst s2  }
0x8f: {  	_ = 	snop  }
0x90: {  	s2 =	sld [smem:$0x3FD0];
	(tm) =	ssettm $0x1  }
0x91: {  	s18 =	sld [smem:$0x3FFB];
	_ =	sdelay $0x3  }
0x92: {  	_ =	strace s18  }
0x93: {  	s3 =	sld [smem:$0x3FFC];
	_ =	sdelay $0x3  }
0x94: {  	_ =	strace s3  }
0x95: {  	s3 =	sld [smem:$0x3FFD];
	_ =	sdelay $0x3  }
0x96: {  	_ =	strace s3  }
0x97: {  	_ =	strace $0x8FFFFFFF  }
0x98: {  	s19 =	sld [smem:$0x3FDB];
	_ =	sdelay $0x1  }
0x99: {  	s4 =	simm.s32 $_scs_section_size  }
0x9a: {  	s5 =	simm.s32 $_size__tile_overlayer_lowered;
	s6 =	simm.s32 $_tile_overlayer_lowered  }
0x9b: {  	s22 =	simm.s32 $0x1BFF;
	s21 =	sshll.u32 s6, $0x1;
	s3 =	sadd.s32 s4, s19  }
0x9c: {  	s7 =	simm.s32 $0x0;
	s20 =	sshll.u32 s5, $0x1;
	s5 =	sadd.s32 s21, s3  }
0x9d: {  	[timem:s7], [sflag:s22] =	dma.local [hbm:s5], s20  }
0x9e: {  	_ =	swait.ge [sflag:s22], s20  }
0x9f: {  	s4 =	ssub.s32 $0x0, s20;
	[sflag:s22] =	ssyncset.done $0x0  }
0xa0: {  	[sflag:s22] =	ssyncadd.s32 s4;
	_ =	sdelay $0x1  }
0xa1: {  	s23 =	simm.s32 $0x1B8B  }
0xa2: {  	_ =	swait.ge [sflag:s23], $0x1  }
0xa3: {  	[sflag:s23] =	ssyncset.done $0x0  }
0xa4: {  	s25 =	simm.s32 $0x1B8E;
	s24 =	sld [smem:$0x3FFE];
	[sflag:s23] =	ssyncadd.s32 $0xFFFFFFFF  }
0xa5: {  	s26 =	simm.s32 $execute0_lowered;
	[smem:$0x3FD2] =	sst s25  }
0xa6: {  	s5 =	sshll.u32 s26, $0x1;
	_ =	strace $0x80000046;
	[dreg:$0x1] =	wrdreg $0xFFFFFFFF  }
0xa7: {  	s28 =	simm.s32 $_size_execute0_lowered;
	s3 =	sadd.s32 s3, s5;
	[dreg:$0x0] =	wrdreg $0x0  }
0xa8: {  	s5 =	sshll.u32 s28, $0x1;
	[dreg:$0x2] =	wrdreg s3  }
0xa9: {  	[dreg:$0x3] =	wrdreg s5  }
0xaa: {  	[dreg:$0x4] =	wrdreg $0xC0  }
0xab: {  	_ =	task [dreg:s7], $0x5FFFF  }
0xac: {  	[dreg:$0x1] =	wrdreg $0xFFFFFFFF  }
0xad: {  	[dreg:$0x0] =	wrdreg $0x60  }
0xae: {  	[dreg:$0x2] =	wrdreg s24  }
0xaf: {  	[dreg:$0x3] =	wrdreg s2  }
0xb0: {  	[dreg:$0x4] =	wrdreg $0x8800  }
0xb1: {  	[dreg:$0x5] =	wrdreg $0x9  }
0xb2: {  	_ =	task.clear_ibuf [dreg:s7], $0x6FFFF;
	_ =	strace $0x90000046  }
0xb3: {  	s29 =	simm.s32 $0x9;
	_ =	strace $0x80000048  }
0xb4: {  	_ =	swait.ge [sflag:s29], $0x1  }
0xb5: {  	[sflag:s29] =	ssyncadd.s32 $0xFFFFFFFF  }
0xb6: {  	_ =	strace $0x90000048  }
0xb7: {  	_ =	sfence  }
0xb8: {  	s30 =	sld [smem:$0x0];
	_ =	sdelay $0x2  }
0xb9: {  	s31 =	sshll.u32 s1, $0xD;
	s1 =	sshrl.u32 s1, $0x2  }
0xba: {  	s3 =	sand.u32 $0x4000, s31;
	s1 =	sadd.s32 s1, s30  }
0xbb: {  	s0 =	sor.u32 s3, s0;
	s1 =	sshll.u32 s1, $0x11  }
0xbc: {  	s0 =	sor.u32 s1, s0  }
0xbd: {  	s0 =	sadd.s32 $0x8F2B, s0  }
0xbe: {  	[sflag:s0] =	ssyncadd.remote.s32 $0x1  }
0xbf: {  	_ =	sfence.sel $0xFFFF  }
0xc0: {  	[dreg:$0x0] =	wrdreg $0xFFFFFFFF;
	(pc) =	sbr.abs _section_cstart, $3  }
0xc1: {  	[dreg:$0x1] =	wrdreg $0xFFFFFFFF  }
0xc2: {  	_ =	task.clear_ibuf [dreg:s7], $0x2FFFF;
	_ =	strace $0x9FFFFFFF  }
0xc3: {  	(tm) =	ssettm $0x7FFFFFFF  }
tec
execute0_lowered:
.L_overlay_start_1:
0x0: {  	(tag) =	ssettag $0x1  }
0x1: {  	s0 =	rddreg [dreg:$0x0]  }
0x2: {  	s1 =	rddreg [dreg:$0x1]  }
0x3: {  	s2 =	rddreg [dreg:$0x2]  }
0x4: {  	s3 =	simm.s32 $0x0;
	s12 =	stileid.u32;
	s4 =	srdreg.scid  }
0x5: {  	s13 =	simm.s32 $0x2;
	s14 =	simm.s32 $0x80;
	s15 =	simm.s32 $0x800  }
0x6: {  	s16 =	simm.s32 $0x100;
	s17 =	simm.s32 $0x180;
	s18 =	simm.s32 $0x200  }
0x7: {  	s19 =	simm.s32 $0x280;
	s20 =	simm.s32 $0x300;
	s21 =	simm.s32 $0x380  }
0x8: {  	s22 =	simm.s32 $0x400;
	s28 =	simm.s32 $0x680;
	s29 =	simm.s32 $0x700  }
0x9: {  	s30 =	simm.s32 $0x780;
	s31 =	simm.s32 $0x1;
	s5 =	smul.u32 $0xA00, s12  }
0xa: {  	[smem:$0x7FF] =	sst s3;
	s6 =	smul.u32 $0x280, s12;
	s7 =	sand.u32 $0x1, s4  }
0xb: {  	s11 =	sadd.s32 $0xCA00, s0;
	s26 =	sshll.u32 s12, $0x6;
	_ =	strace $0x80000047  }
0xc: {  	s8 =	ssub.s32 $0x2, s7;
	[dreg:$0x4] =	wrdreg s11;
	p0 =	seq.s32 s7, $0x1  }
0xd: {  	s10 =	sadd.s32 s5, s0;
	s4 =	sshrl.u32 s6, $0x3;
	s23 =	sshrl.u32 s8, $0x1  }
0xe: {  	s6 =	sadd.s32 s6, s2;
	s11 =	sadd.s32 s5, s1;
	s9 =	sadd.s32 s4, s0  }
.Ltmp0:
0xf: {  	s0 =	sadd.s32 $0xD000, s0;
	s24 =	ssub.s32 s8, s23;
	(pc) =	sbr.rel .LBB2_1-.Ltmp0, $4  }
0x10: {  	s10 =	sadd.s32 $0x2400, s10;
	s12 =	sshrl.u32 s6, $0x3;
	s23 =	simm.s32 $0x480  }
0x11: {  	[dreg:$0x5] =	wrdreg s0;
	s25 =	sadd.s32 $0xC400, s9;
	s8 =	smax.u32 s24, $0x1  }
0x12: {  	s9 =	sor.u32 $0x1C02, s26;
	s24 =	simm.s32 $0x500;
	s26 =	simm.s32 $0x600  }
0x13: {  	v0 =	vimm.f32 $1.000000000e+00;
	s0 =	simm.s32 $0x0;
	[dreg:$0x6] =	wrdreg s25;
	s25 =	simm.s32 $0x580  }
.LBB2_7:
0x14: {  	s1 =	sadd.s32 s1, s11;
	[sflag:s31] =	ssyncadd.s32 $0xFFFFFF80  }
0x15: {  	[tilespmem:s3], [sflag:$0x2] =	stream.linear.gather [hbm4b:s1+s3], $0x800, $0x38;
	[tilespmem:$0xB00] =	vst v63  }
0x16: {  	_ =	swait.ge [sflag:s13], $0x800  }
0x17: {  	[sflag:s13] =	ssyncset.done $0x0  }
0x18: {  	[sflag:s13] =	ssyncadd.s32 $0xFFFFF800  }
0x19: {  	[spmem:s2] =	stream.indirect.scatter.add.f32 [tilespmem:s15], [sflag:$0x1], $0x1, s3, s14, $0xb8;
	[tilespmem:$0xB00] =	vst v63  }
0x1a: {  	_ = 	snop  }
0x1b: {  	[spmem:s2] =	stream.indirect.scatter.add.f32 [tilespmem:s15], [sflag:$0x1], $0x1, s14, s14, $0xb8;
	[tilespmem:$0xB00] =	vst v63  }
0x1c: {  	_ = 	snop  }
0x1d: {  	[spmem:s2] =	stream.indirect.scatter.add.f32 [tilespmem:s15], [sflag:$0x1], $0x1, s16, s14, $0xb8;
	[tilespmem:$0xB00] =	vst v63  }
0x1e: {  	_ = 	snop  }
0x1f: {  	[spmem:s2] =	stream.indirect.scatter.add.f32 [tilespmem:s15], [sflag:$0x1], $0x1, s17, s14, $0xb8;
	[tilespmem:$0xB00] =	vst v63  }
0x20: {  	_ = 	snop  }
0x21: {  	[spmem:s2] =	stream.indirect.scatter.add.f32 [tilespmem:s15], [sflag:$0x1], $0x1, s18, s14, $0xb8;
	[tilespmem:$0xB00] =	vst v63  }
0x22: {  	_ = 	snop  }
0x23: {  	[spmem:s2] =	stream.indirect.scatter.add.f32 [tilespmem:s15], [sflag:$0x1], $0x1, s19, s14, $0xb8;
	[tilespmem:$0xB00] =	vst v63  }
0x24: {  	_ = 	snop  }
0x25: {  	[spmem:s2] =	stream.indirect.scatter.add.f32 [tilespmem:s15], [sflag:$0x1], $0x1, s20, s14, $0xb8;
	[tilespmem:$0xB00] =	vst v63  }
0x26: {  	_ = 	snop  }
0x27: {  	[spmem:s2] =	stream.indirect.scatter.add.f32 [tilespmem:s15], [sflag:$0x1], $0x1, s21, s14, $0xb8;
	[tilespmem:$0xB00] =	vst v63  }
0x28: {  	_ = 	snop  }
0x29: {  	[spmem:s2] =	stream.indirect.scatter.add.f32 [tilespmem:s15], [sflag:$0x1], $0x1, s22, s14, $0xb8;
	[tilespmem:$0xB00] =	vst v63  }
0x2a: {  	_ = 	snop  }
0x2b: {  	[spmem:s2] =	stream.indirect.scatter.add.f32 [tilespmem:s15], [sflag:$0x1], $0x1, s23, s14, $0xb8;
	[tilespmem:$0xB00] =	vst v63  }
0x2c: {  	_ = 	snop  }
0x2d: {  	[spmem:s2] =	stream.indirect.scatter.add.f32 [tilespmem:s15], [sflag:$0x1], $0x1, s24, s14, $0xb8;
	[tilespmem:$0xB00] =	vst v63  }
0x2e: {  	_ = 	snop  }
0x2f: {  	[spmem:s2] =	stream.indirect.scatter.add.f32 [tilespmem:s15], [sflag:$0x1], $0x1, s25, s14, $0xb8;
	[tilespmem:$0xB00] =	vst v63  }
0x30: {  	_ = 	snop  }
0x31: {  	[spmem:s2] =	stream.indirect.scatter.add.f32 [tilespmem:s15], [sflag:$0x1], $0x1, s26, s14, $0xb8;
	[tilespmem:$0xB00] =	vst v63  }
0x32: {  	_ = 	snop  }
0x33: {  	[spmem:s2] =	stream.indirect.scatter.add.f32 [tilespmem:s15], [sflag:$0x1], $0x1, s28, s14, $0xb8;
	[tilespmem:$0xB00] =	vst v63  }
0x34: {  	_ = 	snop  }
0x35: {  	[spmem:s2] =	stream.indirect.scatter.add.f32 [tilespmem:s15], [sflag:$0x1], $0x1, s29, s14, $0xb8;
	[tilespmem:$0xB00] =	vst v63  }
0x36: {  	_ = 	snop  }
0x37: {  	[spmem:s2] =	stream.indirect.scatter.add.f32 [tilespmem:s15], [sflag:$0x1], $0x1, s30, s14, $0xb8;
	[tilespmem:$0xB00] =	vst v63  }
0x38: {  	_ =	swait.ge [sflag:s31], $0x80  }
0x39: {  	[sflag:s31] =	ssyncset.done $0x0  }
0x3a: {  	[sflag:s31] =	ssyncadd.s32 $0xFFFFFF80  }
0x3b: {  	_ =	swait.ge [sflag:s31], $0x80  }
0x3c: {  	[sflag:s31] =	ssyncset.done $0x0  }
0x3d: {  	[sflag:s31] =	ssyncadd.s32 $0xFFFFFF80  }
0x3e: {  	_ =	swait.ge [sflag:s31], $0x80  }
0x3f: {  	[sflag:s31] =	ssyncset.done $0x0  }
0x40: {  	[sflag:s31] =	ssyncadd.s32 $0xFFFFFF80  }
0x41: {  	_ =	swait.ge [sflag:s31], $0x80  }
0x42: {  	[sflag:s31] =	ssyncset.done $0x0  }
0x43: {  	[sflag:s31] =	ssyncadd.s32 $0xFFFFFF80  }
0x44: {  	_ =	swait.ge [sflag:s31], $0x80  }
0x45: {  	[sflag:s31] =	ssyncset.done $0x0  }
0x46: {  	[sflag:s31] =	ssyncadd.s32 $0xFFFFFF80  }
0x47: {  	_ =	swait.ge [sflag:s31], $0x80  }
0x48: {  	[sflag:s31] =	ssyncset.done $0x0  }
0x49: {  	[sflag:s31] =	ssyncadd.s32 $0xFFFFFF80  }
0x4a: {  	_ =	swait.ge [sflag:s31], $0x80  }
0x4b: {  	[sflag:s31] =	ssyncset.done $0x0  }
0x4c: {  	[sflag:s31] =	ssyncadd.s32 $0xFFFFFF80  }
0x4d: {  	_ =	swait.ge [sflag:s31], $0x80  }
0x4e: {  	[sflag:s31] =	ssyncset.done $0x0  }
0x4f: {  	[sflag:s31] =	ssyncadd.s32 $0xFFFFFF80  }
0x50: {  	_ =	swait.ge [sflag:s31], $0x80  }
0x51: {  	[sflag:s31] =	ssyncset.done $0x0  }
0x52: {  	[sflag:s31] =	ssyncadd.s32 $0xFFFFFF80  }
0x53: {  	_ =	swait.ge [sflag:s31], $0x80  }
0x54: {  	[sflag:s31] =	ssyncset.done $0x0  }
0x55: {  	[sflag:s31] =	ssyncadd.s32 $0xFFFFFF80  }
0x56: {  	_ =	swait.ge [sflag:s31], $0x80  }
0x57: {  	[sflag:s31] =	ssyncset.done $0x0  }
0x58: {  	[sflag:s31] =	ssyncadd.s32 $0xFFFFFF80  }
0x59: {  	_ =	swait.ge [sflag:s31], $0x80  }
0x5a: {  	[sflag:s31] =	ssyncset.done $0x0  }
0x5b: {  	[sflag:s31] =	ssyncadd.s32 $0xFFFFFF80  }
0x5c: {  	_ =	swait.ge [sflag:s31], $0x80  }
0x5d: {  	[sflag:s31] =	ssyncset.done $0x0  }
0x5e: {  	[sflag:s31] =	ssyncadd.s32 $0xFFFFFF80  }
0x5f: {  	_ =	swait.ge [sflag:s31], $0x80  }
0x60: {  	[sflag:s31] =	ssyncset.done $0x0  }
0x61: {  	[sflag:s31] =	ssyncadd.s32 $0xFFFFFF80  }
0x62: {  	_ =	swait.ge [sflag:s31], $0x80  }
0x63: {  	[sflag:s31] =	ssyncset.done $0x0  }
0x64: {  	[sflag:s31] =	ssyncadd.s32 $0xFFFFFF80  }
0x65: {  	_ =	swait.ge [sflag:s31], $0x80  }
0x66: {  	[sflag:s31] =	ssyncset.done $0x0  }
0x67: {  	s1 =	rddreg [dreg:$0x5];
	[sflag:s31] =	ssyncadd.s32 $0xFFFFFF80  }
.LBB2_8:
0x68: {  	s0 =	sadd.s32 $0x1, s0  }
0x69: {  	p1 =	sne.s32 s0, s8  }
.Ltmp1:
0x6a: {  	s1 =	sadd.s32 s1, s4;
	[bflag:$0x0] =	sbarrier.arrive $0xFFFF;
	(pc) =	sbr.rel @!p1 .LBB2_9-.Ltmp1, $4  }
0x6b: {  	[hbm:s1], [sflag:s9] =	dma.local [spmem:s12], $0x50  }
0x6c: {  	_ =	swait.ge [sflag:s13], $0x50  }
0x6d: {  	[sflag:s13] =	ssyncset.done $0x0  }
0x6e: {  	[sflag:s13] =	ssyncadd.s32 $0xFFFFFFB0  }
.LBB2_1:
0x6f: {  	[tilespmem:$0x800] =	vst v0  }
0x70: {  	[tilespmem:$0x810] =	vst v0  }
0x71: {  	[tilespmem:$0x820] =	vst v0  }
0x72: {  	[tilespmem:$0x830] =	vst v0  }
0x73: {  	[tilespmem:$0x840] =	vst v0  }
0x74: {  	[tilespmem:$0x850] =	vst v0  }
0x75: {  	[tilespmem:$0x860] =	vst v0  }
0x76: {  	[tilespmem:$0x870] =	vst v0;
	s1 =	rddreg [dreg:$0x6]  }
0x77: {  	[spmem:s12], [sflag:s9] =	dma.local [hbm:s1], $0x50  }
.Ltmp2:
0x78: {  	_ =	swait.ge [sflag:s13], $0x50;
	(pc) =	sbr.rel @!p0 .LBB2_2-.Ltmp2, $3  }
0x79: {  	[sflag:s13] =	ssyncset.done $0x0  }
0x7a: {  	[sflag:s13] =	ssyncadd.s32 $0xFFFFFFB0  }
0x7b: {  	[bflag:$0x0] =	sbarrier.arrive $0xFFFF;
	_ =	sdelay $0x1  }
0x7c: {  	s1 =	sadd.s32 $0x0, s11  }
0x7d: {  	[tilespmem:s3], [sflag:$0x2] =	stream.linear.gather [hbm4b:s1+s3], $0x800, $0x38;
	[tilespmem:$0xB00] =	vst v63  }
0x7e: {  	_ =	swait.ge [sflag:s13], $0x800  }
0x7f: {  	[sflag:s13] =	ssyncset.done $0x0  }
0x80: {  	[sflag:s13] =	ssyncadd.s32 $0xFFFFF800  }
0x81: {  	[spmem:s2] =	stream.indirect.scatter.add.f32 [tilespmem:s15], [sflag:$0x1], $0x1, s3, s14, $0xb8;
	[tilespmem:$0xB00] =	vst v63  }
0x82: {  	_ = 	snop  }
0x83: {  	[spmem:s2] =	stream.indirect.scatter.add.f32 [tilespmem:s15], [sflag:$0x1], $0x1, s14, s14, $0xb8;
	[tilespmem:$0xB00] =	vst v63  }
0x84: {  	_ = 	snop  }
0x85: {  	[spmem:s2] =	stream.indirect.scatter.add.f32 [tilespmem:s15], [sflag:$0x1], $0x1, s16, s14, $0xb8;
	[tilespmem:$0xB00] =	vst v63  }
0x86: {  	_ = 	snop  }
0x87: {  	[spmem:s2] =	stream.indirect.scatter.add.f32 [tilespmem:s15], [sflag:$0x1], $0x1, s17, s14, $0xb8;
	[tilespmem:$0xB00] =	vst v63  }
0x88: {  	_ = 	snop  }
0x89: {  	[spmem:s2] =	stream.indirect.scatter.add.f32 [tilespmem:s15], [sflag:$0x1], $0x1, s18, s14, $0xb8;
	[tilespmem:$0xB00] =	vst v63  }
0x8a: {  	_ = 	snop  }
0x8b: {  	[spmem:s2] =	stream.indirect.scatter.add.f32 [tilespmem:s15], [sflag:$0x1], $0x1, s19, s14, $0xb8;
	[tilespmem:$0xB00] =	vst v63  }
0x8c: {  	_ = 	snop  }
0x8d: {  	[spmem:s2] =	stream.indirect.scatter.add.f32 [tilespmem:s15], [sflag:$0x1], $0x1, s20, s14, $0xb8;
	[tilespmem:$0xB00] =	vst v63  }
0x8e: {  	_ = 	snop  }
0x8f: {  	[spmem:s2] =	stream.indirect.scatter.add.f32 [tilespmem:s15], [sflag:$0x1], $0x1, s21, s14, $0xb8;
	[tilespmem:$0xB00] =	vst v63  }
0x90: {  	_ = 	snop  }
0x91: {  	[spmem:s2] =	stream.indirect.scatter.add.f32 [tilespmem:s15], [sflag:$0x1], $0x1, s22, s14, $0xb8;
	[tilespmem:$0xB00] =	vst v63  }
0x92: {  	_ = 	snop  }
0x93: {  	[spmem:s2] =	stream.indirect.scatter.add.f32 [tilespmem:s15], [sflag:$0x1], $0x1, s23, s14, $0xb8;
	[tilespmem:$0xB00] =	vst v63  }
0x94: {  	_ = 	snop  }
0x95: {  	[spmem:s2] =	stream.indirect.scatter.add.f32 [tilespmem:s15], [sflag:$0x1], $0x1, s24, s14, $0xb8;
	[tilespmem:$0xB00] =	vst v63  }
0x96: {  	_ = 	snop  }
0x97: {  	[spmem:s2] =	stream.indirect.scatter.add.f32 [tilespmem:s15], [sflag:$0x1], $0x1, s25, s14, $0xb8;
	[tilespmem:$0xB00] =	vst v63  }
0x98: {  	_ = 	snop  }
0x99: {  	[spmem:s2] =	stream.indirect.scatter.add.f32 [tilespmem:s15], [sflag:$0x1], $0x1, s26, s14, $0xb8;
	[tilespmem:$0xB00] =	vst v63  }
0x9a: {  	_ = 	snop  }
0x9b: {  	[spmem:s2] =	stream.indirect.scatter.add.f32 [tilespmem:s15], [sflag:$0x1], $0x1, s28, s14, $0xb8;
	[tilespmem:$0xB00] =	vst v63  }
0x9c: {  	_ = 	snop  }
0x9d: {  	[spmem:s2] =	stream.indirect.scatter.add.f32 [tilespmem:s15], [sflag:$0x1], $0x1, s29, s14, $0xb8;
	[tilespmem:$0xB00] =	vst v63  }
0x9e: {  	_ = 	snop  }
0x9f: {  	[spmem:s2] =	stream.indirect.scatter.add.f32 [tilespmem:s15], [sflag:$0x1], $0x1, s30, s14, $0xb8;
	[tilespmem:$0xB00] =	vst v63  }
0xa0: {  	_ =	swait.ge [sflag:s31], $0x80  }
0xa1: {  	[sflag:s31] =	ssyncset.done $0x0  }
0xa2: {  	[sflag:s31] =	ssyncadd.s32 $0xFFFFFF80  }
0xa3: {  	_ =	swait.ge [sflag:s31], $0x80  }
0xa4: {  	[sflag:s31] =	ssyncset.done $0x0  }
0xa5: {  	[sflag:s31] =	ssyncadd.s32 $0xFFFFFF80  }
0xa6: {  	_ =	swait.ge [sflag:s31], $0x80  }
0xa7: {  	[sflag:s31] =	ssyncset.done $0x0  }
0xa8: {  	[sflag:s31] =	ssyncadd.s32 $0xFFFFFF80  }
0xa9: {  	_ =	swait.ge [sflag:s31], $0x80  }
0xaa: {  	[sflag:s31] =	ssyncset.done $0x0  }
0xab: {  	[sflag:s31] =	ssyncadd.s32 $0xFFFFFF80  }
0xac: {  	_ =	swait.ge [sflag:s31], $0x80  }
0xad: {  	[sflag:s31] =	ssyncset.done $0x0  }
0xae: {  	[sflag:s31] =	ssyncadd.s32 $0xFFFFFF80  }
0xaf: {  	_ =	swait.ge [sflag:s31], $0x80  }
0xb0: {  	[sflag:s31] =	ssyncset.done $0x0  }
0xb1: {  	[sflag:s31] =	ssyncadd.s32 $0xFFFFFF80  }
0xb2: {  	_ =	swait.ge [sflag:s31], $0x80  }
0xb3: {  	[sflag:s31] =	ssyncset.done $0x0  }
0xb4: {  	[sflag:s31] =	ssyncadd.s32 $0xFFFFFF80  }
0xb5: {  	_ =	swait.ge [sflag:s31], $0x80  }
0xb6: {  	[sflag:s31] =	ssyncset.done $0x0  }
0xb7: {  	[sflag:s31] =	ssyncadd.s32 $0xFFFFFF80  }
0xb8: {  	_ =	swait.ge [sflag:s31], $0x80  }
0xb9: {  	[sflag:s31] =	ssyncset.done $0x0  }
0xba: {  	[sflag:s31] =	ssyncadd.s32 $0xFFFFFF80  }
0xbb: {  	_ =	swait.ge [sflag:s31], $0x80  }
0xbc: {  	[sflag:s31] =	ssyncset.done $0x0  }
0xbd: {  	[sflag:s31] =	ssyncadd.s32 $0xFFFFFF80  }
0xbe: {  	_ =	swait.ge [sflag:s31], $0x80  }
0xbf: {  	[sflag:s31] =	ssyncset.done $0x0  }
0xc0: {  	[sflag:s31] =	ssyncadd.s32 $0xFFFFFF80  }
0xc1: {  	_ =	swait.ge [sflag:s31], $0x80  }
0xc2: {  	[sflag:s31] =	ssyncset.done $0x0  }
0xc3: {  	[sflag:s31] =	ssyncadd.s32 $0xFFFFFF80  }
0xc4: {  	_ =	swait.ge [sflag:s31], $0x80  }
0xc5: {  	[sflag:s31] =	ssyncset.done $0x0  }
0xc6: {  	[sflag:s31] =	ssyncadd.s32 $0xFFFFFF80  }
0xc7: {  	_ =	swait.ge [sflag:s31], $0x80  }
0xc8: {  	[sflag:s31] =	ssyncset.done $0x0  }
0xc9: {  	[sflag:s31] =	ssyncadd.s32 $0xFFFFFF80  }
0xca: {  	_ =	swait.ge [sflag:s31], $0x80  }
0xcb: {  	[sflag:s31] =	ssyncset.done $0x0  }
0xcc: {  	[sflag:s31] =	ssyncadd.s32 $0xFFFFFF80  }
0xcd: {  	_ =	swait.ge [sflag:s31], $0x80  }
0xce: {  	s6 =	simm.s32 $0x200;
	s1 =	simm.s32 $0x100;
	[sflag:s31] =	ssyncset.done $0x0  }
.LBB2_6:
0xcf: {  	s7 =	sadd.s32 s1, s11  }
0xd0: {  	[sflag:s31] =	ssyncadd.s32 $0xFFFFFF80;
	s1 =	smov.u32 s6;
	s5 =	sadd.s32 $0x100, s6  }
0xd1: {  	[tilespmem:s3], [sflag:$0x2] =	stream.linear.gather [hbm4b:s7+s3], $0x800, $0x38;
	[tilespmem:$0xB00] =	vst v63  }
0xd2: {  	p1 =	sne.s32 s6, $0x900;
	_ =	swait.ge [sflag:s13], $0x800  }
0xd3: {  	[sflag:s13] =	ssyncset.done $0x0  }
0xd4: {  	[sflag:s13] =	ssyncadd.s32 $0xFFFFF800  }
0xd5: {  	[spmem:s2] =	stream.indirect.scatter.add.f32 [tilespmem:s15], [sflag:$0x1], $0x1, s3, s14, $0xb8;
	[tilespmem:$0xB00] =	vst v63  }
0xd6: {  	_ = 	snop  }
0xd7: {  	[spmem:s2] =	stream.indirect.scatter.add.f32 [tilespmem:s15], [sflag:$0x1], $0x1, s14, s14, $0xb8;
	[tilespmem:$0xB00] =	vst v63  }
0xd8: {  	_ = 	snop  }
0xd9: {  	[spmem:s2] =	stream.indirect.scatter.add.f32 [tilespmem:s15], [sflag:$0x1], $0x1, s16, s14, $0xb8;
	[tilespmem:$0xB00] =	vst v63  }
0xda: {  	_ = 	snop  }
0xdb: {  	[spmem:s2] =	stream.indirect.scatter.add.f32 [tilespmem:s15], [sflag:$0x1], $0x1, s17, s14, $0xb8;
	[tilespmem:$0xB00] =	vst v63  }
0xdc: {  	_ = 	snop  }
0xdd: {  	[spmem:s2] =	stream.indirect.scatter.add.f32 [tilespmem:s15], [sflag:$0x1], $0x1, s18, s14, $0xb8;
	[tilespmem:$0xB00] =	vst v63  }
0xde: {  	_ = 	snop  }
0xdf: {  	[spmem:s2] =	stream.indirect.scatter.add.f32 [tilespmem:s15], [sflag:$0x1], $0x1, s19, s14, $0xb8;
	[tilespmem:$0xB00] =	vst v63  }
0xe0: {  	_ = 	snop  }
0xe1: {  	[spmem:s2] =	stream.indirect.scatter.add.f32 [tilespmem:s15], [sflag:$0x1], $0x1, s20, s14, $0xb8;
	[tilespmem:$0xB00] =	vst v63  }
0xe2: {  	_ = 	snop  }
0xe3: {  	[spmem:s2] =	stream.indirect.scatter.add.f32 [tilespmem:s15], [sflag:$0x1], $0x1, s21, s14, $0xb8;
	[tilespmem:$0xB00] =	vst v63  }
0xe4: {  	_ = 	snop  }
0xe5: {  	[spmem:s2] =	stream.indirect.scatter.add.f32 [tilespmem:s15], [sflag:$0x1], $0x1, s22, s14, $0xb8;
	[tilespmem:$0xB00] =	vst v63  }
0xe6: {  	_ = 	snop  }
0xe7: {  	[spmem:s2] =	stream.indirect.scatter.add.f32 [tilespmem:s15], [sflag:$0x1], $0x1, s23, s14, $0xb8;
	[tilespmem:$0xB00] =	vst v63  }
0xe8: {  	_ = 	snop  }
0xe9: {  	[spmem:s2] =	stream.indirect.scatter.add.f32 [tilespmem:s15], [sflag:$0x1], $0x1, s24, s14, $0xb8;
	[tilespmem:$0xB00] =	vst v63  }
0xea: {  	_ = 	snop  }
0xeb: {  	[spmem:s2] =	stream.indirect.scatter.add.f32 [tilespmem:s15], [sflag:$0x1], $0x1, s25, s14, $0xb8;
	[tilespmem:$0xB00] =	vst v63  }
0xec: {  	_ = 	snop  }
0xed: {  	[spmem:s2] =	stream.indirect.scatter.add.f32 [tilespmem:s15], [sflag:$0x1], $0x1, s26, s14, $0xb8;
	[tilespmem:$0xB00] =	vst v63  }
0xee: {  	_ = 	snop  }
0xef: {  	[spmem:s2] =	stream.indirect.scatter.add.f32 [tilespmem:s15], [sflag:$0x1], $0x1, s28, s14, $0xb8;
	[tilespmem:$0xB00] =	vst v63  }
0xf0: {  	_ = 	snop  }
0xf1: {  	[spmem:s2] =	stream.indirect.scatter.add.f32 [tilespmem:s15], [sflag:$0x1], $0x1, s29, s14, $0xb8;
	[tilespmem:$0xB00] =	vst v63  }
0xf2: {  	_ = 	snop  }
0xf3: {  	[spmem:s2] =	stream.indirect.scatter.add.f32 [tilespmem:s15], [sflag:$0x1], $0x1, s30, s14, $0xb8;
	[tilespmem:$0xB00] =	vst v63  }
0xf4: {  	_ =	swait.ge [sflag:s31], $0x80  }
0xf5: {  	[sflag:s31] =	ssyncset.done $0x0  }
0xf6: {  	[sflag:s31] =	ssyncadd.s32 $0xFFFFFF80  }
0xf7: {  	_ =	swait.ge [sflag:s31], $0x80  }
0xf8: {  	[sflag:s31] =	ssyncset.done $0x0  }
0xf9: {  	[sflag:s31] =	ssyncadd.s32 $0xFFFFFF80  }
0xfa: {  	_ =	swait.ge [sflag:s31], $0x80  }
0xfb: {  	[sflag:s31] =	ssyncset.done $0x0  }
0xfc: {  	[sflag:s31] =	ssyncadd.s32 $0xFFFFFF80  }
0xfd: {  	_ =	swait.ge [sflag:s31], $0x80  }
0xfe: {  	[sflag:s31] =	ssyncset.done $0x0  }
0xff: {  	[sflag:s31] =	ssyncadd.s32 $0xFFFFFF80  }
0x100: {  	_ =	swait.ge [sflag:s31], $0x80  }
0x101: {  	[sflag:s31] =	ssyncset.done $0x0  }
0x102: {  	[sflag:s31] =	ssyncadd.s32 $0xFFFFFF80  }
0x103: {  	_ =	swait.ge [sflag:s31], $0x80  }
0x104: {  	[sflag:s31] =	ssyncset.done $0x0  }
0x105: {  	[sflag:s31] =	ssyncadd.s32 $0xFFFFFF80  }
0x106: {  	_ =	swait.ge [sflag:s31], $0x80  }
0x107: {  	[sflag:s31] =	ssyncset.done $0x0  }
0x108: {  	[sflag:s31] =	ssyncadd.s32 $0xFFFFFF80  }
0x109: {  	_ =	swait.ge [sflag:s31], $0x80  }
0x10a: {  	[sflag:s31] =	ssyncset.done $0x0  }
0x10b: {  	[sflag:s31] =	ssyncadd.s32 $0xFFFFFF80  }
0x10c: {  	_ =	swait.ge [sflag:s31], $0x80  }
0x10d: {  	[sflag:s31] =	ssyncset.done $0x0  }
0x10e: {  	[sflag:s31] =	ssyncadd.s32 $0xFFFFFF80  }
0x10f: {  	_ =	swait.ge [sflag:s31], $0x80  }
0x110: {  	[sflag:s31] =	ssyncset.done $0x0  }
0x111: {  	[sflag:s31] =	ssyncadd.s32 $0xFFFFFF80  }
0x112: {  	_ =	swait.ge [sflag:s31], $0x80  }
0x113: {  	[sflag:s31] =	ssyncset.done $0x0  }
0x114: {  	[sflag:s31] =	ssyncadd.s32 $0xFFFFFF80  }
0x115: {  	_ =	swait.ge [sflag:s31], $0x80  }
0x116: {  	[sflag:s31] =	ssyncset.done $0x0  }
0x117: {  	[sflag:s31] =	ssyncadd.s32 $0xFFFFFF80  }
0x118: {  	_ =	swait.ge [sflag:s31], $0x80  }
0x119: {  	[sflag:s31] =	ssyncset.done $0x0  }
0x11a: {  	[sflag:s31] =	ssyncadd.s32 $0xFFFFFF80  }
0x11b: {  	_ =	swait.ge [sflag:s31], $0x80  }
0x11c: {  	[sflag:s31] =	ssyncset.done $0x0  }
0x11d: {  	[sflag:s31] =	ssyncadd.s32 $0xFFFFFF80  }
.Ltmp3:
0x11e: {  	_ =	swait.ge [sflag:s31], $0x80;
	(pc) =	sbr.rel @p1 .LBB2_6-.Ltmp3, $4  }
0x11f: {  	[sflag:s31] =	ssyncset.done $0x0  }
0x120: {  	[sflag:s31] =	ssyncadd.s32 $0xFFFFFF80  }
0x121: {  	_ =	swait.ge [sflag:s31], $0x80  }
0x122: {  	s6 =	smov.u32 s5;
	[sflag:s31] =	ssyncset.done $0x0  }
.Ltmp4:
0x123: {  	_ = 	snop;
	(pc) =	sbr.rel .LBB2_7-.Ltmp4, $1  }
0x124: {  	_ =	sdelay $0x3  }
.LBB2_2:
0x125: {  	s1 =	sadd.s32 $0x0, s10  }
0x126: {  	[tilespmem:s3], [sflag:$0x2] =	stream.linear.gather [hbm4b:s1+s3], $0x800, $0x38;
	[tilespmem:$0xB00] =	vst v63  }
0x127: {  	_ =	swait.ge [sflag:s13], $0x800  }
0x128: {  	[sflag:s13] =	ssyncset.done $0x0  }
0x129: {  	[sflag:s13] =	ssyncadd.s32 $0xFFFFF800  }
0x12a: {  	[spmem:s2] =	stream.indirect.scatter.add.f32 [tilespmem:s15], [sflag:$0x1], $0x1, s3, s14, $0xb8;
	[tilespmem:$0xB00] =	vst v63  }
0x12b: {  	_ = 	snop  }
0x12c: {  	[spmem:s2] =	stream.indirect.scatter.add.f32 [tilespmem:s15], [sflag:$0x1], $0x1, s14, s14, $0xb8;
	[tilespmem:$0xB00] =	vst v63  }
0x12d: {  	_ = 	snop  }
0x12e: {  	[spmem:s2] =	stream.indirect.scatter.add.f32 [tilespmem:s15], [sflag:$0x1], $0x1, s16, s14, $0xb8;
	[tilespmem:$0xB00] =	vst v63  }
0x12f: {  	_ = 	snop  }
0x130: {  	[spmem:s2] =	stream.indirect.scatter.add.f32 [tilespmem:s15], [sflag:$0x1], $0x1, s17, s14, $0xb8;
	[tilespmem:$0xB00] =	vst v63  }
0x131: {  	_ = 	snop  }
0x132: {  	[spmem:s2] =	stream.indirect.scatter.add.f32 [tilespmem:s15], [sflag:$0x1], $0x1, s18, s14, $0xb8;
	[tilespmem:$0xB00] =	vst v63  }
0x133: {  	_ = 	snop  }
0x134: {  	[spmem:s2] =	stream.indirect.scatter.add.f32 [tilespmem:s15], [sflag:$0x1], $0x1, s19, s14, $0xb8;
	[tilespmem:$0xB00] =	vst v63  }
0x135: {  	_ = 	snop  }
0x136: {  	[spmem:s2] =	stream.indirect.scatter.add.f32 [tilespmem:s15], [sflag:$0x1], $0x1, s20, s14, $0xb8;
	[tilespmem:$0xB00] =	vst v63  }
0x137: {  	_ = 	snop  }
0x138: {  	[spmem:s2] =	stream.indirect.scatter.add.f32 [tilespmem:s15], [sflag:$0x1], $0x1, s21, s14, $0xb8;
	[tilespmem:$0xB00] =	vst v63  }
0x139: {  	_ = 	snop  }
0x13a: {  	[spmem:s2] =	stream.indirect.scatter.add.f32 [tilespmem:s15], [sflag:$0x1], $0x1, s22, s14, $0xb8;
	[tilespmem:$0xB00] =	vst v63  }
0x13b: {  	_ = 	snop  }
0x13c: {  	[spmem:s2] =	stream.indirect.scatter.add.f32 [tilespmem:s15], [sflag:$0x1], $0x1, s23, s14, $0xb8;
	[tilespmem:$0xB00] =	vst v63  }
0x13d: {  	_ = 	snop  }
0x13e: {  	[spmem:s2] =	stream.indirect.scatter.add.f32 [tilespmem:s15], [sflag:$0x1], $0x1, s24, s14, $0xb8;
	[tilespmem:$0xB00] =	vst v63  }
0x13f: {  	_ = 	snop  }
0x140: {  	[spmem:s2] =	stream.indirect.scatter.add.f32 [tilespmem:s15], [sflag:$0x1], $0x1, s25, s14, $0xb8;
	[tilespmem:$0xB00] =	vst v63  }
0x141: {  	_ = 	snop  }
0x142: {  	[spmem:s2] =	stream.indirect.scatter.add.f32 [tilespmem:s15], [sflag:$0x1], $0x1, s26, s14, $0xb8;
	[tilespmem:$0xB00] =	vst v63  }
0x143: {  	_ = 	snop  }
0x144: {  	[spmem:s2] =	stream.indirect.scatter.add.f32 [tilespmem:s15], [sflag:$0x1], $0x1, s28, s14, $0xb8;
	[tilespmem:$0xB00] =	vst v63  }
0x145: {  	_ = 	snop  }
0x146: {  	[spmem:s2] =	stream.indirect.scatter.add.f32 [tilespmem:s15], [sflag:$0x1], $0x1, s29, s14, $0xb8;
	[tilespmem:$0xB00] =	vst v63  }
0x147: {  	_ = 	snop  }
0x148: {  	[spmem:s2] =	stream.indirect.scatter.add.f32 [tilespmem:s15], [sflag:$0x1], $0x1, s30, s14, $0xb8;
	[tilespmem:$0xB00] =	vst v63  }
0x149: {  	_ =	swait.ge [sflag:s31], $0x80  }
0x14a: {  	[sflag:s31] =	ssyncset.done $0x0  }
0x14b: {  	[sflag:s31] =	ssyncadd.s32 $0xFFFFFF80  }
0x14c: {  	_ =	swait.ge [sflag:s31], $0x80  }
0x14d: {  	[sflag:s31] =	ssyncset.done $0x0  }
0x14e: {  	[sflag:s31] =	ssyncadd.s32 $0xFFFFFF80  }
0x14f: {  	_ =	swait.ge [sflag:s31], $0x80  }
0x150: {  	[sflag:s31] =	ssyncset.done $0x0  }
0x151: {  	[sflag:s31] =	ssyncadd.s32 $0xFFFFFF80  }
0x152: {  	_ =	swait.ge [sflag:s31], $0x80  }
0x153: {  	[sflag:s31] =	ssyncset.done $0x0  }
0x154: {  	[sflag:s31] =	ssyncadd.s32 $0xFFFFFF80  }
0x155: {  	_ =	swait.ge [sflag:s31], $0x80  }
0x156: {  	[sflag:s31] =	ssyncset.done $0x0  }
0x157: {  	[sflag:s31] =	ssyncadd.s32 $0xFFFFFF80  }
0x158: {  	_ =	swait.ge [sflag:s31], $0x80  }
0x159: {  	[sflag:s31] =	ssyncset.done $0x0  }
0x15a: {  	[sflag:s31] =	ssyncadd.s32 $0xFFFFFF80  }
0x15b: {  	_ =	swait.ge [sflag:s31], $0x80  }
0x15c: {  	[sflag:s31] =	ssyncset.done $0x0  }
0x15d: {  	[sflag:s31] =	ssyncadd.s32 $0xFFFFFF80  }
0x15e: {  	_ =	swait.ge [sflag:s31], $0x80  }
0x15f: {  	[sflag:s31] =	ssyncset.done $0x0  }
0x160: {  	[sflag:s31] =	ssyncadd.s32 $0xFFFFFF80  }
0x161: {  	_ =	swait.ge [sflag:s31], $0x80  }
0x162: {  	[sflag:s31] =	ssyncset.done $0x0  }
0x163: {  	[sflag:s31] =	ssyncadd.s32 $0xFFFFFF80  }
0x164: {  	_ =	swait.ge [sflag:s31], $0x80  }
0x165: {  	[sflag:s31] =	ssyncset.done $0x0  }
0x166: {  	[sflag:s31] =	ssyncadd.s32 $0xFFFFFF80  }
0x167: {  	_ =	swait.ge [sflag:s31], $0x80  }
0x168: {  	[sflag:s31] =	ssyncset.done $0x0  }
0x169: {  	[sflag:s31] =	ssyncadd.s32 $0xFFFFFF80  }
0x16a: {  	_ =	swait.ge [sflag:s31], $0x80  }
0x16b: {  	[sflag:s31] =	ssyncset.done $0x0  }
0x16c: {  	[sflag:s31] =	ssyncadd.s32 $0xFFFFFF80  }
0x16d: {  	_ =	swait.ge [sflag:s31], $0x80  }
0x16e: {  	[sflag:s31] =	ssyncset.done $0x0  }
0x16f: {  	[sflag:s31] =	ssyncadd.s32 $0xFFFFFF80  }
0x170: {  	_ =	swait.ge [sflag:s31], $0x80  }
0x171: {  	[sflag:s31] =	ssyncset.done $0x0  }
0x172: {  	[sflag:s31] =	ssyncadd.s32 $0xFFFFFF80  }
0x173: {  	_ =	swait.ge [sflag:s31], $0x80  }
0x174: {  	[sflag:s31] =	ssyncset.done $0x0  }
0x175: {  	[sflag:s31] =	ssyncadd.s32 $0xFFFFFF80  }
0x176: {  	_ =	swait.ge [sflag:s31], $0x80  }
0x177: {  	s5 =	simm.s32 $0x200;
	s1 =	simm.s32 $0x100;
	[sflag:s31] =	ssyncset.done $0x0  }
.LBB2_3:
0x178: {  	s7 =	sadd.s32 s1, s10  }
0x179: {  	[sflag:s31] =	ssyncadd.s32 $0xFFFFFF80;
	s1 =	smov.u32 s5;
	s6 =	sadd.s32 $0x100, s5  }
0x17a: {  	[tilespmem:s3], [sflag:$0x2] =	stream.linear.gather [hbm4b:s7+s3], $0x800, $0x38;
	[tilespmem:$0xB00] =	vst v63  }
0x17b: {  	p1 =	seq.s32 s5, $0x900;
	_ =	swait.ge [sflag:s13], $0x800  }
0x17c: {  	[sflag:s13] =	ssyncset.done $0x0  }
0x17d: {  	[sflag:s13] =	ssyncadd.s32 $0xFFFFF800  }
0x17e: {  	[spmem:s2] =	stream.indirect.scatter.add.f32 [tilespmem:s15], [sflag:$0x1], $0x1, s3, s14, $0xb8;
	[tilespmem:$0xB00] =	vst v63  }
0x17f: {  	_ = 	snop  }
0x180: {  	[spmem:s2] =	stream.indirect.scatter.add.f32 [tilespmem:s15], [sflag:$0x1], $0x1, s14, s14, $0xb8;
	[tilespmem:$0xB00] =	vst v63  }
0x181: {  	_ = 	snop  }
0x182: {  	[spmem:s2] =	stream.indirect.scatter.add.f32 [tilespmem:s15], [sflag:$0x1], $0x1, s16, s14, $0xb8;
	[tilespmem:$0xB00] =	vst v63  }
0x183: {  	_ = 	snop  }
0x184: {  	[spmem:s2] =	stream.indirect.scatter.add.f32 [tilespmem:s15], [sflag:$0x1], $0x1, s17, s14, $0xb8;
	[tilespmem:$0xB00] =	vst v63  }
0x185: {  	_ = 	snop  }
0x186: {  	[spmem:s2] =	stream.indirect.scatter.add.f32 [tilespmem:s15], [sflag:$0x1], $0x1, s18, s14, $0xb8;
	[tilespmem:$0xB00] =	vst v63  }
0x187: {  	_ = 	snop  }
0x188: {  	[spmem:s2] =	stream.indirect.scatter.add.f32 [tilespmem:s15], [sflag:$0x1], $0x1, s19, s14, $0xb8;
	[tilespmem:$0xB00] =	vst v63  }
0x189: {  	_ = 	snop  }
0x18a: {  	[spmem:s2] =	stream.indirect.scatter.add.f32 [tilespmem:s15], [sflag:$0x1], $0x1, s20, s14, $0xb8;
	[tilespmem:$0xB00] =	vst v63  }
0x18b: {  	_ = 	snop  }
0x18c: {  	[spmem:s2] =	stream.indirect.scatter.add.f32 [tilespmem:s15], [sflag:$0x1], $0x1, s21, s14, $0xb8;
	[tilespmem:$0xB00] =	vst v63  }
0x18d: {  	_ = 	snop  }
0x18e: {  	[spmem:s2] =	stream.indirect.scatter.add.f32 [tilespmem:s15], [sflag:$0x1], $0x1, s22, s14, $0xb8;
	[tilespmem:$0xB00] =	vst v63  }
0x18f: {  	_ = 	snop  }
0x190: {  	[spmem:s2] =	stream.indirect.scatter.add.f32 [tilespmem:s15], [sflag:$0x1], $0x1, s23, s14, $0xb8;
	[tilespmem:$0xB00] =	vst v63  }
0x191: {  	_ = 	snop  }
0x192: {  	[spmem:s2] =	stream.indirect.scatter.add.f32 [tilespmem:s15], [sflag:$0x1], $0x1, s24, s14, $0xb8;
	[tilespmem:$0xB00] =	vst v63  }
0x193: {  	_ = 	snop  }
0x194: {  	[spmem:s2] =	stream.indirect.scatter.add.f32 [tilespmem:s15], [sflag:$0x1], $0x1, s25, s14, $0xb8;
	[tilespmem:$0xB00] =	vst v63  }
0x195: {  	_ = 	snop  }
0x196: {  	[spmem:s2] =	stream.indirect.scatter.add.f32 [tilespmem:s15], [sflag:$0x1], $0x1, s26, s14, $0xb8;
	[tilespmem:$0xB00] =	vst v63  }
0x197: {  	_ = 	snop  }
0x198: {  	[spmem:s2] =	stream.indirect.scatter.add.f32 [tilespmem:s15], [sflag:$0x1], $0x1, s28, s14, $0xb8;
	[tilespmem:$0xB00] =	vst v63  }
0x199: {  	_ = 	snop  }
0x19a: {  	[spmem:s2] =	stream.indirect.scatter.add.f32 [tilespmem:s15], [sflag:$0x1], $0x1, s29, s14, $0xb8;
	[tilespmem:$0xB00] =	vst v63  }
0x19b: {  	_ = 	snop  }
0x19c: {  	[spmem:s2] =	stream.indirect.scatter.add.f32 [tilespmem:s15], [sflag:$0x1], $0x1, s30, s14, $0xb8;
	[tilespmem:$0xB00] =	vst v63  }
0x19d: {  	_ =	swait.ge [sflag:s31], $0x80  }
0x19e: {  	[sflag:s31] =	ssyncset.done $0x0  }
0x19f: {  	[sflag:s31] =	ssyncadd.s32 $0xFFFFFF80  }
0x1a0: {  	_ =	swait.ge [sflag:s31], $0x80  }
0x1a1: {  	[sflag:s31] =	ssyncset.done $0x0  }
0x1a2: {  	[sflag:s31] =	ssyncadd.s32 $0xFFFFFF80  }
0x1a3: {  	_ =	swait.ge [sflag:s31], $0x80  }
0x1a4: {  	[sflag:s31] =	ssyncset.done $0x0  }
0x1a5: {  	[sflag:s31] =	ssyncadd.s32 $0xFFFFFF80  }
0x1a6: {  	_ =	swait.ge [sflag:s31], $0x80  }
0x1a7: {  	[sflag:s31] =	ssyncset.done $0x0  }
0x1a8: {  	[sflag:s31] =	ssyncadd.s32 $0xFFFFFF80  }
0x1a9: {  	_ =	swait.ge [sflag:s31], $0x80  }
0x1aa: {  	[sflag:s31] =	ssyncset.done $0x0  }
0x1ab: {  	[sflag:s31] =	ssyncadd.s32 $0xFFFFFF80  }
0x1ac: {  	_ =	swait.ge [sflag:s31], $0x80  }
0x1ad: {  	[sflag:s31] =	ssyncset.done $0x0  }
0x1ae: {  	[sflag:s31] =	ssyncadd.s32 $0xFFFFFF80  }
0x1af: {  	_ =	swait.ge [sflag:s31], $0x80  }
0x1b0: {  	[sflag:s31] =	ssyncset.done $0x0  }
0x1b1: {  	[sflag:s31] =	ssyncadd.s32 $0xFFFFFF80  }
0x1b2: {  	_ =	swait.ge [sflag:s31], $0x80  }
0x1b3: {  	[sflag:s31] =	ssyncset.done $0x0  }
0x1b4: {  	[sflag:s31] =	ssyncadd.s32 $0xFFFFFF80  }
0x1b5: {  	_ =	swait.ge [sflag:s31], $0x80  }
0x1b6: {  	[sflag:s31] =	ssyncset.done $0x0  }
0x1b7: {  	[sflag:s31] =	ssyncadd.s32 $0xFFFFFF80  }
0x1b8: {  	_ =	swait.ge [sflag:s31], $0x80  }
0x1b9: {  	[sflag:s31] =	ssyncset.done $0x0  }
0x1ba: {  	[sflag:s31] =	ssyncadd.s32 $0xFFFFFF80  }
0x1bb: {  	_ =	swait.ge [sflag:s31], $0x80  }
0x1bc: {  	[sflag:s31] =	ssyncset.done $0x0  }
0x1bd: {  	[sflag:s31] =	ssyncadd.s32 $0xFFFFFF80  }
0x1be: {  	_ =	swait.ge [sflag:s31], $0x80  }
0x1bf: {  	[sflag:s31] =	ssyncset.done $0x0  }
0x1c0: {  	[sflag:s31] =	ssyncadd.s32 $0xFFFFFF80  }
0x1c1: {  	_ =	swait.ge [sflag:s31], $0x80  }
0x1c2: {  	[sflag:s31] =	ssyncset.done $0x0  }
0x1c3: {  	[sflag:s31] =	ssyncadd.s32 $0xFFFFFF80  }
0x1c4: {  	_ =	swait.ge [sflag:s31], $0x80  }
0x1c5: {  	[sflag:s31] =	ssyncset.done $0x0  }
0x1c6: {  	[sflag:s31] =	ssyncadd.s32 $0xFFFFFF80  }
.Ltmp5:
0x1c7: {  	_ =	swait.ge [sflag:s31], $0x80;
	(pc) =	sbr.rel @!p1 .LBB2_3-.Ltmp5, $4  }
0x1c8: {  	[sflag:s31] =	ssyncset.done $0x0  }
0x1c9: {  	[sflag:s31] =	ssyncadd.s32 $0xFFFFFF80  }
0x1ca: {  	_ =	swait.ge [sflag:s31], $0x80  }
0x1cb: {  	s5 =	smov.u32 s6;
	[sflag:s31] =	ssyncset.done $0x0  }
0x1cc: {  	s1 =	sadd.s32 s1, s10;
	[sflag:s31] =	ssyncadd.s32 $0xFFFFFF80  }
0x1cd: {  	[tilespmem:s3], [sflag:$0x2] =	stream.linear.gather [hbm4b:s1+s3], $0x800, $0x38;
	[tilespmem:$0xB00] =	vst v63  }
0x1ce: {  	_ =	swait.ge [sflag:s13], $0x800  }
0x1cf: {  	[sflag:s13] =	ssyncset.done $0x0  }
0x1d0: {  	[sflag:s13] =	ssyncadd.s32 $0xFFFFF800  }
0x1d1: {  	[spmem:s2] =	stream.indirect.scatter.add.f32 [tilespmem:s15], [sflag:$0x1], $0x1, s3, s14, $0xb8;
	[tilespmem:$0xB00] =	vst v63  }
0x1d2: {  	_ = 	snop  }
0x1d3: {  	[spmem:s2] =	stream.indirect.scatter.add.f32 [tilespmem:s15], [sflag:$0x1], $0x1, s14, s14, $0xb8;
	[tilespmem:$0xB00] =	vst v63  }
0x1d4: {  	_ = 	snop  }
0x1d5: {  	[spmem:s2] =	stream.indirect.scatter.add.f32 [tilespmem:s15], [sflag:$0x1], $0x1, s16, s14, $0xb8;
	[tilespmem:$0xB00] =	vst v63  }
0x1d6: {  	_ = 	snop  }
0x1d7: {  	[spmem:s2] =	stream.indirect.scatter.add.f32 [tilespmem:s15], [sflag:$0x1], $0x1, s17, s14, $0xb8;
	[tilespmem:$0xB00] =	vst v63  }
0x1d8: {  	_ = 	snop  }
0x1d9: {  	[spmem:s2] =	stream.indirect.scatter.add.f32 [tilespmem:s15], [sflag:$0x1], $0x1, s18, s14, $0xb8;
	[tilespmem:$0xB00] =	vst v63  }
0x1da: {  	_ = 	snop  }
0x1db: {  	[spmem:s2] =	stream.indirect.scatter.add.f32 [tilespmem:s15], [sflag:$0x1], $0x1, s19, s14, $0xb8;
	[tilespmem:$0xB00] =	vst v63  }
0x1dc: {  	_ = 	snop  }
0x1dd: {  	[spmem:s2] =	stream.indirect.scatter.add.f32 [tilespmem:s15], [sflag:$0x1], $0x1, s20, s14, $0xb8;
	[tilespmem:$0xB00] =	vst v63  }
0x1de: {  	_ = 	snop  }
0x1df: {  	[spmem:s2] =	stream.indirect.scatter.add.f32 [tilespmem:s15], [sflag:$0x1], $0x1, s21, s14, $0xb8;
	[tilespmem:$0xB00] =	vst v63  }
0x1e0: {  	_ = 	snop  }
0x1e1: {  	[spmem:s2] =	stream.indirect.scatter.add.f32 [tilespmem:s15], [sflag:$0x1], $0x1, s22, s14, $0xb8;
	[tilespmem:$0xB00] =	vst v63  }
0x1e2: {  	_ = 	snop  }
0x1e3: {  	[spmem:s2] =	stream.indirect.scatter.add.f32 [tilespmem:s15], [sflag:$0x1], $0x1, s23, s14, $0xb8;
	[tilespmem:$0xB00] =	vst v63  }
0x1e4: {  	_ = 	snop  }
0x1e5: {  	[spmem:s2] =	stream.indirect.scatter.add.f32 [tilespmem:s15], [sflag:$0x1], $0x1, s24, s14, $0xb8;
	[tilespmem:$0xB00] =	vst v63  }
0x1e6: {  	_ = 	snop  }
0x1e7: {  	[spmem:s2] =	stream.indirect.scatter.add.f32 [tilespmem:s15], [sflag:$0x1], $0x1, s25, s14, $0xb8;
	[tilespmem:$0xB00] =	vst v63  }
0x1e8: {  	_ = 	snop  }
0x1e9: {  	[spmem:s2] =	stream.indirect.scatter.add.f32 [tilespmem:s15], [sflag:$0x1], $0x1, s26, s14, $0xb8;
	[tilespmem:$0xB00] =	vst v63  }
0x1ea: {  	_ = 	snop  }
0x1eb: {  	[spmem:s2] =	stream.indirect.scatter.add.f32 [tilespmem:s15], [sflag:$0x1], $0x1, s28, s14, $0xb8;
	[tilespmem:$0xB00] =	vst v63  }
0x1ec: {  	_ = 	snop  }
0x1ed: {  	[spmem:s2] =	stream.indirect.scatter.add.f32 [tilespmem:s15], [sflag:$0x1], $0x1, s29, s14, $0xb8;
	[tilespmem:$0xB00] =	vst v63  }
0x1ee: {  	_ = 	snop  }
0x1ef: {  	[spmem:s2] =	stream.indirect.scatter.add.f32 [tilespmem:s15], [sflag:$0x1], $0x1, s30, s14, $0xb8;
	[tilespmem:$0xB00] =	vst v63  }
0x1f0: {  	_ =	swait.ge [sflag:s31], $0x80  }
0x1f1: {  	[sflag:s31] =	ssyncset.done $0x0  }
0x1f2: {  	[sflag:s31] =	ssyncadd.s32 $0xFFFFFF80  }
0x1f3: {  	_ =	swait.ge [sflag:s31], $0x80  }
0x1f4: {  	[sflag:s31] =	ssyncset.done $0x0  }
0x1f5: {  	[sflag:s31] =	ssyncadd.s32 $0xFFFFFF80  }
0x1f6: {  	_ =	swait.ge [sflag:s31], $0x80  }
0x1f7: {  	[sflag:s31] =	ssyncset.done $0x0  }
0x1f8: {  	[sflag:s31] =	ssyncadd.s32 $0xFFFFFF80  }
0x1f9: {  	_ =	swait.ge [sflag:s31], $0x80  }
0x1fa: {  	[sflag:s31] =	ssyncset.done $0x0  }
0x1fb: {  	[sflag:s31] =	ssyncadd.s32 $0xFFFFFF80  }
0x1fc: {  	_ =	swait.ge [sflag:s31], $0x80  }
0x1fd: {  	[sflag:s31] =	ssyncset.done $0x0  }
0x1fe: {  	[sflag:s31] =	ssyncadd.s32 $0xFFFFFF80  }
0x1ff: {  	_ =	swait.ge [sflag:s31], $0x80  }
0x200: {  	[sflag:s31] =	ssyncset.done $0x0  }
0x201: {  	[sflag:s31] =	ssyncadd.s32 $0xFFFFFF80  }
0x202: {  	_ =	swait.ge [sflag:s31], $0x80  }
0x203: {  	[sflag:s31] =	ssyncset.done $0x0  }
0x204: {  	[sflag:s31] =	ssyncadd.s32 $0xFFFFFF80  }
0x205: {  	_ =	swait.ge [sflag:s31], $0x80  }
0x206: {  	[sflag:s31] =	ssyncset.done $0x0  }
0x207: {  	[sflag:s31] =	ssyncadd.s32 $0xFFFFFF80  }
0x208: {  	_ =	swait.ge [sflag:s31], $0x80  }
0x209: {  	[sflag:s31] =	ssyncset.done $0x0  }
0x20a: {  	[sflag:s31] =	ssyncadd.s32 $0xFFFFFF80  }
0x20b: {  	_ =	swait.ge [sflag:s31], $0x80  }
0x20c: {  	[sflag:s31] =	ssyncset.done $0x0  }
0x20d: {  	[sflag:s31] =	ssyncadd.s32 $0xFFFFFF80  }
0x20e: {  	_ =	swait.ge [sflag:s31], $0x80  }
0x20f: {  	[sflag:s31] =	ssyncset.done $0x0  }
0x210: {  	[sflag:s31] =	ssyncadd.s32 $0xFFFFFF80  }
0x211: {  	_ =	swait.ge [sflag:s31], $0x80  }
0x212: {  	[sflag:s31] =	ssyncset.done $0x0  }
0x213: {  	[sflag:s31] =	ssyncadd.s32 $0xFFFFFF80  }
0x214: {  	_ =	swait.ge [sflag:s31], $0x80  }
0x215: {  	[sflag:s31] =	ssyncset.done $0x0  }
0x216: {  	[sflag:s31] =	ssyncadd.s32 $0xFFFFFF80  }
0x217: {  	_ =	swait.ge [sflag:s31], $0x80  }
0x218: {  	[sflag:s31] =	ssyncset.done $0x0  }
0x219: {  	[sflag:s31] =	ssyncadd.s32 $0xFFFFFF80  }
0x21a: {  	_ =	swait.ge [sflag:s31], $0x80  }
.Ltmp6:
0x21b: {  	[sflag:s31] =	ssyncset.done $0x0;
	(pc) =	sbr.rel .LBB2_8-.Ltmp6, $4  }
0x21c: {  	[sflag:s31] =	ssyncadd.s32 $0xFFFFFF80  }
0x21d: {  	_ =	swait.ge [sflag:s31], $0x80  }
0x21e: {  	[sflag:s31] =	ssyncset.done $0x0  }
0x21f: {  	s1 =	rddreg [dreg:$0x4];
	[sflag:s31] =	ssyncadd.s32 $0xFFFFFF80  }
.LBB2_9:
0x220: {  	_ =	sfence.sel $0x180000  }
0x221: {  	[bflag:$0x0] =	sbarrier.arrive $0xFFFF  }
0x222: {  	_ =	strace $0x90000047  }
0x223: {  	s0 =	stileid.u32;
	[bflag:$0x2] =	sbarrier.arrive $0xFFFF  }
0x224: {  	p0 =	sne.s32 s0, $0x0;
	s0 =	rddreg [dreg:$0x3]  }
0x225: {  	s0 =	sadd.s32 @!p0 $0x100000, s0  }
0x226: {  	[sflag:s0] =	ssyncadd.tile.s32 @!p0 $0x1;
	_ =	shalt  }
.Lfunc_end2:
_tile_overlayer_lowered:
.L_overlay_start_2:
0x227: {  	(tag) =	ssettag $0x2  }
0x228: {  	s0 =	rddreg [dreg:$0x0];
	s2 =	stileid.u32  }
0x229: {  	s1 =	rddreg [dreg:$0x1];
	p0 =	sne.s32 s2, $0x0  }
0x22a: {  	s3 =	rddreg [dreg:$0x2];
	[bflag:$0x3] =	sbarrier.arrive $0xFFFF;
	s2 =	simm.s32 @!p0 $0x1C02  }
0x22b: {  	[timem:s3], [sflag:s2] =	dma.local @!p0 [hbm:s0], s1  }
0x22c: {  	s0 =	simm.s32 @!p0 $0x2  }
0x22d: {  	_ =	swait.ge @!p0 [sflag:s0], s1  }
0x22e: {  	s1 =	ssub.s32 @!p0 $0x0, s1;
	[sflag:s0] =	ssyncset.done @!p0 $0x0  }
0x22f: {  	[sflag:s0] =	ssyncadd.s32 @!p0 s1  }
0x230: {  	[bflag:$0x3] =	sbarrier.arrive $0xFFFF  }
0x231: {  	_ =	shalt  }

</sc_bundles>
